<compile_context>
chip_gen: v7x
topology: tpu7x:2x2x1
jax: 0.10.2.dev20260603
libtpu: 0.0.44.dev20260713+nightly
codegen_flags: <defaults>
</compile_context>

<pallas_src>
import functools

import jax
import jax.numpy as jnp
from jax import lax
from jax.experimental import pallas as pl
from jax.experimental.pallas import tpu as pltpu
from jax.experimental.pallas import tpu_sc as plsc

N, P, C, S = 8, 12000, 64, 256
CW = 128
PS = S + 2
PIX = PS * PS
ZLEN = 66576
DUMP0 = 66592
BSTRIDE = 66672
IMSZ = 66576
SENT = 66568
NPASS = 4
L = 16
ZCH = 112
ZPT = 9512
NZCH = 84
ZTAIL = ZPT - NZCH * ZCH
NH = 4
FCH = 96
HC = 32
MROW = HC * PS
NB = S // HC
XR = 8784


def _sc_build(h0, tok_hbm, rows_hbm, cols_hbm, feats_hbm, out_hbm,
              zbuf, r_ref, c_ref, idxmap, fbuf, dl_ref, sem0, semf):
  del tok_hbm
  cid = lax.axis_index("c")
  sid = lax.axis_index("s")
  iota = lax.iota(jnp.int32, L)
  owner = sid < 2

  def _pix(i_base):
    rv = r_ref[pl.ds(i_base, L)]
    cv = c_ref[pl.ds(i_base, L)]
    valid = (rv >= 0) & (rv < S) & (cv >= 0) & (cv < S)
    q = jnp.where(valid, (rv + 1) * PS + (cv + 1), SENT)
    return q, valid

  @pl.when(jnp.logical_not(owner))
  def _zero_fill():
    zeros16 = jnp.zeros((L,), jnp.float32)

    def zb(r, _):
      for k in range(CW // L):
        zbuf[r, pl.ds(k * L, L)] = zeros16
      return 0
    lax.fori_loop(0, ZCH, zb, 0)

    j = sid - 2
    zn = cid * 2 + j // 7
    zbase = zn * BSTRIDE + (j % 7) * ZPT

    def zf(k, _):
      d0 = out_hbm.at[pl.ds(zbase + (2 * k) * ZCH, ZCH)]
      d1 = out_hbm.at[pl.ds(zbase + (2 * k + 1) * ZCH, ZCH)]
      a = pltpu.async_copy(zbuf, d0, sem0.at[0])
      b = pltpu.async_copy(zbuf, d1, sem0.at[1])
      a.wait()
      b.wait()
      return 0
    lax.fori_loop(0, NZCH // 2, zf, 0)
    pltpu.sync_copy(zbuf.at[pl.ds(0, ZTAIL)],
                    out_hbm.at[pl.ds(zbase + NZCH * ZCH, ZTAIL)])

  @pl.when(owner)
  def _winners():
    nn = h0 + cid * 2 + sid
    pltpu.sync_copy(rows_hbm.at[pl.ds(nn * P, P)], r_ref)
    pltpu.sync_copy(cols_hbm.at[pl.ds(nn * P, P)], c_ref)
    neg1 = jnp.full((L,), -1, jnp.int32)

    def ms(i, _):
      idxmap[pl.ds(i * L, L)] = neg1
      return 0
    lax.fori_loop(0, IMSZ // L, ms, 0)

    def p1(i, _):
      q, _v = _pix(i * L)
      plsc.store_scatter(idxmap, [q], iota + i * L)
      return 0
    lax.fori_loop(0, P // L, p1, 0)

    def pk(i, _):
      q, _v = _pix(i * L)
      pv = iota + i * L
      cur = plsc.load_gather(idxmap, [q])
      plsc.store_scatter(idxmap, [q], pv, mask=pv > cur)
      return 0
    for _ in range(NPASS - 1):
      lax.fori_loop(0, P // L, pk, 0)

  plsc.subcore_barrier()

  @pl.when(owner)
  def _scatter_rows():
    nn = h0 + cid * 2 + sid
    base_out = (cid * 2 + sid) * BSTRIDE
    NCH = P // FCH

    def fin(j, slot):
      return pltpu.make_async_copy(
          feats_hbm.at[pl.ds(nn * P + j * FCH, FCH)], fbuf.at[slot], semf.at[slot])

    def fout(j, slot):
      return pltpu.make_async_copy(
          fbuf.at[slot], out_hbm.at[dl_ref.at[slot]], sem0.at[slot])

    fin(0, 0).start()

    def ch(j, _):
      slot = lax.rem(j, 2)
      nxt = 1 - slot
      fin(j, slot).wait()
      for i in range(FCH // L):
        q, valid = _pix(j * FCH + i * L)
        pv = iota + (j * FCH + i * L)
        cur = plsc.load_gather(idxmap, [q])
        win = valid & (cur == pv)
        dest = jnp.where(win, base_out + q, base_out + DUMP0 + (pv & 63))
        dl_ref[slot, pl.ds(i * L, L)] = dest

      @pl.when(j > 0)
      def _():
        fout(j - 1, nxt).wait()

      @pl.when(j < NCH - 1)
      def _():
        fin(j + 1, nxt).start()
      fout(j, slot).start()
      return 0
    lax.fori_loop(0, NCH, ch, 0)
    fout(NCH - 1, lax.rem(NCH - 1, 2)).wait()


def _build_pseudo(h0, tok, rows2, cols2, feats128):
  f = pl.kernel(
      functools.partial(_sc_build, h0),
      out_type=jax.ShapeDtypeStruct((NH * BSTRIDE, CW), jnp.float32),
      mesh=plsc.VectorSubcoreMesh(core_axis_name="c", subcore_axis_name="s",
                                  num_cores=2, num_subcores=16),
      scratch_types=[
          pltpu.VMEM((ZCH, CW), jnp.float32),
          pltpu.VMEM((P,), jnp.int32),
          pltpu.VMEM((P,), jnp.int32),
          pltpu.VMEM((IMSZ,), jnp.int32),
          pltpu.VMEM((2, FCH, CW), jnp.float32),
          pltpu.VMEM((2, FCH), jnp.int32),
          pltpu.SemaphoreType.DMA((2,)),
          pltpu.SemaphoreType.DMA((2,)),
      ],
      compiler_params=pltpu.CompilerParams(needs_layout_passes=False),
  )
  return f(tok, rows2, cols2, feats128)


def _tc_conv(ps_ref, w_ref, bb_ref, wh_ref, bh_ref, out_ref, xb, xbh, sem):
  n = pl.program_id(0)
  rb = pl.program_id(1)
  g = n * NB + rb
  slot = lax.rem(g, 2)
  nxt = 1 - slot

  def stage(gg, ss):
    nn2 = gg // NB
    rb2 = gg - nn2 * NB
    b2 = nn2 * BSTRIDE + rb2 * HC * PS
    return pltpu.make_async_copy(ps_ref.at[pl.ds(b2, XR)],
                                 xb.at[ss, pl.ds(0, XR)], sem.at[ss])

  @pl.when(g == 0)
  def _():
    stage(0, 0).start()

  @pl.when(g + 1 < NH * NB)
  def _():
    stage(g + 1, nxt).start()
  stage(g, slot).wait()

  for t in range(6):
    tb = t * (XR // 6)
    for dx in range(3):
      xbh[pl.ds(tb, XR // 6), pl.ds(dx * C, C)] = (
          xb[slot, pl.ds(tb + dx, XR // 6), pl.ds(0, C)]
          .astype(jnp.bfloat16))

  bb = bb_ref[:].reshape(1, C)
  bh = bh_ref[0]
  acc = jnp.zeros((MROW, C), jnp.float32)
  for dy in range(3):
    x = xbh[pl.ds(dy * PS, MROW), :]
    acc = acc + lax.dot_general(x, w_ref[dy], (((1,), (0,)), ((), ())),
                                preferred_element_type=jnp.float32)
  y = jnp.maximum(acc + bb, 0.0)
  z = lax.dot_general(y, wh_ref[:], (((1,), (0,)), ((), ())),
                      preferred_element_type=jnp.float32)
  out_ref[0, 0, :, :] = z.reshape(HC, PS) + bh


def _conv(pseudo, w9, bb, wh2, bh1):
  return pl.pallas_call(
      _tc_conv,
      grid=(NH, NB),
      in_specs=[
          pl.BlockSpec(memory_space=pl.ANY),
          pl.BlockSpec((3, 2 * CW, C), lambda n, rb: (0, 0, 0)),
          pl.BlockSpec((C,), lambda n, rb: (0,)),
          pl.BlockSpec((C, 1), lambda n, rb: (0, 0)),
          pl.BlockSpec((1,), lambda n, rb: (0,)),
      ],
      out_specs=pl.BlockSpec((1, 1, HC, PS), lambda n, rb: (n, rb, 0, 0)),
      out_shape=jax.ShapeDtypeStruct((NH, NB, HC, PS), jnp.float32),
      scratch_shapes=[
          pltpu.VMEM((2, XR + 8, CW), jnp.float32),
          pltpu.VMEM((XR, 2 * CW), jnp.bfloat16),
          pltpu.SemaphoreType.DMA((2,)),
      ],
  )(pseudo, w9, bb, wh2, bh1)


def kernel(pn_feats, pillar_pixels, W_b, b_b, W_h, b_h):
  rows2 = pillar_pixels[..., 0].astype(jnp.int32).reshape(N * P)
  cols2 = pillar_pixels[..., 1].astype(jnp.int32).reshape(N * P)
  feats128 = jnp.pad(pn_feats.reshape(N * P, C), ((0, 0), (0, CW - C)))
  w9 = jnp.transpose(W_b, (2, 3, 1, 0)).reshape(3, 3 * C, C)
  w9 = jnp.pad(w9, ((0, 0), (0, 2 * CW - 3 * C), (0, 0))).astype(jnp.bfloat16)
  wh2 = W_h.reshape(C, 1)
  bh1 = b_h.reshape(1)
  bbf = b_b.astype(jnp.float32)
  psa = _build_pseudo(0, rows2[:8], rows2, cols2, feats128)
  psb = _build_pseudo(NH, lax.slice(psa, (0, 0), (8, CW))[:, 0],
                      rows2, cols2, feats128)
  outa = _conv(psa, w9, bbf, wh2, bh1)
  outb = _conv(psb, w9, bbf, wh2, bh1)
  outp = jnp.concatenate([outa, outb], axis=0)
  return outp[:, :, :, :S].reshape(N, S, S)

# --- scband reference (transcript-rebuilt; emitter-appended) ---
"""Pipeline reference for scband-predictor-76158360093358 (READ-ONLY COPY).

The authoritative reference and input builder live on the scoring server;
editing this copy changes nothing except your own understanding.
"""

import jax, jax.numpy as jnp
import numpy as np

SIDE = 256


def setup_inputs(seed: int = 0) -> dict:
    key = jax.random.key(seed)
    k1, k2, k3, k4 = [jax.random.fold_in(key, i) for i in range(4)]
    N, P, C = 8, 12000, 64
    pn_feats = jax.random.normal(k1, (N, P, C), dtype=jnp.float32)
    pillar_pixels = jax.random.randint(k2, (N, P, 2), 0, SIDE, dtype=jnp.int32)
    W_b = jax.random.normal(k3, (C, C, 3, 3), dtype=jnp.float32) * 0.05
    b_b = jnp.zeros((C,), dtype=jnp.float32)
    W_h = jax.random.normal(k4, (1, C, 1, 1), dtype=jnp.float32) * 0.05
    b_h = jnp.zeros((1,), dtype=jnp.float32)
    return {"pn_feats": pn_feats, "pillar_pixels": pillar_pixels,
            "W_b": W_b, "b_b": b_b, "W_h": W_h, "b_h": b_h}


def reference(pn_feats, pillar_pixels, W_b, b_b, W_h, b_h):
    N, P, C = pn_feats.shape
    rows = pillar_pixels[..., 0].reshape(-1)
    cols = pillar_pixels[..., 1].reshape(-1)
    batch_idxs = jnp.repeat(jnp.arange(N, dtype=rows.dtype), P)
    # mask out padded pillars (rows == -1) via fixed-shape masked scatter:
    # invalid entries get an out-of-bounds batch index and are dropped.
    mask = rows != -1
    b = jnp.where(mask, batch_idxs, jnp.asarray(N, dtype=rows.dtype))
    vals = pn_feats.reshape(-1, C)
    # scatter-overwrite into pseudo image [N, C, S, S]
    pseudo = jnp.zeros((N, C, SIDE, SIDE), dtype=pn_feats.dtype)
    pseudo = pseudo.at[b, :, rows, cols].set(vals, mode='drop')
    # backbone: 3x3 conv + relu (NCHW / OIHW)
    x = jax.lax.conv_general_dilated(pseudo, W_b, (1, 1), 'SAME')
    x = jax.nn.relu(x + b_b[None, :, None, None])
    # head: 1x1 conv -> 1 channel, then squeeze(1)
    preds = jax.lax.conv_general_dilated(x, W_h, (1, 1), 'SAME') + b_h[None, :, None, None]
    return preds.squeeze(1)

if __name__ == "__main__":
    import jax
    _d = setup_inputs()
    print(jax.jit(kernel)(*tuple(_d.values())))

</pallas_src>

<mosaic_0001>
#map = affine_map<(d0, d1) -> (0)>
#map1 = affine_map<(d0, d1) -> (0, 0)>
module attributes {stable_mosaic.version = 14 : i64} {
  func.func @_sc_build(%arg0: i32, %arg1: i32, %arg2: memref<8xi32, #tpu.memory_space<hbm>>, %arg3: memref<96000xi32, #tpu.memory_space<hbm>>, %arg4: memref<96000xi32, #tpu.memory_space<hbm>>, %arg5: memref<96000x128xf32, #tpu.memory_space<hbm>>, %arg6: memref<266688x128xf32, #tpu.memory_space<hbm>>, %arg7: memref<112x128xf32, #tpu.memory_space<vmem>>, %arg8: memref<12000xi32, #tpu.memory_space<vmem>>, %arg9: memref<12000xi32, #tpu.memory_space<vmem>>, %arg10: memref<66576xi32, #tpu.memory_space<vmem>>, %arg11: memref<2x96x128xf32, #tpu.memory_space<vmem>>, %arg12: memref<2x96xi32, #tpu.memory_space<vmem>>, %arg13: memref<2x!tpu.dma_semaphore, #tpu.memory_space<semaphore_mem>>, %arg14: memref<2x!tpu.dma_semaphore, #tpu.memory_space<semaphore_mem>>) attributes {dimension_semantics = [#tpu.dimension_semantics<core_parallel>, #tpu.dimension_semantics<subcore_parallel>], iteration_bounds = array<i64: 2, 16>, scalar_prefetch = 0 : i64, scratch_operands = 8 : i64, tpu.core_type = #tpu.core_type<sc_vector_subcore>, window_params = [{transform_indices = #map}, {transform_indices = #map}, {transform_indices = #map}, {transform_indices = #map1}, {transform_indices = #map1}]} {
    %iota3A = tpu.iota {dimensions = array<i32: 0>} : vector<16xi32>
    %lt3A = arith.constant 2 : i32
    %lt3A_0 = arith.cmpi slt, %arg1, %lt3A : i32
    %not3A = arith.constant true
    %not3A_1 = arith.xori %lt3A_0, %not3A : i1
    %convert_element_type3A = arith.extui %not3A_1 : i1 to i32
    %cond3A = arith.constant 0 : i32
    %cond3A_2 = arith.cmpi ne, %convert_element_type3A, %cond3A : i32
    scf.if %cond3A_2 {
      %broadcast_in_dim3A = arith.constant 0.000000e+00 : f32
      %broadcast_in_dim3A_9 = vector.broadcast %broadcast_in_dim3A : f32 to vector<16xf32>
      %scan3A = arith.constant 0 : i32
      %scan3A_10 = arith.constant 0 : i32
      %scan3A_11 = arith.constant 112 : i32
      %scan3A_12 = arith.addi %scan3A_10, %scan3A_11 : i32
      %scan3A_13 = arith.constant 1 : i32
      %scan3A_14 = scf.for %scan3A_64 = %scan3A_10 to %scan3A_12 step %scan3A_13 iter_args(%scan3A_65 = %scan3A) -> (i32)  : i32 {
        %swap3A = arith.index_cast %scan3A_64 : i32 to index
        %swap3A_66 = arith.constant 0 : index
        %swap3A_67 = tpu.vector_load %arg7[%swap3A, %swap3A_66] {strides = array<i32>} : memref<112x128xf32, #tpu.memory_space<vmem>>, vector<16xf32>,
        tpu.vector_store %arg7[%swap3A, %swap3A_66], %broadcast_in_dim3A_9 {strides = array<i32>} : memref<112x128xf32, #tpu.memory_space<vmem>>, vector<16xf32>,
        %swap3A_68 = arith.index_cast %scan3A_64 : i32 to index
        %swap3A_69 = arith.constant 16 : index
        %swap3A_70 = tpu.vector_load %arg7[%swap3A_68, %swap3A_69] {strides = array<i32>} : memref<112x128xf32, #tpu.memory_space<vmem>>, vector<16xf32>,
        tpu.vector_store %arg7[%swap3A_68, %swap3A_69], %broadcast_in_dim3A_9 {strides = array<i32>} : memref<112x128xf32, #tpu.memory_space<vmem>>, vector<16xf32>,
        %swap3A_71 = arith.index_cast %scan3A_64 : i32 to index
        %swap3A_72 = arith.constant 32 : index
        %swap3A_73 = tpu.vector_load %arg7[%swap3A_71, %swap3A_72] {strides = array<i32>} : memref<112x128xf32, #tpu.memory_space<vmem>>, vector<16xf32>,
        tpu.vector_store %arg7[%swap3A_71, %swap3A_72], %broadcast_in_dim3A_9 {strides = array<i32>} : memref<112x128xf32, #tpu.memory_space<vmem>>, vector<16xf32>,
        %swap3A_74 = arith.index_cast %scan3A_64 : i32 to index
        %swap3A_75 = arith.constant 48 : index
        %swap3A_76 = tpu.vector_load %arg7[%swap3A_74, %swap3A_75] {strides = array<i32>} : memref<112x128xf32, #tpu.memory_space<vmem>>, vector<16xf32>,
        tpu.vector_store %arg7[%swap3A_74, %swap3A_75], %broadcast_in_dim3A_9 {strides = array<i32>} : memref<112x128xf32, #tpu.memory_space<vmem>>, vector<16xf32>,
        %swap3A_77 = arith.index_cast %scan3A_64 : i32 to index
        %swap3A_78 = arith.constant 64 : index
        %swap3A_79 = tpu.vector_load %arg7[%swap3A_77, %swap3A_78] {strides = array<i32>} : memref<112x128xf32, #tpu.memory_space<vmem>>, vector<16xf32>,
        tpu.vector_store %arg7[%swap3A_77, %swap3A_78], %broadcast_in_dim3A_9 {strides = array<i32>} : memref<112x128xf32, #tpu.memory_space<vmem>>, vector<16xf32>,
        %swap3A_80 = arith.index_cast %scan3A_64 : i32 to index
        %swap3A_81 = arith.constant 80 : index
        %swap3A_82 = tpu.vector_load %arg7[%swap3A_80, %swap3A_81] {strides = array<i32>} : memref<112x128xf32, #tpu.memory_space<vmem>>, vector<16xf32>,
        tpu.vector_store %arg7[%swap3A_80, %swap3A_81], %broadcast_in_dim3A_9 {strides = array<i32>} : memref<112x128xf32, #tpu.memory_space<vmem>>, vector<16xf32>,
        %swap3A_83 = arith.index_cast %scan3A_64 : i32 to index
        %swap3A_84 = arith.constant 96 : index
        %swap3A_85 = tpu.vector_load %arg7[%swap3A_83, %swap3A_84] {strides = array<i32>} : memref<112x128xf32, #tpu.memory_space<vmem>>, vector<16xf32>,
        tpu.vector_store %arg7[%swap3A_83, %swap3A_84], %broadcast_in_dim3A_9 {strides = array<i32>} : memref<112x128xf32, #tpu.memory_space<vmem>>, vector<16xf32>,
        %swap3A_86 = arith.index_cast %scan3A_64 : i32 to index
        %swap3A_87 = arith.constant 112 : index
        %swap3A_88 = tpu.vector_load %arg7[%swap3A_86, %swap3A_87] {strides = array<i32>} : memref<112x128xf32, #tpu.memory_space<vmem>>, vector<16xf32>,
        tpu.vector_store %arg7[%swap3A_86, %swap3A_87], %broadcast_in_dim3A_9 {strides = array<i32>} : memref<112x128xf32, #tpu.memory_space<vmem>>, vector<16xf32>,
        %scan3A_89 = arith.constant 0 : i32
        scf.yield %scan3A_89 : i32
      }
      %scan3A_15 = arith.constant 112 : i32
      %sub3A = arith.constant 2 : i32
      %sub3A_16 = arith.subi %arg1, %sub3A : i32
      %mul3A = arith.constant 2 : i32
      %mul3A_17 = arith.muli %arg0, %mul3A : i32
      %jit3A = arith.constant 7 : i32
      %div3A = arith.divsi %sub3A_16, %jit3A : i32
      %sign3A = arith.constant 0 : i32
      %sign3A_18 = arith.cmpi sgt, %sub3A_16, %sign3A : i32
      %sign3A_19 = arith.extui %sign3A_18 : i1 to i32
      %sign3A_20 = arith.constant 0 : i32
      %sign3A_21 = arith.cmpi slt, %sub3A_16, %sign3A_20 : i32
      %sign3A_22 = arith.extui %sign3A_21 : i1 to i32
      %sign3A_23 = arith.subi %sign3A_19, %sign3A_22 : i32
      %sign3A_24 = arith.constant 0 : i32
      %sign3A_25 = arith.cmpi sgt, %jit3A, %sign3A_24 : i32
      %sign3A_26 = arith.extui %sign3A_25 : i1 to i32
      %sign3A_27 = arith.constant 0 : i32
      %sign3A_28 = arith.cmpi slt, %jit3A, %sign3A_27 : i32
      %sign3A_29 = arith.extui %sign3A_28 : i1 to i32
      %sign3A_30 = arith.subi %sign3A_26, %sign3A_29 : i32
      %ne3A = arith.cmpi ne, %sign3A_23, %sign3A_30 : i32
      %rem3A = arith.remsi %sub3A_16, %jit3A : i32
      %ne3A_31 = arith.constant 0 : i32
      %ne3A_32 = arith.cmpi ne, %rem3A, %ne3A_31 : i32
      %and3A = arith.andi %ne3A, %ne3A_32 : i1
      %sub3A_33 = arith.constant 1 : i32
      %sub3A_34 = arith.subi %div3A, %sub3A_33 : i32
      %select_n3A = arith.select %and3A, %sub3A_34, %div3A : i32
      %add3A = arith.addi %mul3A_17, %select_n3A : i32
      %mul3A_35 = arith.constant 66672 : i32
      %mul3A_36 = arith.muli %add3A, %mul3A_35 : i32
      %jit3A_37 = arith.constant 7 : i32
      %eq3A = arith.constant 0 : i32
      %eq3A_38 = arith.cmpi eq, %jit3A_37, %eq3A : i32
      %jit3A_39 = arith.constant 1 : i32
      %select_n3A_40 = arith.select %eq3A_38, %jit3A_39, %jit3A_37 : i32
      %rem3A_41 = arith.remsi %sub3A_16, %select_n3A_40 : i32
      %ne3A_42 = arith.constant 0 : i32
      %ne3A_43 = arith.cmpi ne, %rem3A_41, %ne3A_42 : i32
      %lt3A_44 = arith.constant 0 : i32
      %lt3A_45 = arith.cmpi slt, %rem3A_41, %lt3A_44 : i32
      %lt3A_46 = arith.constant 0 : i32
      %lt3A_47 = arith.cmpi slt, %select_n3A_40, %lt3A_46 : i32
      %ne3A_48 = arith.xori %lt3A_45, %lt3A_47 : i1
      %and3A_49 = arith.andi %ne3A_48, %ne3A_43 : i1
      %add3A_50 = arith.addi %rem3A_41, %select_n3A_40 : i32
      %select_n3A_51 = arith.select %and3A_49, %add3A_50, %rem3A_41 : i32
      %mul3A_52 = arith.constant 9512 : i32
      %mul3A_53 = arith.muli %select_n3A_51, %mul3A_52 : i32
      %add3A_54 = arith.addi %mul3A_36, %mul3A_53 : i32
      %scan3A_55 = arith.constant 0 : i32
      %scan3A_56 = arith.constant 0 : i32
      %scan3A_57 = arith.constant 42 : i32
      %scan3A_58 = arith.addi %scan3A_56, %scan3A_57 : i32
      %scan3A_59 = arith.constant 1 : i32
      %scan3A_60 = scf.for %scan3A_64 = %scan3A_56 to %scan3A_58 step %scan3A_59 iter_args(%scan3A_65 = %scan3A_55) -> (i32)  : i32 {
        %mul3A_66 = arith.constant 2 : i32
        %mul3A_67 = arith.muli %mul3A_66, %scan3A_64 : i32
        %mul3A_68 = arith.constant 112 : i32
        %mul3A_69 = arith.muli %mul3A_67, %mul3A_68 : i32
        %add3A_70 = arith.addi %add3A_54, %mul3A_69 : i32
        %mul3A_71 = arith.constant 2 : i32
        %mul3A_72 = arith.muli %mul3A_71, %scan3A_64 : i32
        %add3A_73 = arith.constant 1 : i32
        %add3A_74 = arith.addi %mul3A_72, %add3A_73 : i32
        %mul3A_75 = arith.constant 112 : i32
        %mul3A_76 = arith.muli %add3A_74, %mul3A_75 : i32
        %add3A_77 = arith.addi %add3A_54, %mul3A_76 : i32
        %dma_start3A = arith.constant 0 : i32
        %dma_start3A_78 = arith.constant 0 : i32
        %dma_start3A_79 = tpu.memref_slice %arg6[%add3A_70, %dma_start3A_78] : memref<266688x128xf32, #tpu.memory_space<hbm>> -> memref<112x128xf32, #tpu.memory_space<hbm>>
        %dma_start3A_80 = tpu.memref_slice %arg13[%dma_start3A] : memref<2x!tpu.dma_semaphore, #tpu.memory_space<semaphore_mem>> -> memref<1x!tpu.dma_semaphore, #tpu.memory_space<semaphore_mem>>
        %dma_start3A_81 = tpu.memref_squeeze %dma_start3A_80 : memref<1x!tpu.dma_semaphore, #tpu.memory_space<semaphore_mem>> -> memref<!tpu.dma_semaphore, #tpu.memory_space<semaphore_mem>>
        %dma_start3A_82 = arith.constant 0 : i32
        %dma_start3A_83 = tpu.memref_slice %arg6[%add3A_70, %dma_start3A_82] : memref<266688x128xf32, #tpu.memory_space<hbm>> -> memref<112x128xf32, #tpu.memory_space<hbm>>
        tpu.enqueue_dma source(%arg7 : memref<112x128xf32, #tpu.memory_space<vmem>>) target(%dma_start3A_83 : memref<112x128xf32, #tpu.memory_space<hbm>>) target_semaphore(%dma_start3A_81 : memref<!tpu.dma_semaphore, #tpu.memory_space<semaphore_mem>>)
        %dma_start3A_84 = arith.constant 1 : i32
        %dma_start3A_85 = arith.constant 0 : i32
        %dma_start3A_86 = tpu.memref_slice %arg6[%add3A_77, %dma_start3A_85] : memref<266688x128xf32, #tpu.memory_space<hbm>> -> memref<112x128xf32, #tpu.memory_space<hbm>>
        %dma_start3A_87 = tpu.memref_slice %arg13[%dma_start3A_84] : memref<2x!tpu.dma_semaphore, #tpu.memory_space<semaphore_mem>> -> memref<1x!tpu.dma_semaphore, #tpu.memory_space<semaphore_mem>>
        %dma_start3A_88 = tpu.memref_squeeze %dma_start3A_87 : memref<1x!tpu.dma_semaphore, #tpu.memory_space<semaphore_mem>> -> memref<!tpu.dma_semaphore, #tpu.memory_space<semaphore_mem>>
        %dma_start3A_89 = arith.constant 0 : i32
        %dma_start3A_90 = tpu.memref_slice %arg6[%add3A_77, %dma_start3A_89] : memref<266688x128xf32, #tpu.memory_space<hbm>> -> memref<112x128xf32, #tpu.memory_space<hbm>>
        tpu.enqueue_dma source(%arg7 : memref<112x128xf32, #tpu.memory_space<vmem>>) target(%dma_start3A_90 : memref<112x128xf32, #tpu.memory_space<hbm>>) target_semaphore(%dma_start3A_88 : memref<!tpu.dma_semaphore, #tpu.memory_space<semaphore_mem>>)
        %dma_wait3A = arith.constant 0 : i32
        %dma_wait3A_91 = arith.constant 0 : i32
        %dma_wait3A_92 = tpu.memref_slice %arg6[%add3A_70, %dma_wait3A_91] : memref<266688x128xf32, #tpu.memory_space<hbm>> -> memref<112x128xf32, #tpu.memory_space<hbm>>
        %dma_wait3A_93 = tpu.memref_slice %arg13[%dma_wait3A] : memref<2x!tpu.dma_semaphore, #tpu.memory_space<semaphore_mem>> -> memref<1x!tpu.dma_semaphore, #tpu.memory_space<semaphore_mem>>
        %dma_wait3A_94 = tpu.memref_squeeze %dma_wait3A_93 : memref<1x!tpu.dma_semaphore, #tpu.memory_space<semaphore_mem>> -> memref<!tpu.dma_semaphore, #tpu.memory_space<semaphore_mem>>
        %dma_wait3A_95 = arith.constant 0 : i32
        %dma_wait3A_96 = tpu.memref_slice %arg6[%add3A_70, %dma_wait3A_95] : memref<266688x128xf32, #tpu.memory_space<hbm>> -> memref<112x128xf32, #tpu.memory_space<hbm>>
        tpu.wait_dma2 semaphore(%dma_wait3A_94 : memref<!tpu.dma_semaphore, #tpu.memory_space<semaphore_mem>>) src(%arg7 : memref<112x128xf32, #tpu.memory_space<vmem>>) dst(%dma_wait3A_96 : memref<112x128xf32, #tpu.memory_space<hbm>>)
        %dma_wait3A_97 = arith.constant 1 : i32
        %dma_wait3A_98 = arith.constant 0 : i32
        %dma_wait3A_99 = tpu.memref_slice %arg6[%add3A_77, %dma_wait3A_98] : memref<266688x128xf32, #tpu.memory_space<hbm>> -> memref<112x128xf32, #tpu.memory_space<hbm>>
        %dma_wait3A_100 = tpu.memref_slice %arg13[%dma_wait3A_97] : memref<2x!tpu.dma_semaphore, #tpu.memory_space<semaphore_mem>> -> memref<1x!tpu.dma_semaphore, #tpu.memory_space<semaphore_mem>>
        %dma_wait3A_101 = tpu.memref_squeeze %dma_wait3A_100 : memref<1x!tpu.dma_semaphore, #tpu.memory_space<semaphore_mem>> -> memref<!tpu.dma_semaphore, #tpu.memory_space<semaphore_mem>>
        %dma_wait3A_102 = arith.constant 0 : i32
        %dma_wait3A_103 = tpu.memref_slice %arg6[%add3A_77, %dma_wait3A_102] : memref<266688x128xf32, #tpu.memory_space<hbm>> -> memref<112x128xf32, #tpu.memory_space<hbm>>
        tpu.wait_dma2 semaphore(%dma_wait3A_101 : memref<!tpu.dma_semaphore, #tpu.memory_space<semaphore_mem>>) src(%arg7 : memref<112x128xf32, #tpu.memory_space<vmem>>) dst(%dma_wait3A_103 : memref<112x128xf32, #tpu.memory_space<hbm>>)
        %scan3A_104 = arith.constant 0 : i32
        scf.yield %scan3A_104 : i32
      }
      %scan3A_61 = arith.constant 42 : i32
      %add3A_62 = arith.constant 9408 : i32
      %add3A_63 = arith.addi %add3A_54, %add3A_62 : i32
      "tpu.region"() ({
        %run_scoped3A = tpu.sem_alloc : memref<!tpu.dma_semaphore, #tpu.memory_space<semaphore_mem>>
        %dma_start3A = arith.constant 0 : i32
        %dma_start3A_64 = arith.constant 0 : i32
        %dma_start3A_65 = tpu.memref_slice %arg7[%dma_start3A, %dma_start3A_64] : memref<112x128xf32, #tpu.memory_space<vmem>> -> memref<104x128xf32, #tpu.memory_space<vmem>>
        %dma_start3A_66 = arith.constant 0 : i32
        %dma_start3A_67 = tpu.memref_slice %arg6[%add3A_63, %dma_start3A_66] : memref<266688x128xf32, #tpu.memory_space<hbm>> -> memref<104x128xf32, #tpu.memory_space<hbm>>
        %dma_start3A_68 = arith.constant 0 : i32
        %dma_start3A_69 = tpu.memref_slice %arg6[%add3A_63, %dma_start3A_68] : memref<266688x128xf32, #tpu.memory_space<hbm>> -> memref<104x128xf32, #tpu.memory_space<hbm>>
        %dma_start3A_70 = arith.constant 0 : i32
        %dma_start3A_71 = arith.constant 0 : i32
        %dma_start3A_72 = tpu.memref_slice %arg7[%dma_start3A_70, %dma_start3A_71] : memref<112x128xf32, #tpu.memory_space<vmem>> -> memref<104x128xf32, #tpu.memory_space<vmem>>
        tpu.enqueue_dma source(%dma_start3A_72 : memref<104x128xf32, #tpu.memory_space<vmem>>) target(%dma_start3A_69 : memref<104x128xf32, #tpu.memory_space<hbm>>) target_semaphore(%run_scoped3A : memref<!tpu.dma_semaphore, #tpu.memory_space<semaphore_mem>>)
        %dma_wait3A = arith.constant 0 : i32
        %dma_wait3A_73 = arith.constant 0 : i32
        %dma_wait3A_74 = tpu.memref_slice %arg7[%dma_wait3A, %dma_wait3A_73] : memref<112x128xf32, #tpu.memory_space<vmem>> -> memref<104x128xf32, #tpu.memory_space<vmem>>
        %dma_wait3A_75 = arith.constant 0 : i32
        %dma_wait3A_76 = tpu.memref_slice %arg6[%add3A_63, %dma_wait3A_75] : memref<266688x128xf32, #tpu.memory_space<hbm>> -> memref<104x128xf32, #tpu.memory_space<hbm>>
        %dma_wait3A_77 = arith.constant 0 : i32
        %dma_wait3A_78 = tpu.memref_slice %arg6[%add3A_63, %dma_wait3A_77] : memref<266688x128xf32, #tpu.memory_space<hbm>> -> memref<104x128xf32, #tpu.memory_space<hbm>>
        %dma_wait3A_79 = arith.constant 0 : i32
        %dma_wait3A_80 = arith.constant 0 : i32
        %dma_wait3A_81 = tpu.memref_slice %arg7[%dma_wait3A_79, %dma_wait3A_80] : memref<112x128xf32, #tpu.memory_space<vmem>> -> memref<104x128xf32, #tpu.memory_space<vmem>>
        tpu.wait_dma2 semaphore(%run_scoped3A : memref<!tpu.dma_semaphore, #tpu.memory_space<semaphore_mem>>) src(%dma_wait3A_81 : memref<104x128xf32, #tpu.memory_space<vmem>>) dst(%dma_wait3A_78 : memref<104x128xf32, #tpu.memory_space<hbm>>)
        tpu.yield
      }) : () -> ()
    } else {
    }
    %convert_element_type3A_3 = arith.extui %lt3A_0 : i1 to i32
    %cond3A_4 = arith.constant 0 : i32
    %cond3A_5 = arith.cmpi ne, %convert_element_type3A_3, %cond3A_4 : i32
    scf.if %cond3A_5 {
      %mul3A = arith.constant 2 : i32
      %mul3A_9 = arith.muli %arg0, %mul3A : i32
      %add3A = arith.constant 0 : i32
      %add3A_10 = arith.addi %add3A, %mul3A_9 : i32
      %add3A_11 = arith.addi %add3A_10, %arg1 : i32
      %mul3A_12 = arith.constant 12000 : i32
      %mul3A_13 = arith.muli %add3A_11, %mul3A_12 : i32
      "tpu.region"() ({
        %run_scoped3A = tpu.sem_alloc : memref<!tpu.dma_semaphore, #tpu.memory_space<semaphore_mem>>
        %dma_start3A = tpu.memref_slice %arg3[%mul3A_13] : memref<96000xi32, #tpu.memory_space<hbm>> -> memref<12000xi32, #tpu.memory_space<hbm>>
        %dma_start3A_51 = tpu.memref_slice %arg3[%mul3A_13] : memref<96000xi32, #tpu.memory_space<hbm>> -> memref<12000xi32, #tpu.memory_space<hbm>>
        tpu.enqueue_dma source(%dma_start3A_51 : memref<12000xi32, #tpu.memory_space<hbm>>) target(%arg8 : memref<12000xi32, #tpu.memory_space<vmem>>) target_semaphore(%run_scoped3A : memref<!tpu.dma_semaphore, #tpu.memory_space<semaphore_mem>>)
        %dma_wait3A = tpu.memref_slice %arg3[%mul3A_13] : memref<96000xi32, #tpu.memory_space<hbm>> -> memref<12000xi32, #tpu.memory_space<hbm>>
        %dma_wait3A_52 = tpu.memref_slice %arg3[%mul3A_13] : memref<96000xi32, #tpu.memory_space<hbm>> -> memref<12000xi32, #tpu.memory_space<hbm>>
        tpu.wait_dma2 semaphore(%run_scoped3A : memref<!tpu.dma_semaphore, #tpu.memory_space<semaphore_mem>>) src(%dma_wait3A_52 : memref<12000xi32, #tpu.memory_space<hbm>>) dst(%arg8 : memref<12000xi32, #tpu.memory_space<vmem>>)
        tpu.yield
      }) : () -> ()
      %mul3A_14 = arith.constant 12000 : i32
      %mul3A_15 = arith.muli %add3A_11, %mul3A_14 : i32
      "tpu.region"() ({
        %run_scoped3A = tpu.sem_alloc : memref<!tpu.dma_semaphore, #tpu.memory_space<semaphore_mem>>
        %dma_start3A = tpu.memref_slice %arg4[%mul3A_15] : memref<96000xi32, #tpu.memory_space<hbm>> -> memref<12000xi32, #tpu.memory_space<hbm>>
        %dma_start3A_51 = tpu.memref_slice %arg4[%mul3A_15] : memref<96000xi32, #tpu.memory_space<hbm>> -> memref<12000xi32, #tpu.memory_space<hbm>>
        tpu.enqueue_dma source(%dma_start3A_51 : memref<12000xi32, #tpu.memory_space<hbm>>) target(%arg9 : memref<12000xi32, #tpu.memory_space<vmem>>) target_semaphore(%run_scoped3A : memref<!tpu.dma_semaphore, #tpu.memory_space<semaphore_mem>>)
        %dma_wait3A = tpu.memref_slice %arg4[%mul3A_15] : memref<96000xi32, #tpu.memory_space<hbm>> -> memref<12000xi32, #tpu.memory_space<hbm>>
        %dma_wait3A_52 = tpu.memref_slice %arg4[%mul3A_15] : memref<96000xi32, #tpu.memory_space<hbm>> -> memref<12000xi32, #tpu.memory_space<hbm>>
        tpu.wait_dma2 semaphore(%run_scoped3A : memref<!tpu.dma_semaphore, #tpu.memory_space<semaphore_mem>>) src(%dma_wait3A_52 : memref<12000xi32, #tpu.memory_space<hbm>>) dst(%arg9 : memref<12000xi32, #tpu.memory_space<vmem>>)
        tpu.yield
      }) : () -> ()
      %broadcast_in_dim3A = arith.constant -1 : i32
      %broadcast_in_dim3A_16 = vector.broadcast %broadcast_in_dim3A : i32 to vector<16xi32>
      %scan3A = arith.constant 0 : i32
      %scan3A_17 = arith.constant 0 : i32
      %scan3A_18 = arith.constant 4161 : i32
      %scan3A_19 = arith.addi %scan3A_17, %scan3A_18 : i32
      %scan3A_20 = arith.constant 1 : i32
      %scan3A_21 = scf.for %scan3A_51 = %scan3A_17 to %scan3A_19 step %scan3A_20 iter_args(%scan3A_52 = %scan3A) -> (i32)  : i32 {
        %mul3A_53 = arith.constant 16 : i32
        %mul3A_54 = arith.muli %scan3A_51, %mul3A_53 : i32
        %swap3A = arith.index_cast %mul3A_54 : i32 to index
        %swap3A_55 = tpu.vector_load %arg10[%swap3A] {strides = array<i32>} : memref<66576xi32, #tpu.memory_space<vmem>>, vector<16xi32>,
        tpu.vector_store %arg10[%swap3A], %broadcast_in_dim3A_16 {strides = array<i32>} : memref<66576xi32, #tpu.memory_space<vmem>>, vector<16xi32>,
        %scan3A_56 = arith.constant 0 : i32
        scf.yield %scan3A_56 : i32
      }
      %scan3A_22 = arith.constant 4161 : i32
      %scan3A_23 = arith.constant 0 : i32
      %scan3A_24 = arith.constant 0 : i32
      %scan3A_25 = arith.constant 750 : i32
      %scan3A_26 = arith.addi %scan3A_24, %scan3A_25 : i32
      %scan3A_27 = arith.constant 1 : i32
      %scan3A_28 = scf.for %scan3A_51 = %scan3A_24 to %scan3A_26 step %scan3A_27 iter_args(%scan3A_52 = %scan3A_23) -> (i32)  : i32 {
        %mul3A_53 = arith.constant 16 : i32
        %mul3A_54 = arith.muli %scan3A_51, %mul3A_53 : i32
        %get3A = arith.index_cast %mul3A_54 : i32 to index
        %get3A_55 = tpu.vector_load %arg8[%get3A] {strides = array<i32>} : memref<12000xi32, #tpu.memory_space<vmem>>, vector<16xi32>,
        %get3A_56 = arith.index_cast %mul3A_54 : i32 to index
        %get3A_57 = tpu.vector_load %arg9[%get3A_56] {strides = array<i32>} : memref<12000xi32, #tpu.memory_space<vmem>>, vector<16xi32>,
        %ge3A = arith.constant 0 : i32
        %ge3A_58 = vector.broadcast %ge3A : i32 to vector<16xi32>
        %ge3A_59 = arith.cmpi sge, %get3A_55, %ge3A_58 : vector<16xi32>
        %lt3A_60 = arith.constant 256 : i32
        %lt3A_61 = vector.broadcast %lt3A_60 : i32 to vector<16xi32>
        %lt3A_62 = arith.cmpi slt, %get3A_55, %lt3A_61 : vector<16xi32>
        %and3A = arith.andi %ge3A_59, %lt3A_62 : vector<16xi1>
        %ge3A_63 = arith.constant 0 : i32
        %ge3A_64 = vector.broadcast %ge3A_63 : i32 to vector<16xi32>
        %ge3A_65 = arith.cmpi sge, %get3A_57, %ge3A_64 : vector<16xi32>
        %and3A_66 = arith.andi %and3A, %ge3A_65 : vector<16xi1>
        %lt3A_67 = arith.constant 256 : i32
        %lt3A_68 = vector.broadcast %lt3A_67 : i32 to vector<16xi32>
        %lt3A_69 = arith.cmpi slt, %get3A_57, %lt3A_68 : vector<16xi32>
        %and3A_70 = arith.andi %and3A_66, %lt3A_69 : vector<16xi1>
        %add3A_71 = arith.constant 1 : i32
        %add3A_72 = vector.broadcast %add3A_71 : i32 to vector<16xi32>
        %add3A_73 = arith.addi %get3A_55, %add3A_72 : vector<16xi32>
        %mul3A_74 = arith.constant 258 : i32
        %mul3A_75 = vector.broadcast %mul3A_74 : i32 to vector<16xi32>
        %mul3A_76 = arith.muli %add3A_73, %mul3A_75 : vector<16xi32>
        %add3A_77 = arith.constant 1 : i32
        %add3A_78 = vector.broadcast %add3A_77 : i32 to vector<16xi32>
        %add3A_79 = arith.addi %get3A_57, %add3A_78 : vector<16xi32>
        %add3A_80 = arith.addi %mul3A_76, %add3A_79 : vector<16xi32>
        %jit3A = arith.constant 66568 : i32
        %broadcast_in_dim3A_81 = vector.broadcast %jit3A : i32 to vector<16xi32>
        %select_n3A = arith.select %and3A_70, %add3A_80, %broadcast_in_dim3A_81 : vector<16xi1>, vector<16xi32>
        %mul3A_82 = arith.constant 16 : i32
        %mul3A_83 = arith.muli %scan3A_51, %mul3A_82 : i32
        %add3A_84 = vector.broadcast %mul3A_83 : i32 to vector<16xi32>
        %add3A_85 = arith.addi %iota3A, %add3A_84 : vector<16xi32>
        tpu.vector_store_idx %arg10[%select_n3A], %add3A_85 : memref<66576xi32, #tpu.memory_space<vmem>>[vector<16xi32>], vector<16xi32>,
        %scan3A_86 = arith.constant 0 : i32
        scf.yield %scan3A_86 : i32
      }
      %scan3A_29 = arith.constant 750 : i32
      %scan3A_30 = arith.constant 0 : i32
      %scan3A_31 = arith.constant 0 : i32
      %scan3A_32 = arith.constant 750 : i32
      %scan3A_33 = arith.addi %scan3A_31, %scan3A_32 : i32
      %scan3A_34 = arith.constant 1 : i32
      %scan3A_35 = scf.for %scan3A_51 = %scan3A_31 to %scan3A_33 step %scan3A_34 iter_args(%scan3A_52 = %scan3A_30) -> (i32)  : i32 {
        %mul3A_53 = arith.constant 16 : i32
        %mul3A_54 = arith.muli %scan3A_51, %mul3A_53 : i32
        %get3A = arith.index_cast %mul3A_54 : i32 to index
        %get3A_55 = tpu.vector_load %arg8[%get3A] {strides = array<i32>} : memref<12000xi32, #tpu.memory_space<vmem>>, vector<16xi32>,
        %get3A_56 = arith.index_cast %mul3A_54 : i32 to index
        %get3A_57 = tpu.vector_load %arg9[%get3A_56] {strides = array<i32>} : memref<12000xi32, #tpu.memory_space<vmem>>, vector<16xi32>,
        %ge3A = arith.constant 0 : i32
        %ge3A_58 = vector.broadcast %ge3A : i32 to vector<16xi32>
        %ge3A_59 = arith.cmpi sge, %get3A_55, %ge3A_58 : vector<16xi32>
        %lt3A_60 = arith.constant 256 : i32
        %lt3A_61 = vector.broadcast %lt3A_60 : i32 to vector<16xi32>
        %lt3A_62 = arith.cmpi slt, %get3A_55, %lt3A_61 : vector<16xi32>
        %and3A = arith.andi %ge3A_59, %lt3A_62 : vector<16xi1>
        %ge3A_63 = arith.constant 0 : i32
        %ge3A_64 = vector.broadcast %ge3A_63 : i32 to vector<16xi32>
        %ge3A_65 = arith.cmpi sge, %get3A_57, %ge3A_64 : vector<16xi32>
        %and3A_66 = arith.andi %and3A, %ge3A_65 : vector<16xi1>
        %lt3A_67 = arith.constant 256 : i32
        %lt3A_68 = vector.broadcast %lt3A_67 : i32 to vector<16xi32>
        %lt3A_69 = arith.cmpi slt, %get3A_57, %lt3A_68 : vector<16xi32>
        %and3A_70 = arith.andi %and3A_66, %lt3A_69 : vector<16xi1>
        %add3A_71 = arith.constant 1 : i32
        %add3A_72 = vector.broadcast %add3A_71 : i32 to vector<16xi32>
        %add3A_73 = arith.addi %get3A_55, %add3A_72 : vector<16xi32>
        %mul3A_74 = arith.constant 258 : i32
        %mul3A_75 = vector.broadcast %mul3A_74 : i32 to vector<16xi32>
        %mul3A_76 = arith.muli %add3A_73, %mul3A_75 : vector<16xi32>
        %add3A_77 = arith.constant 1 : i32
        %add3A_78 = vector.broadcast %add3A_77 : i32 to vector<16xi32>
        %add3A_79 = arith.addi %get3A_57, %add3A_78 : vector<16xi32>
        %add3A_80 = arith.addi %mul3A_76, %add3A_79 : vector<16xi32>
        %jit3A = arith.constant 66568 : i32
        %broadcast_in_dim3A_81 = vector.broadcast %jit3A : i32 to vector<16xi32>
        %select_n3A = arith.select %and3A_70, %add3A_80, %broadcast_in_dim3A_81 : vector<16xi1>, vector<16xi32>
        %mul3A_82 = arith.constant 16 : i32
        %mul3A_83 = arith.muli %scan3A_51, %mul3A_82 : i32
        %add3A_84 = vector.broadcast %mul3A_83 : i32 to vector<16xi32>
        %add3A_85 = arith.addi %iota3A, %add3A_84 : vector<16xi32>
        %gather3A = tpu.vector_load_idx %arg10[%select_n3A] : memref<66576xi32, #tpu.memory_space<vmem>>[vector<16xi32>], vector<16xi32>,
        %gt3A = arith.cmpi sgt, %add3A_85, %gather3A : vector<16xi32>
        tpu.vector_store_idx %arg10[%select_n3A], %add3A_85 masked %gt3A : memref<66576xi32, #tpu.memory_space<vmem>>[vector<16xi32>], vector<16xi32>, vector<16xi1>
        %scan3A_86 = arith.constant 0 : i32
        scf.yield %scan3A_86 : i32
      }
      %scan3A_36 = arith.constant 750 : i32
      %scan3A_37 = arith.constant 0 : i32
      %scan3A_38 = arith.constant 0 : i32
      %scan3A_39 = arith.constant 750 : i32
      %scan3A_40 = arith.addi %scan3A_38, %scan3A_39 : i32
      %scan3A_41 = arith.constant 1 : i32
      %scan3A_42 = scf.for %scan3A_51 = %scan3A_38 to %scan3A_40 step %scan3A_41 iter_args(%scan3A_52 = %scan3A_37) -> (i32)  : i32 {
        %mul3A_53 = arith.constant 16 : i32
        %mul3A_54 = arith.muli %scan3A_51, %mul3A_53 : i32
        %get3A = arith.index_cast %mul3A_54 : i32 to index
        %get3A_55 = tpu.vector_load %arg8[%get3A] {strides = array<i32>} : memref<12000xi32, #tpu.memory_space<vmem>>, vector<16xi32>,
        %get3A_56 = arith.index_cast %mul3A_54 : i32 to index
        %get3A_57 = tpu.vector_load %arg9[%get3A_56] {strides = array<i32>} : memref<12000xi32, #tpu.memory_space<vmem>>, vector<16xi32>,
        %ge3A = arith.constant 0 : i32
        %ge3A_58 = vector.broadcast %ge3A : i32 to vector<16xi32>
        %ge3A_59 = arith.cmpi sge, %get3A_55, %ge3A_58 : vector<16xi32>
        %lt3A_60 = arith.constant 256 : i32
        %lt3A_61 = vector.broadcast %lt3A_60 : i32 to vector<16xi32>
        %lt3A_62 = arith.cmpi slt, %get3A_55, %lt3A_61 : vector<16xi32>
        %and3A = arith.andi %ge3A_59, %lt3A_62 : vector<16xi1>
        %ge3A_63 = arith.constant 0 : i32
        %ge3A_64 = vector.broadcast %ge3A_63 : i32 to vector<16xi32>
        %ge3A_65 = arith.cmpi sge, %get3A_57, %ge3A_64 : vector<16xi32>
        %and3A_66 = arith.andi %and3A, %ge3A_65 : vector<16xi1>
        %lt3A_67 = arith.constant 256 : i32
        %lt3A_68 = vector.broadcast %lt3A_67 : i32 to vector<16xi32>
        %lt3A_69 = arith.cmpi slt, %get3A_57, %lt3A_68 : vector<16xi32>
        %and3A_70 = arith.andi %and3A_66, %lt3A_69 : vector<16xi1>
        %add3A_71 = arith.constant 1 : i32
        %add3A_72 = vector.broadcast %add3A_71 : i32 to vector<16xi32>
        %add3A_73 = arith.addi %get3A_55, %add3A_72 : vector<16xi32>
        %mul3A_74 = arith.constant 258 : i32
        %mul3A_75 = vector.broadcast %mul3A_74 : i32 to vector<16xi32>
        %mul3A_76 = arith.muli %add3A_73, %mul3A_75 : vector<16xi32>
        %add3A_77 = arith.constant 1 : i32
        %add3A_78 = vector.broadcast %add3A_77 : i32 to vector<16xi32>
        %add3A_79 = arith.addi %get3A_57, %add3A_78 : vector<16xi32>
        %add3A_80 = arith.addi %mul3A_76, %add3A_79 : vector<16xi32>
        %jit3A = arith.constant 66568 : i32
        %broadcast_in_dim3A_81 = vector.broadcast %jit3A : i32 to vector<16xi32>
        %select_n3A = arith.select %and3A_70, %add3A_80, %broadcast_in_dim3A_81 : vector<16xi1>, vector<16xi32>
        %mul3A_82 = arith.constant 16 : i32
        %mul3A_83 = arith.muli %scan3A_51, %mul3A_82 : i32
        %add3A_84 = vector.broadcast %mul3A_83 : i32 to vector<16xi32>
        %add3A_85 = arith.addi %iota3A, %add3A_84 : vector<16xi32>
        %gather3A = tpu.vector_load_idx %arg10[%select_n3A] : memref<66576xi32, #tpu.memory_space<vmem>>[vector<16xi32>], vector<16xi32>,
        %gt3A = arith.cmpi sgt, %add3A_85, %gather3A : vector<16xi32>
        tpu.vector_store_idx %arg10[%select_n3A], %add3A_85 masked %gt3A : memref<66576xi32, #tpu.memory_space<vmem>>[vector<16xi32>], vector<16xi32>, vector<16xi1>
        %scan3A_86 = arith.constant 0 : i32
        scf.yield %scan3A_86 : i32
      }
      %scan3A_43 = arith.constant 750 : i32
      %scan3A_44 = arith.constant 0 : i32
      %scan3A_45 = arith.constant 0 : i32
      %scan3A_46 = arith.constant 750 : i32
      %scan3A_47 = arith.addi %scan3A_45, %scan3A_46 : i32
      %scan3A_48 = arith.constant 1 : i32
      %scan3A_49 = scf.for %scan3A_51 = %scan3A_45 to %scan3A_47 step %scan3A_48 iter_args(%scan3A_52 = %scan3A_44) -> (i32)  : i32 {
        %mul3A_53 = arith.constant 16 : i32
        %mul3A_54 = arith.muli %scan3A_51, %mul3A_53 : i32
        %get3A = arith.index_cast %mul3A_54 : i32 to index
        %get3A_55 = tpu.vector_load %arg8[%get3A] {strides = array<i32>} : memref<12000xi32, #tpu.memory_space<vmem>>, vector<16xi32>,
        %get3A_56 = arith.index_cast %mul3A_54 : i32 to index
        %get3A_57 = tpu.vector_load %arg9[%get3A_56] {strides = array<i32>} : memref<12000xi32, #tpu.memory_space<vmem>>, vector<16xi32>,
        %ge3A = arith.constant 0 : i32
        %ge3A_58 = vector.broadcast %ge3A : i32 to vector<16xi32>
        %ge3A_59 = arith.cmpi sge, %get3A_55, %ge3A_58 : vector<16xi32>
        %lt3A_60 = arith.constant 256 : i32
        %lt3A_61 = vector.broadcast %lt3A_60 : i32 to vector<16xi32>
        %lt3A_62 = arith.cmpi slt, %get3A_55, %lt3A_61 : vector<16xi32>
        %and3A = arith.andi %ge3A_59, %lt3A_62 : vector<16xi1>
        %ge3A_63 = arith.constant 0 : i32
        %ge3A_64 = vector.broadcast %ge3A_63 : i32 to vector<16xi32>
        %ge3A_65 = arith.cmpi sge, %get3A_57, %ge3A_64 : vector<16xi32>
        %and3A_66 = arith.andi %and3A, %ge3A_65 : vector<16xi1>
        %lt3A_67 = arith.constant 256 : i32
        %lt3A_68 = vector.broadcast %lt3A_67 : i32 to vector<16xi32>
        %lt3A_69 = arith.cmpi slt, %get3A_57, %lt3A_68 : vector<16xi32>
        %and3A_70 = arith.andi %and3A_66, %lt3A_69 : vector<16xi1>
        %add3A_71 = arith.constant 1 : i32
        %add3A_72 = vector.broadcast %add3A_71 : i32 to vector<16xi32>
        %add3A_73 = arith.addi %get3A_55, %add3A_72 : vector<16xi32>
        %mul3A_74 = arith.constant 258 : i32
        %mul3A_75 = vector.broadcast %mul3A_74 : i32 to vector<16xi32>
        %mul3A_76 = arith.muli %add3A_73, %mul3A_75 : vector<16xi32>
        %add3A_77 = arith.constant 1 : i32
        %add3A_78 = vector.broadcast %add3A_77 : i32 to vector<16xi32>
        %add3A_79 = arith.addi %get3A_57, %add3A_78 : vector<16xi32>
        %add3A_80 = arith.addi %mul3A_76, %add3A_79 : vector<16xi32>
        %jit3A = arith.constant 66568 : i32
        %broadcast_in_dim3A_81 = vector.broadcast %jit3A : i32 to vector<16xi32>
        %select_n3A = arith.select %and3A_70, %add3A_80, %broadcast_in_dim3A_81 : vector<16xi1>, vector<16xi32>
        %mul3A_82 = arith.constant 16 : i32
        %mul3A_83 = arith.muli %scan3A_51, %mul3A_82 : i32
        %add3A_84 = vector.broadcast %mul3A_83 : i32 to vector<16xi32>
        %add3A_85 = arith.addi %iota3A, %add3A_84 : vector<16xi32>
        %gather3A = tpu.vector_load_idx %arg10[%select_n3A] : memref<66576xi32, #tpu.memory_space<vmem>>[vector<16xi32>], vector<16xi32>,
        %gt3A = arith.cmpi sgt, %add3A_85, %gather3A : vector<16xi32>
        tpu.vector_store_idx %arg10[%select_n3A], %add3A_85 masked %gt3A : memref<66576xi32, #tpu.memory_space<vmem>>[vector<16xi32>], vector<16xi32>, vector<16xi1>
        %scan3A_86 = arith.constant 0 : i32
        scf.yield %scan3A_86 : i32
      }
      %scan3A_50 = arith.constant 750 : i32
    } else {
    }
    %barrier3A = arith.constant 0 : index
    tpu.barrier barrier_id(%barrier3A)
    %convert_element_type3A_6 = arith.extui %lt3A_0 : i1 to i32
    %cond3A_7 = arith.constant 0 : i32
    %cond3A_8 = arith.cmpi ne, %convert_element_type3A_6, %cond3A_7 : i32
    scf.if %cond3A_8 {
      %mul3A = arith.constant 2 : i32
      %mul3A_9 = arith.muli %arg0, %mul3A : i32
      %add3A = arith.constant 0 : i32
      %add3A_10 = arith.addi %add3A, %mul3A_9 : i32
      %add3A_11 = arith.addi %add3A_10, %arg1 : i32
      %mul3A_12 = arith.constant 2 : i32
      %mul3A_13 = arith.muli %arg0, %mul3A_12 : i32
      %add3A_14 = arith.addi %mul3A_13, %arg1 : i32
      %mul3A_15 = arith.constant 66672 : i32
      %mul3A_16 = arith.muli %add3A_14, %mul3A_15 : i32
      %mul3A_17 = arith.constant 12000 : i32
      %mul3A_18 = arith.muli %add3A_11, %mul3A_17 : i32
      %add3A_19 = arith.constant 0 : i32
      %add3A_20 = arith.addi %mul3A_18, %add3A_19 : i32
      %dma_start3A = arith.constant 0 : i32
      %dma_start3A_21 = arith.constant 0 : i32
      %dma_start3A_22 = arith.constant 0 : i32
      %dma_start3A_23 = arith.constant 0 : i32
      %dma_start3A_24 = tpu.memref_slice %arg11[%dma_start3A, %dma_start3A_22, %dma_start3A_23] : memref<2x96x128xf32, #tpu.memory_space<vmem>> -> memref<1x96x128xf32, #tpu.memory_space<vmem>>
      %dma_start3A_25 = tpu.memref_squeeze %dma_start3A_24 : memref<1x96x128xf32, #tpu.memory_space<vmem>> -> memref<96x128xf32, #tpu.memory_space<vmem>>
      %dma_start3A_26 = arith.constant 0 : i32
      %dma_start3A_27 = tpu.memref_slice %arg5[%add3A_20, %dma_start3A_26] : memref<96000x128xf32, #tpu.memory_space<hbm>> -> memref<96x128xf32, #tpu.memory_space<hbm>>
      %dma_start3A_28 = tpu.memref_slice %arg14[%dma_start3A_21] : memref<2x!tpu.dma_semaphore, #tpu.memory_space<semaphore_mem>> -> memref<1x!tpu.dma_semaphore, #tpu.memory_space<semaphore_mem>>
      %dma_start3A_29 = tpu.memref_squeeze %dma_start3A_28 : memref<1x!tpu.dma_semaphore, #tpu.memory_space<semaphore_mem>> -> memref<!tpu.dma_semaphore, #tpu.memory_space<semaphore_mem>>
      %dma_start3A_30 = arith.constant 0 : i32
      %dma_start3A_31 = arith.constant 0 : i32
      %dma_start3A_32 = tpu.memref_slice %arg11[%dma_start3A, %dma_start3A_30, %dma_start3A_31] : memref<2x96x128xf32, #tpu.memory_space<vmem>> -> memref<1x96x128xf32, #tpu.memory_space<vmem>>
      %dma_start3A_33 = tpu.memref_squeeze %dma_start3A_32 : memref<1x96x128xf32, #tpu.memory_space<vmem>> -> memref<96x128xf32, #tpu.memory_space<vmem>>
      %dma_start3A_34 = arith.constant 0 : i32
      %dma_start3A_35 = tpu.memref_slice %arg5[%add3A_20, %dma_start3A_34] : memref<96000x128xf32, #tpu.memory_space<hbm>> -> memref<96x128xf32, #tpu.memory_space<hbm>>
      tpu.enqueue_dma source(%dma_start3A_35 : memref<96x128xf32, #tpu.memory_space<hbm>>) target(%dma_start3A_33 : memref<96x128xf32, #tpu.memory_space<vmem>>) target_semaphore(%dma_start3A_29 : memref<!tpu.dma_semaphore, #tpu.memory_space<semaphore_mem>>)
      %scan3A = arith.constant 0 : i32
      %scan3A_36 = arith.constant 0 : i32
      %scan3A_37 = arith.constant 125 : i32
      %scan3A_38 = arith.addi %scan3A_36, %scan3A_37 : i32
      %scan3A_39 = arith.constant 1 : i32
      %scan3A_40 = scf.for %scan3A_55 = %scan3A_36 to %scan3A_38 step %scan3A_39 iter_args(%scan3A_56 = %scan3A) -> (i32)  : i32 {
        %rem3A_57 = arith.constant 2 : i32
        %rem3A_58 = arith.remsi %scan3A_55, %rem3A_57 : i32
        %sub3A = arith.constant 1 : i32
        %sub3A_59 = arith.subi %sub3A, %rem3A_58 : i32
        %mul3A_60 = arith.constant 12000 : i32
        %mul3A_61 = arith.muli %add3A_11, %mul3A_60 : i32
        %mul3A_62 = arith.constant 96 : i32
        %mul3A_63 = arith.muli %scan3A_55, %mul3A_62 : i32
        %add3A_64 = arith.addi %mul3A_61, %mul3A_63 : i32
        %dma_wait3A_65 = arith.constant 0 : i32
        %dma_wait3A_66 = arith.constant 0 : i32
        %dma_wait3A_67 = tpu.memref_slice %arg11[%rem3A_58, %dma_wait3A_65, %dma_wait3A_66] : memref<2x96x128xf32, #tpu.memory_space<vmem>> -> memref<1x96x128xf32, #tpu.memory_space<vmem>>
        %dma_wait3A_68 = tpu.memref_squeeze %dma_wait3A_67 : memref<1x96x128xf32, #tpu.memory_space<vmem>> -> memref<96x128xf32, #tpu.memory_space<vmem>>
        %dma_wait3A_69 = arith.constant 0 : i32
        %dma_wait3A_70 = tpu.memref_slice %arg5[%add3A_64, %dma_wait3A_69] : memref<96000x128xf32, #tpu.memory_space<hbm>> -> memref<96x128xf32, #tpu.memory_space<hbm>>
        %dma_wait3A_71 = tpu.memref_slice %arg14[%rem3A_58] : memref<2x!tpu.dma_semaphore, #tpu.memory_space<semaphore_mem>> -> memref<1x!tpu.dma_semaphore, #tpu.memory_space<semaphore_mem>>
        %dma_wait3A_72 = tpu.memref_squeeze %dma_wait3A_71 : memref<1x!tpu.dma_semaphore, #tpu.memory_space<semaphore_mem>> -> memref<!tpu.dma_semaphore, #tpu.memory_space<semaphore_mem>>
        %dma_wait3A_73 = arith.constant 0 : i32
        %dma_wait3A_74 = arith.constant 0 : i32
        %dma_wait3A_75 = tpu.memref_slice %arg11[%rem3A_58, %dma_wait3A_73, %dma_wait3A_74] : memref<2x96x128xf32, #tpu.memory_space<vmem>> -> memref<1x96x128xf32, #tpu.memory_space<vmem>>
        %dma_wait3A_76 = tpu.memref_squeeze %dma_wait3A_75 : memref<1x96x128xf32, #tpu.memory_space<vmem>> -> memref<96x128xf32, #tpu.memory_space<vmem>>
        %dma_wait3A_77 = arith.constant 0 : i32
        %dma_wait3A_78 = tpu.memref_slice %arg5[%add3A_64, %dma_wait3A_77] : memref<96000x128xf32, #tpu.memory_space<hbm>> -> memref<96x128xf32, #tpu.memory_space<hbm>>
        tpu.wait_dma2 semaphore(%dma_wait3A_72 : memref<!tpu.dma_semaphore, #tpu.memory_space<semaphore_mem>>) src(%dma_wait3A_78 : memref<96x128xf32, #tpu.memory_space<hbm>>) dst(%dma_wait3A_76 : memref<96x128xf32, #tpu.memory_space<vmem>>)
        %mul3A_79 = arith.constant 96 : i32
        %mul3A_80 = arith.muli %scan3A_55, %mul3A_79 : i32
        %add3A_81 = arith.constant 0 : i32
        %add3A_82 = arith.addi %mul3A_80, %add3A_81 : i32
        %get3A = arith.index_cast %add3A_82 : i32 to index
        %get3A_83 = tpu.vector_load %arg8[%get3A] {strides = array<i32>} : memref<12000xi32, #tpu.memory_space<vmem>>, vector<16xi32>,
        %get3A_84 = arith.index_cast %add3A_82 : i32 to index
        %get3A_85 = tpu.vector_load %arg9[%get3A_84] {strides = array<i32>} : memref<12000xi32, #tpu.memory_space<vmem>>, vector<16xi32>,
        %ge3A = arith.constant 0 : i32
        %ge3A_86 = vector.broadcast %ge3A : i32 to vector<16xi32>
        %ge3A_87 = arith.cmpi sge, %get3A_83, %ge3A_86 : vector<16xi32>
        %lt3A_88 = arith.constant 256 : i32
        %lt3A_89 = vector.broadcast %lt3A_88 : i32 to vector<16xi32>
        %lt3A_90 = arith.cmpi slt, %get3A_83, %lt3A_89 : vector<16xi32>
        %and3A = arith.andi %ge3A_87, %lt3A_90 : vector<16xi1>
        %ge3A_91 = arith.constant 0 : i32
        %ge3A_92 = vector.broadcast %ge3A_91 : i32 to vector<16xi32>
        %ge3A_93 = arith.cmpi sge, %get3A_85, %ge3A_92 : vector<16xi32>
        %and3A_94 = arith.andi %and3A, %ge3A_93 : vector<16xi1>
        %lt3A_95 = arith.constant 256 : i32
        %lt3A_96 = vector.broadcast %lt3A_95 : i32 to vector<16xi32>
        %lt3A_97 = arith.cmpi slt, %get3A_85, %lt3A_96 : vector<16xi32>
        %and3A_98 = arith.andi %and3A_94, %lt3A_97 : vector<16xi1>
        %add3A_99 = arith.constant 1 : i32
        %add3A_100 = vector.broadcast %add3A_99 : i32 to vector<16xi32>
        %add3A_101 = arith.addi %get3A_83, %add3A_100 : vector<16xi32>
        %mul3A_102 = arith.constant 258 : i32
        %mul3A_103 = vector.broadcast %mul3A_102 : i32 to vector<16xi32>
        %mul3A_104 = arith.muli %add3A_101, %mul3A_103 : vector<16xi32>
        %add3A_105 = arith.constant 1 : i32
        %add3A_106 = vector.broadcast %add3A_105 : i32 to vector<16xi32>
        %add3A_107 = arith.addi %get3A_85, %add3A_106 : vector<16xi32>
        %add3A_108 = arith.addi %mul3A_104, %add3A_107 : vector<16xi32>
        %jit3A = arith.constant 66568 : i32
        %broadcast_in_dim3A = vector.broadcast %jit3A : i32 to vector<16xi32>
        %select_n3A = arith.select %and3A_98, %add3A_108, %broadcast_in_dim3A : vector<16xi1>, vector<16xi32>
        %mul3A_109 = arith.constant 96 : i32
        %mul3A_110 = arith.muli %scan3A_55, %mul3A_109 : i32
        %add3A_111 = arith.constant 0 : i32
        %add3A_112 = arith.addi %mul3A_110, %add3A_111 : i32
        %add3A_113 = vector.broadcast %add3A_112 : i32 to vector<16xi32>
        %add3A_114 = arith.addi %iota3A, %add3A_113 : vector<16xi32>
        %gather3A = tpu.vector_load_idx %arg10[%select_n3A] : memref<66576xi32, #tpu.memory_space<vmem>>[vector<16xi32>], vector<16xi32>,
        %eq3A = arith.cmpi eq, %gather3A, %add3A_114 : vector<16xi32>
        %and3A_115 = arith.andi %and3A_98, %eq3A : vector<16xi1>
        %add3A_116 = vector.broadcast %mul3A_16 : i32 to vector<16xi32>
        %add3A_117 = arith.addi %add3A_116, %select_n3A : vector<16xi32>
        %add3A_118 = arith.constant 66592 : i32
        %add3A_119 = arith.addi %mul3A_16, %add3A_118 : i32
        %and3A_120 = arith.constant 63 : i32
        %and3A_121 = vector.broadcast %and3A_120 : i32 to vector<16xi32>
        %and3A_122 = arith.andi %add3A_114, %and3A_121 : vector<16xi32>
        %add3A_123 = vector.broadcast %add3A_119 : i32 to vector<16xi32>
        %add3A_124 = arith.addi %add3A_123, %and3A_122 : vector<16xi32>
        %select_n3A_125 = arith.select %and3A_115, %add3A_117, %add3A_124 : vector<16xi1>, vector<16xi32>
        %swap3A = arith.index_cast %rem3A_58 : i32 to index
        %swap3A_126 = arith.constant 0 : index
        %swap3A_127 = tpu.vector_load %arg12[%swap3A, %swap3A_126] {strides = array<i32>} : memref<2x96xi32, #tpu.memory_space<vmem>>, vector<16xi32>,
        tpu.vector_store %arg12[%swap3A, %swap3A_126], %select_n3A_125 {strides = array<i32>} : memref<2x96xi32, #tpu.memory_space<vmem>>, vector<16xi32>,
        %mul3A_128 = arith.constant 96 : i32
        %mul3A_129 = arith.muli %scan3A_55, %mul3A_128 : i32
        %add3A_130 = arith.constant 16 : i32
        %add3A_131 = arith.addi %mul3A_129, %add3A_130 : i32
        %get3A_132 = arith.index_cast %add3A_131 : i32 to index
        %get3A_133 = tpu.vector_load %arg8[%get3A_132] {strides = array<i32>} : memref<12000xi32, #tpu.memory_space<vmem>>, vector<16xi32>,
        %get3A_134 = arith.index_cast %add3A_131 : i32 to index
        %get3A_135 = tpu.vector_load %arg9[%get3A_134] {strides = array<i32>} : memref<12000xi32, #tpu.memory_space<vmem>>, vector<16xi32>,
        %ge3A_136 = arith.constant 0 : i32
        %ge3A_137 = vector.broadcast %ge3A_136 : i32 to vector<16xi32>
        %ge3A_138 = arith.cmpi sge, %get3A_133, %ge3A_137 : vector<16xi32>
        %lt3A_139 = arith.constant 256 : i32
        %lt3A_140 = vector.broadcast %lt3A_139 : i32 to vector<16xi32>
        %lt3A_141 = arith.cmpi slt, %get3A_133, %lt3A_140 : vector<16xi32>
        %and3A_142 = arith.andi %ge3A_138, %lt3A_141 : vector<16xi1>
        %ge3A_143 = arith.constant 0 : i32
        %ge3A_144 = vector.broadcast %ge3A_143 : i32 to vector<16xi32>
        %ge3A_145 = arith.cmpi sge, %get3A_135, %ge3A_144 : vector<16xi32>
        %and3A_146 = arith.andi %and3A_142, %ge3A_145 : vector<16xi1>
        %lt3A_147 = arith.constant 256 : i32
        %lt3A_148 = vector.broadcast %lt3A_147 : i32 to vector<16xi32>
        %lt3A_149 = arith.cmpi slt, %get3A_135, %lt3A_148 : vector<16xi32>
        %and3A_150 = arith.andi %and3A_146, %lt3A_149 : vector<16xi1>
        %add3A_151 = arith.constant 1 : i32
        %add3A_152 = vector.broadcast %add3A_151 : i32 to vector<16xi32>
        %add3A_153 = arith.addi %get3A_133, %add3A_152 : vector<16xi32>
        %mul3A_154 = arith.constant 258 : i32
        %mul3A_155 = vector.broadcast %mul3A_154 : i32 to vector<16xi32>
        %mul3A_156 = arith.muli %add3A_153, %mul3A_155 : vector<16xi32>
        %add3A_157 = arith.constant 1 : i32
        %add3A_158 = vector.broadcast %add3A_157 : i32 to vector<16xi32>
        %add3A_159 = arith.addi %get3A_135, %add3A_158 : vector<16xi32>
        %add3A_160 = arith.addi %mul3A_156, %add3A_159 : vector<16xi32>
        %jit3A_161 = arith.constant 66568 : i32
        %broadcast_in_dim3A_162 = vector.broadcast %jit3A_161 : i32 to vector<16xi32>
        %select_n3A_163 = arith.select %and3A_150, %add3A_160, %broadcast_in_dim3A_162 : vector<16xi1>, vector<16xi32>
        %mul3A_164 = arith.constant 96 : i32
        %mul3A_165 = arith.muli %scan3A_55, %mul3A_164 : i32
        %add3A_166 = arith.constant 16 : i32
        %add3A_167 = arith.addi %mul3A_165, %add3A_166 : i32
        %add3A_168 = vector.broadcast %add3A_167 : i32 to vector<16xi32>
        %add3A_169 = arith.addi %iota3A, %add3A_168 : vector<16xi32>
        %gather3A_170 = tpu.vector_load_idx %arg10[%select_n3A_163] : memref<66576xi32, #tpu.memory_space<vmem>>[vector<16xi32>], vector<16xi32>,
        %eq3A_171 = arith.cmpi eq, %gather3A_170, %add3A_169 : vector<16xi32>
        %and3A_172 = arith.andi %and3A_150, %eq3A_171 : vector<16xi1>
        %add3A_173 = vector.broadcast %mul3A_16 : i32 to vector<16xi32>
        %add3A_174 = arith.addi %add3A_173, %select_n3A_163 : vector<16xi32>
        %add3A_175 = arith.constant 66592 : i32
        %add3A_176 = arith.addi %mul3A_16, %add3A_175 : i32
        %and3A_177 = arith.constant 63 : i32
        %and3A_178 = vector.broadcast %and3A_177 : i32 to vector<16xi32>
        %and3A_179 = arith.andi %add3A_169, %and3A_178 : vector<16xi32>
        %add3A_180 = vector.broadcast %add3A_176 : i32 to vector<16xi32>
        %add3A_181 = arith.addi %add3A_180, %and3A_179 : vector<16xi32>
        %select_n3A_182 = arith.select %and3A_172, %add3A_174, %add3A_181 : vector<16xi1>, vector<16xi32>
        %swap3A_183 = arith.index_cast %rem3A_58 : i32 to index
        %swap3A_184 = arith.constant 16 : index
        %swap3A_185 = tpu.vector_load %arg12[%swap3A_183, %swap3A_184] {strides = array<i32>} : memref<2x96xi32, #tpu.memory_space<vmem>>, vector<16xi32>,
        tpu.vector_store %arg12[%swap3A_183, %swap3A_184], %select_n3A_182 {strides = array<i32>} : memref<2x96xi32, #tpu.memory_space<vmem>>, vector<16xi32>,
        %mul3A_186 = arith.constant 96 : i32
        %mul3A_187 = arith.muli %scan3A_55, %mul3A_186 : i32
        %add3A_188 = arith.constant 32 : i32
        %add3A_189 = arith.addi %mul3A_187, %add3A_188 : i32
        %get3A_190 = arith.index_cast %add3A_189 : i32 to index
        %get3A_191 = tpu.vector_load %arg8[%get3A_190] {strides = array<i32>} : memref<12000xi32, #tpu.memory_space<vmem>>, vector<16xi32>,
        %get3A_192 = arith.index_cast %add3A_189 : i32 to index
        %get3A_193 = tpu.vector_load %arg9[%get3A_192] {strides = array<i32>} : memref<12000xi32, #tpu.memory_space<vmem>>, vector<16xi32>,
        %ge3A_194 = arith.constant 0 : i32
        %ge3A_195 = vector.broadcast %ge3A_194 : i32 to vector<16xi32>
        %ge3A_196 = arith.cmpi sge, %get3A_191, %ge3A_195 : vector<16xi32>
        %lt3A_197 = arith.constant 256 : i32
        %lt3A_198 = vector.broadcast %lt3A_197 : i32 to vector<16xi32>
        %lt3A_199 = arith.cmpi slt, %get3A_191, %lt3A_198 : vector<16xi32>
        %and3A_200 = arith.andi %ge3A_196, %lt3A_199 : vector<16xi1>
        %ge3A_201 = arith.constant 0 : i32
        %ge3A_202 = vector.broadcast %ge3A_201 : i32 to vector<16xi32>
        %ge3A_203 = arith.cmpi sge, %get3A_193, %ge3A_202 : vector<16xi32>
        %and3A_204 = arith.andi %and3A_200, %ge3A_203 : vector<16xi1>
        %lt3A_205 = arith.constant 256 : i32
        %lt3A_206 = vector.broadcast %lt3A_205 : i32 to vector<16xi32>
        %lt3A_207 = arith.cmpi slt, %get3A_193, %lt3A_206 : vector<16xi32>
        %and3A_208 = arith.andi %and3A_204, %lt3A_207 : vector<16xi1>
        %add3A_209 = arith.constant 1 : i32
        %add3A_210 = vector.broadcast %add3A_209 : i32 to vector<16xi32>
        %add3A_211 = arith.addi %get3A_191, %add3A_210 : vector<16xi32>
        %mul3A_212 = arith.constant 258 : i32
        %mul3A_213 = vector.broadcast %mul3A_212 : i32 to vector<16xi32>
        %mul3A_214 = arith.muli %add3A_211, %mul3A_213 : vector<16xi32>
        %add3A_215 = arith.constant 1 : i32
        %add3A_216 = vector.broadcast %add3A_215 : i32 to vector<16xi32>
        %add3A_217 = arith.addi %get3A_193, %add3A_216 : vector<16xi32>
        %add3A_218 = arith.addi %mul3A_214, %add3A_217 : vector<16xi32>
        %jit3A_219 = arith.constant 66568 : i32
        %broadcast_in_dim3A_220 = vector.broadcast %jit3A_219 : i32 to vector<16xi32>
        %select_n3A_221 = arith.select %and3A_208, %add3A_218, %broadcast_in_dim3A_220 : vector<16xi1>, vector<16xi32>
        %mul3A_222 = arith.constant 96 : i32
        %mul3A_223 = arith.muli %scan3A_55, %mul3A_222 : i32
        %add3A_224 = arith.constant 32 : i32
        %add3A_225 = arith.addi %mul3A_223, %add3A_224 : i32
        %add3A_226 = vector.broadcast %add3A_225 : i32 to vector<16xi32>
        %add3A_227 = arith.addi %iota3A, %add3A_226 : vector<16xi32>
        %gather3A_228 = tpu.vector_load_idx %arg10[%select_n3A_221] : memref<66576xi32, #tpu.memory_space<vmem>>[vector<16xi32>], vector<16xi32>,
        %eq3A_229 = arith.cmpi eq, %gather3A_228, %add3A_227 : vector<16xi32>
        %and3A_230 = arith.andi %and3A_208, %eq3A_229 : vector<16xi1>
        %add3A_231 = vector.broadcast %mul3A_16 : i32 to vector<16xi32>
        %add3A_232 = arith.addi %add3A_231, %select_n3A_221 : vector<16xi32>
        %add3A_233 = arith.constant 66592 : i32
        %add3A_234 = arith.addi %mul3A_16, %add3A_233 : i32
        %and3A_235 = arith.constant 63 : i32
        %and3A_236 = vector.broadcast %and3A_235 : i32 to vector<16xi32>
        %and3A_237 = arith.andi %add3A_227, %and3A_236 : vector<16xi32>
        %add3A_238 = vector.broadcast %add3A_234 : i32 to vector<16xi32>
        %add3A_239 = arith.addi %add3A_238, %and3A_237 : vector<16xi32>
        %select_n3A_240 = arith.select %and3A_230, %add3A_232, %add3A_239 : vector<16xi1>, vector<16xi32>
        %swap3A_241 = arith.index_cast %rem3A_58 : i32 to index
        %swap3A_242 = arith.constant 32 : index
        %swap3A_243 = tpu.vector_load %arg12[%swap3A_241, %swap3A_242] {strides = array<i32>} : memref<2x96xi32, #tpu.memory_space<vmem>>, vector<16xi32>,
        tpu.vector_store %arg12[%swap3A_241, %swap3A_242], %select_n3A_240 {strides = array<i32>} : memref<2x96xi32, #tpu.memory_space<vmem>>, vector<16xi32>,
        %mul3A_244 = arith.constant 96 : i32
        %mul3A_245 = arith.muli %scan3A_55, %mul3A_244 : i32
        %add3A_246 = arith.constant 48 : i32
        %add3A_247 = arith.addi %mul3A_245, %add3A_246 : i32
        %get3A_248 = arith.index_cast %add3A_247 : i32 to index
        %get3A_249 = tpu.vector_load %arg8[%get3A_248] {strides = array<i32>} : memref<12000xi32, #tpu.memory_space<vmem>>, vector<16xi32>,
        %get3A_250 = arith.index_cast %add3A_247 : i32 to index
        %get3A_251 = tpu.vector_load %arg9[%get3A_250] {strides = array<i32>} : memref<12000xi32, #tpu.memory_space<vmem>>, vector<16xi32>,
        %ge3A_252 = arith.constant 0 : i32
        %ge3A_253 = vector.broadcast %ge3A_252 : i32 to vector<16xi32>
        %ge3A_254 = arith.cmpi sge, %get3A_249, %ge3A_253 : vector<16xi32>
        %lt3A_255 = arith.constant 256 : i32
        %lt3A_256 = vector.broadcast %lt3A_255 : i32 to vector<16xi32>
        %lt3A_257 = arith.cmpi slt, %get3A_249, %lt3A_256 : vector<16xi32>
        %and3A_258 = arith.andi %ge3A_254, %lt3A_257 : vector<16xi1>
        %ge3A_259 = arith.constant 0 : i32
        %ge3A_260 = vector.broadcast %ge3A_259 : i32 to vector<16xi32>
        %ge3A_261 = arith.cmpi sge, %get3A_251, %ge3A_260 : vector<16xi32>
        %and3A_262 = arith.andi %and3A_258, %ge3A_261 : vector<16xi1>
        %lt3A_263 = arith.constant 256 : i32
        %lt3A_264 = vector.broadcast %lt3A_263 : i32 to vector<16xi32>
        %lt3A_265 = arith.cmpi slt, %get3A_251, %lt3A_264 : vector<16xi32>
        %and3A_266 = arith.andi %and3A_262, %lt3A_265 : vector<16xi1>
        %add3A_267 = arith.constant 1 : i32
        %add3A_268 = vector.broadcast %add3A_267 : i32 to vector<16xi32>
        %add3A_269 = arith.addi %get3A_249, %add3A_268 : vector<16xi32>
        %mul3A_270 = arith.constant 258 : i32
        %mul3A_271 = vector.broadcast %mul3A_270 : i32 to vector<16xi32>
        %mul3A_272 = arith.muli %add3A_269, %mul3A_271 : vector<16xi32>
        %add3A_273 = arith.constant 1 : i32
        %add3A_274 = vector.broadcast %add3A_273 : i32 to vector<16xi32>
        %add3A_275 = arith.addi %get3A_251, %add3A_274 : vector<16xi32>
        %add3A_276 = arith.addi %mul3A_272, %add3A_275 : vector<16xi32>
        %jit3A_277 = arith.constant 66568 : i32
        %broadcast_in_dim3A_278 = vector.broadcast %jit3A_277 : i32 to vector<16xi32>
        %select_n3A_279 = arith.select %and3A_266, %add3A_276, %broadcast_in_dim3A_278 : vector<16xi1>, vector<16xi32>
        %mul3A_280 = arith.constant 96 : i32
        %mul3A_281 = arith.muli %scan3A_55, %mul3A_280 : i32
        %add3A_282 = arith.constant 48 : i32
        %add3A_283 = arith.addi %mul3A_281, %add3A_282 : i32
        %add3A_284 = vector.broadcast %add3A_283 : i32 to vector<16xi32>
        %add3A_285 = arith.addi %iota3A, %add3A_284 : vector<16xi32>
        %gather3A_286 = tpu.vector_load_idx %arg10[%select_n3A_279] : memref<66576xi32, #tpu.memory_space<vmem>>[vector<16xi32>], vector<16xi32>,
        %eq3A_287 = arith.cmpi eq, %gather3A_286, %add3A_285 : vector<16xi32>
        %and3A_288 = arith.andi %and3A_266, %eq3A_287 : vector<16xi1>
        %add3A_289 = vector.broadcast %mul3A_16 : i32 to vector<16xi32>
        %add3A_290 = arith.addi %add3A_289, %select_n3A_279 : vector<16xi32>
        %add3A_291 = arith.constant 66592 : i32
        %add3A_292 = arith.addi %mul3A_16, %add3A_291 : i32
        %and3A_293 = arith.constant 63 : i32
        %and3A_294 = vector.broadcast %and3A_293 : i32 to vector<16xi32>
        %and3A_295 = arith.andi %add3A_285, %and3A_294 : vector<16xi32>
        %add3A_296 = vector.broadcast %add3A_292 : i32 to vector<16xi32>
        %add3A_297 = arith.addi %add3A_296, %and3A_295 : vector<16xi32>
        %select_n3A_298 = arith.select %and3A_288, %add3A_290, %add3A_297 : vector<16xi1>, vector<16xi32>
        %swap3A_299 = arith.index_cast %rem3A_58 : i32 to index
        %swap3A_300 = arith.constant 48 : index
        %swap3A_301 = tpu.vector_load %arg12[%swap3A_299, %swap3A_300] {strides = array<i32>} : memref<2x96xi32, #tpu.memory_space<vmem>>, vector<16xi32>,
        tpu.vector_store %arg12[%swap3A_299, %swap3A_300], %select_n3A_298 {strides = array<i32>} : memref<2x96xi32, #tpu.memory_space<vmem>>, vector<16xi32>,
        %mul3A_302 = arith.constant 96 : i32
        %mul3A_303 = arith.muli %scan3A_55, %mul3A_302 : i32
        %add3A_304 = arith.constant 64 : i32
        %add3A_305 = arith.addi %mul3A_303, %add3A_304 : i32
        %get3A_306 = arith.index_cast %add3A_305 : i32 to index
        %get3A_307 = tpu.vector_load %arg8[%get3A_306] {strides = array<i32>} : memref<12000xi32, #tpu.memory_space<vmem>>, vector<16xi32>,
        %get3A_308 = arith.index_cast %add3A_305 : i32 to index
        %get3A_309 = tpu.vector_load %arg9[%get3A_308] {strides = array<i32>} : memref<12000xi32, #tpu.memory_space<vmem>>, vector<16xi32>,
        %ge3A_310 = arith.constant 0 : i32
        %ge3A_311 = vector.broadcast %ge3A_310 : i32 to vector<16xi32>
        %ge3A_312 = arith.cmpi sge, %get3A_307, %ge3A_311 : vector<16xi32>
        %lt3A_313 = arith.constant 256 : i32
        %lt3A_314 = vector.broadcast %lt3A_313 : i32 to vector<16xi32>
        %lt3A_315 = arith.cmpi slt, %get3A_307, %lt3A_314 : vector<16xi32>
        %and3A_316 = arith.andi %ge3A_312, %lt3A_315 : vector<16xi1>
        %ge3A_317 = arith.constant 0 : i32
        %ge3A_318 = vector.broadcast %ge3A_317 : i32 to vector<16xi32>
        %ge3A_319 = arith.cmpi sge, %get3A_309, %ge3A_318 : vector<16xi32>
        %and3A_320 = arith.andi %and3A_316, %ge3A_319 : vector<16xi1>
        %lt3A_321 = arith.constant 256 : i32
        %lt3A_322 = vector.broadcast %lt3A_321 : i32 to vector<16xi32>
        %lt3A_323 = arith.cmpi slt, %get3A_309, %lt3A_322 : vector<16xi32>
        %and3A_324 = arith.andi %and3A_320, %lt3A_323 : vector<16xi1>
        %add3A_325 = arith.constant 1 : i32
        %add3A_326 = vector.broadcast %add3A_325 : i32 to vector<16xi32>
        %add3A_327 = arith.addi %get3A_307, %add3A_326 : vector<16xi32>
        %mul3A_328 = arith.constant 258 : i32
        %mul3A_329 = vector.broadcast %mul3A_328 : i32 to vector<16xi32>
        %mul3A_330 = arith.muli %add3A_327, %mul3A_329 : vector<16xi32>
        %add3A_331 = arith.constant 1 : i32
        %add3A_332 = vector.broadcast %add3A_331 : i32 to vector<16xi32>
        %add3A_333 = arith.addi %get3A_309, %add3A_332 : vector<16xi32>
        %add3A_334 = arith.addi %mul3A_330, %add3A_333 : vector<16xi32>
        %jit3A_335 = arith.constant 66568 : i32
        %broadcast_in_dim3A_336 = vector.broadcast %jit3A_335 : i32 to vector<16xi32>
        %select_n3A_337 = arith.select %and3A_324, %add3A_334, %broadcast_in_dim3A_336 : vector<16xi1>, vector<16xi32>
        %mul3A_338 = arith.constant 96 : i32
        %mul3A_339 = arith.muli %scan3A_55, %mul3A_338 : i32
        %add3A_340 = arith.constant 64 : i32
        %add3A_341 = arith.addi %mul3A_339, %add3A_340 : i32
        %add3A_342 = vector.broadcast %add3A_341 : i32 to vector<16xi32>
        %add3A_343 = arith.addi %iota3A, %add3A_342 : vector<16xi32>
        %gather3A_344 = tpu.vector_load_idx %arg10[%select_n3A_337] : memref<66576xi32, #tpu.memory_space<vmem>>[vector<16xi32>], vector<16xi32>,
        %eq3A_345 = arith.cmpi eq, %gather3A_344, %add3A_343 : vector<16xi32>
        %and3A_346 = arith.andi %and3A_324, %eq3A_345 : vector<16xi1>
        %add3A_347 = vector.broadcast %mul3A_16 : i32 to vector<16xi32>
        %add3A_348 = arith.addi %add3A_347, %select_n3A_337 : vector<16xi32>
        %add3A_349 = arith.constant 66592 : i32
        %add3A_350 = arith.addi %mul3A_16, %add3A_349 : i32
        %and3A_351 = arith.constant 63 : i32
        %and3A_352 = vector.broadcast %and3A_351 : i32 to vector<16xi32>
        %and3A_353 = arith.andi %add3A_343, %and3A_352 : vector<16xi32>
        %add3A_354 = vector.broadcast %add3A_350 : i32 to vector<16xi32>
        %add3A_355 = arith.addi %add3A_354, %and3A_353 : vector<16xi32>
        %select_n3A_356 = arith.select %and3A_346, %add3A_348, %add3A_355 : vector<16xi1>, vector<16xi32>
        %swap3A_357 = arith.index_cast %rem3A_58 : i32 to index
        %swap3A_358 = arith.constant 64 : index
        %swap3A_359 = tpu.vector_load %arg12[%swap3A_357, %swap3A_358] {strides = array<i32>} : memref<2x96xi32, #tpu.memory_space<vmem>>, vector<16xi32>,
        tpu.vector_store %arg12[%swap3A_357, %swap3A_358], %select_n3A_356 {strides = array<i32>} : memref<2x96xi32, #tpu.memory_space<vmem>>, vector<16xi32>,
        %mul3A_360 = arith.constant 96 : i32
        %mul3A_361 = arith.muli %scan3A_55, %mul3A_360 : i32
        %add3A_362 = arith.constant 80 : i32
        %add3A_363 = arith.addi %mul3A_361, %add3A_362 : i32
        %get3A_364 = arith.index_cast %add3A_363 : i32 to index
        %get3A_365 = tpu.vector_load %arg8[%get3A_364] {strides = array<i32>} : memref<12000xi32, #tpu.memory_space<vmem>>, vector<16xi32>,
        %get3A_366 = arith.index_cast %add3A_363 : i32 to index
        %get3A_367 = tpu.vector_load %arg9[%get3A_366] {strides = array<i32>} : memref<12000xi32, #tpu.memory_space<vmem>>, vector<16xi32>,
        %ge3A_368 = arith.constant 0 : i32
        %ge3A_369 = vector.broadcast %ge3A_368 : i32 to vector<16xi32>
        %ge3A_370 = arith.cmpi sge, %get3A_365, %ge3A_369 : vector<16xi32>
        %lt3A_371 = arith.constant 256 : i32
        %lt3A_372 = vector.broadcast %lt3A_371 : i32 to vector<16xi32>
        %lt3A_373 = arith.cmpi slt, %get3A_365, %lt3A_372 : vector<16xi32>
        %and3A_374 = arith.andi %ge3A_370, %lt3A_373 : vector<16xi1>
        %ge3A_375 = arith.constant 0 : i32
        %ge3A_376 = vector.broadcast %ge3A_375 : i32 to vector<16xi32>
        %ge3A_377 = arith.cmpi sge, %get3A_367, %ge3A_376 : vector<16xi32>
        %and3A_378 = arith.andi %and3A_374, %ge3A_377 : vector<16xi1>
        %lt3A_379 = arith.constant 256 : i32
        %lt3A_380 = vector.broadcast %lt3A_379 : i32 to vector<16xi32>
        %lt3A_381 = arith.cmpi slt, %get3A_367, %lt3A_380 : vector<16xi32>
        %and3A_382 = arith.andi %and3A_378, %lt3A_381 : vector<16xi1>
        %add3A_383 = arith.constant 1 : i32
        %add3A_384 = vector.broadcast %add3A_383 : i32 to vector<16xi32>
        %add3A_385 = arith.addi %get3A_365, %add3A_384 : vector<16xi32>
        %mul3A_386 = arith.constant 258 : i32
        %mul3A_387 = vector.broadcast %mul3A_386 : i32 to vector<16xi32>
        %mul3A_388 = arith.muli %add3A_385, %mul3A_387 : vector<16xi32>
        %add3A_389 = arith.constant 1 : i32
        %add3A_390 = vector.broadcast %add3A_389 : i32 to vector<16xi32>
        %add3A_391 = arith.addi %get3A_367, %add3A_390 : vector<16xi32>
        %add3A_392 = arith.addi %mul3A_388, %add3A_391 : vector<16xi32>
        %jit3A_393 = arith.constant 66568 : i32
        %broadcast_in_dim3A_394 = vector.broadcast %jit3A_393 : i32 to vector<16xi32>
        %select_n3A_395 = arith.select %and3A_382, %add3A_392, %broadcast_in_dim3A_394 : vector<16xi1>, vector<16xi32>
        %mul3A_396 = arith.constant 96 : i32
        %mul3A_397 = arith.muli %scan3A_55, %mul3A_396 : i32
        %add3A_398 = arith.constant 80 : i32
        %add3A_399 = arith.addi %mul3A_397, %add3A_398 : i32
        %add3A_400 = vector.broadcast %add3A_399 : i32 to vector<16xi32>
        %add3A_401 = arith.addi %iota3A, %add3A_400 : vector<16xi32>
        %gather3A_402 = tpu.vector_load_idx %arg10[%select_n3A_395] : memref<66576xi32, #tpu.memory_space<vmem>>[vector<16xi32>], vector<16xi32>,
        %eq3A_403 = arith.cmpi eq, %gather3A_402, %add3A_401 : vector<16xi32>
        %and3A_404 = arith.andi %and3A_382, %eq3A_403 : vector<16xi1>
        %add3A_405 = vector.broadcast %mul3A_16 : i32 to vector<16xi32>
        %add3A_406 = arith.addi %add3A_405, %select_n3A_395 : vector<16xi32>
        %add3A_407 = arith.constant 66592 : i32
        %add3A_408 = arith.addi %mul3A_16, %add3A_407 : i32
        %and3A_409 = arith.constant 63 : i32
        %and3A_410 = vector.broadcast %and3A_409 : i32 to vector<16xi32>
        %and3A_411 = arith.andi %add3A_401, %and3A_410 : vector<16xi32>
        %add3A_412 = vector.broadcast %add3A_408 : i32 to vector<16xi32>
        %add3A_413 = arith.addi %add3A_412, %and3A_411 : vector<16xi32>
        %select_n3A_414 = arith.select %and3A_404, %add3A_406, %add3A_413 : vector<16xi1>, vector<16xi32>
        %swap3A_415 = arith.index_cast %rem3A_58 : i32 to index
        %swap3A_416 = arith.constant 80 : index
        %swap3A_417 = tpu.vector_load %arg12[%swap3A_415, %swap3A_416] {strides = array<i32>} : memref<2x96xi32, #tpu.memory_space<vmem>>, vector<16xi32>,
        tpu.vector_store %arg12[%swap3A_415, %swap3A_416], %select_n3A_414 {strides = array<i32>} : memref<2x96xi32, #tpu.memory_space<vmem>>, vector<16xi32>,
        %gt3A = arith.constant 0 : i32
        %gt3A_418 = arith.cmpi sgt, %scan3A_55, %gt3A : i32
        %convert_element_type3A_419 = arith.extui %gt3A_418 : i1 to i32
        %cond3A_420 = arith.constant 0 : i32
        %cond3A_421 = arith.cmpi ne, %convert_element_type3A_419, %cond3A_420 : i32
        scf.if %cond3A_421 {
          %sub3A_440 = arith.constant 1 : i32
          %sub3A_441 = arith.subi %scan3A_55, %sub3A_440 : i32
          %dma_wait3A_442 = arith.constant 0 : i32
          %dma_wait3A_443 = arith.constant 0 : i32
          %dma_wait3A_444 = tpu.memref_slice %arg11[%sub3A_59, %dma_wait3A_442, %dma_wait3A_443] : memref<2x96x128xf32, #tpu.memory_space<vmem>> -> memref<1x96x128xf32, #tpu.memory_space<vmem>>
          %dma_wait3A_445 = tpu.memref_squeeze %dma_wait3A_444 : memref<1x96x128xf32, #tpu.memory_space<vmem>> -> memref<96x128xf32, #tpu.memory_space<vmem>>
          %dma_wait3A_446 = arith.constant 0 : i32
          %dma_wait3A_447 = tpu.memref_slice %arg12[%sub3A_59, %dma_wait3A_446] : memref<2x96xi32, #tpu.memory_space<vmem>> -> memref<1x96xi32, #tpu.memory_space<vmem>>
          %dma_wait3A_448 = tpu.memref_squeeze %dma_wait3A_447 : memref<1x96xi32, #tpu.memory_space<vmem>> -> memref<96xi32, #tpu.memory_space<vmem>>
          %dma_wait3A_449 = arith.constant 0 : i32
          %dma_wait3A_450 = arith.constant 0 : i32
          %dma_wait3A_451 = tpu.memref_slice %arg6[%dma_wait3A_449, %dma_wait3A_450] : memref<266688x128xf32, #tpu.memory_space<hbm>> -> memref<266688x128xf32, #tpu.memory_space<hbm>>
          %dma_wait3A_452 = tpu.memref_slice %arg13[%sub3A_59] : memref<2x!tpu.dma_semaphore, #tpu.memory_space<semaphore_mem>> -> memref<1x!tpu.dma_semaphore, #tpu.memory_space<semaphore_mem>>
          %dma_wait3A_453 = tpu.memref_squeeze %dma_wait3A_452 : memref<1x!tpu.dma_semaphore, #tpu.memory_space<semaphore_mem>> -> memref<!tpu.dma_semaphore, #tpu.memory_space<semaphore_mem>>
          tpu.wait_indirect_dma semaphore(%dma_wait3A_453 : memref<!tpu.dma_semaphore, #tpu.memory_space<semaphore_mem>>) src(%dma_wait3A_445 : memref<96x128xf32, #tpu.memory_space<vmem>>) dst(%dma_wait3A_451 : memref<266688x128xf32, #tpu.memory_space<hbm>>)
        } else {
        }
        %lt3A_422 = arith.constant 124 : i32
        %lt3A_423 = arith.cmpi slt, %scan3A_55, %lt3A_422 : i32
        %convert_element_type3A_424 = arith.extui %lt3A_423 : i1 to i32
        %cond3A_425 = arith.constant 0 : i32
        %cond3A_426 = arith.cmpi ne, %convert_element_type3A_424, %cond3A_425 : i32
        scf.if %cond3A_426 {
          %add3A_440 = arith.constant 1 : i32
          %add3A_441 = arith.addi %scan3A_55, %add3A_440 : i32
          %mul3A_442 = arith.constant 12000 : i32
          %mul3A_443 = arith.muli %add3A_11, %mul3A_442 : i32
          %mul3A_444 = arith.constant 96 : i32
          %mul3A_445 = arith.muli %add3A_441, %mul3A_444 : i32
          %add3A_446 = arith.addi %mul3A_443, %mul3A_445 : i32
          %dma_start3A_447 = arith.constant 0 : i32
          %dma_start3A_448 = arith.constant 0 : i32
          %dma_start3A_449 = tpu.memref_slice %arg11[%sub3A_59, %dma_start3A_447, %dma_start3A_448] : memref<2x96x128xf32, #tpu.memory_space<vmem>> -> memref<1x96x128xf32, #tpu.memory_space<vmem>>
          %dma_start3A_450 = tpu.memref_squeeze %dma_start3A_449 : memref<1x96x128xf32, #tpu.memory_space<vmem>> -> memref<96x128xf32, #tpu.memory_space<vmem>>
          %dma_start3A_451 = arith.constant 0 : i32
          %dma_start3A_452 = tpu.memref_slice %arg5[%add3A_446, %dma_start3A_451] : memref<96000x128xf32, #tpu.memory_space<hbm>> -> memref<96x128xf32, #tpu.memory_space<hbm>>
          %dma_start3A_453 = tpu.memref_slice %arg14[%sub3A_59] : memref<2x!tpu.dma_semaphore, #tpu.memory_space<semaphore_mem>> -> memref<1x!tpu.dma_semaphore, #tpu.memory_space<semaphore_mem>>
          %dma_start3A_454 = tpu.memref_squeeze %dma_start3A_453 : memref<1x!tpu.dma_semaphore, #tpu.memory_space<semaphore_mem>> -> memref<!tpu.dma_semaphore, #tpu.memory_space<semaphore_mem>>
          %dma_start3A_455 = arith.constant 0 : i32
          %dma_start3A_456 = arith.constant 0 : i32
          %dma_start3A_457 = tpu.memref_slice %arg11[%sub3A_59, %dma_start3A_455, %dma_start3A_456] : memref<2x96x128xf32, #tpu.memory_space<vmem>> -> memref<1x96x128xf32, #tpu.memory_space<vmem>>
          %dma_start3A_458 = tpu.memref_squeeze %dma_start3A_457 : memref<1x96x128xf32, #tpu.memory_space<vmem>> -> memref<96x128xf32, #tpu.memory_space<vmem>>
          %dma_start3A_459 = arith.constant 0 : i32
          %dma_start3A_460 = tpu.memref_slice %arg5[%add3A_446, %dma_start3A_459] : memref<96000x128xf32, #tpu.memory_space<hbm>> -> memref<96x128xf32, #tpu.memory_space<hbm>>
          tpu.enqueue_dma source(%dma_start3A_460 : memref<96x128xf32, #tpu.memory_space<hbm>>) target(%dma_start3A_458 : memref<96x128xf32, #tpu.memory_space<vmem>>) target_semaphore(%dma_start3A_454 : memref<!tpu.dma_semaphore, #tpu.memory_space<semaphore_mem>>)
        } else {
        }
        %dma_start3A_427 = arith.constant 0 : i32
        %dma_start3A_428 = arith.constant 0 : i32
        %dma_start3A_429 = tpu.memref_slice %arg11[%rem3A_58, %dma_start3A_427, %dma_start3A_428] : memref<2x96x128xf32, #tpu.memory_space<vmem>> -> memref<1x96x128xf32, #tpu.memory_space<vmem>>
        %dma_start3A_430 = tpu.memref_squeeze %dma_start3A_429 : memref<1x96x128xf32, #tpu.memory_space<vmem>> -> memref<96x128xf32, #tpu.memory_space<vmem>>
        %dma_start3A_431 = arith.constant 0 : i32
        %dma_start3A_432 = tpu.memref_slice %arg12[%rem3A_58, %dma_start3A_431] : memref<2x96xi32, #tpu.memory_space<vmem>> -> memref<1x96xi32, #tpu.memory_space<vmem>>
        %dma_start3A_433 = tpu.memref_squeeze %dma_start3A_432 : memref<1x96xi32, #tpu.memory_space<vmem>> -> memref<96xi32, #tpu.memory_space<vmem>>
        %dma_start3A_434 = arith.constant 0 : i32
        %dma_start3A_435 = arith.constant 0 : i32
        %dma_start3A_436 = tpu.memref_slice %arg6[%dma_start3A_434, %dma_start3A_435] : memref<266688x128xf32, #tpu.memory_space<hbm>> -> memref<266688x128xf32, #tpu.memory_space<hbm>>
        %dma_start3A_437 = tpu.memref_slice %arg13[%rem3A_58] : memref<2x!tpu.dma_semaphore, #tpu.memory_space<semaphore_mem>> -> memref<1x!tpu.dma_semaphore, #tpu.memory_space<semaphore_mem>>
        %dma_start3A_438 = tpu.memref_squeeze %dma_start3A_437 : memref<1x!tpu.dma_semaphore, #tpu.memory_space<semaphore_mem>> -> memref<!tpu.dma_semaphore, #tpu.memory_space<semaphore_mem>>
        tpu.enqueue_indirect_dma source(%dma_start3A_430 : memref<96x128xf32, #tpu.memory_space<vmem>>) target(%dma_start3A_436 : memref<266688x128xf32, #tpu.memory_space<hbm>>) offsets(%dma_start3A_433 : memref<96xi32, #tpu.memory_space<vmem>>) semaphore(%dma_start3A_438 : memref<!tpu.dma_semaphore, #tpu.memory_space<semaphore_mem>>)
        %scan3A_439 = arith.constant 0 : i32
        scf.yield %scan3A_439 : i32
      }
      %scan3A_41 = arith.constant 125 : i32
      %rem3A = arith.constant 124 : i32
      %rem3A_42 = arith.constant 2 : i32
      %rem3A_43 = arith.remsi %rem3A, %rem3A_42 : i32
      %dma_wait3A = arith.constant 0 : i32
      %dma_wait3A_44 = arith.constant 0 : i32
      %dma_wait3A_45 = tpu.memref_slice %arg11[%rem3A_43, %dma_wait3A, %dma_wait3A_44] : memref<2x96x128xf32, #tpu.memory_space<vmem>> -> memref<1x96x128xf32, #tpu.memory_space<vmem>>
      %dma_wait3A_46 = tpu.memref_squeeze %dma_wait3A_45 : memref<1x96x128xf32, #tpu.memory_space<vmem>> -> memref<96x128xf32, #tpu.memory_space<vmem>>
      %dma_wait3A_47 = arith.constant 0 : i32
      %dma_wait3A_48 = tpu.memref_slice %arg12[%rem3A_43, %dma_wait3A_47] : memref<2x96xi32, #tpu.memory_space<vmem>> -> memref<1x96xi32, #tpu.memory_space<vmem>>
      %dma_wait3A_49 = tpu.memref_squeeze %dma_wait3A_48 : memref<1x96xi32, #tpu.memory_space<vmem>> -> memref<96xi32, #tpu.memory_space<vmem>>
      %dma_wait3A_50 = arith.constant 0 : i32
      %dma_wait3A_51 = arith.constant 0 : i32
      %dma_wait3A_52 = tpu.memref_slice %arg6[%dma_wait3A_50, %dma_wait3A_51] : memref<266688x128xf32, #tpu.memory_space<hbm>> -> memref<266688x128xf32, #tpu.memory_space<hbm>>
      %dma_wait3A_53 = tpu.memref_slice %arg13[%rem3A_43] : memref<2x!tpu.dma_semaphore, #tpu.memory_space<semaphore_mem>> -> memref<1x!tpu.dma_semaphore, #tpu.memory_space<semaphore_mem>>
      %dma_wait3A_54 = tpu.memref_squeeze %dma_wait3A_53 : memref<1x!tpu.dma_semaphore, #tpu.memory_space<semaphore_mem>> -> memref<!tpu.dma_semaphore, #tpu.memory_space<semaphore_mem>>
      tpu.wait_indirect_dma semaphore(%dma_wait3A_54 : memref<!tpu.dma_semaphore, #tpu.memory_space<semaphore_mem>>) src(%dma_wait3A_46 : memref<96x128xf32, #tpu.memory_space<vmem>>) dst(%dma_wait3A_52 : memref<266688x128xf32, #tpu.memory_space<hbm>>)
    } else {
    }
    return
  }
}

#map = affine_map<(d0, d1) -> (0)>
#map1 = affine_map<(d0, d1) -> (0, 0)>
module attributes {stable_mosaic.version = 14 : i64} {
  func.func @_sc_build(%arg0: i32, %arg1: i32, %arg2: memref<8xf32, #tpu.memory_space<hbm>>, %arg3: memref<96000xi32, #tpu.memory_space<hbm>>, %arg4: memref<96000xi32, #tpu.memory_space<hbm>>, %arg5: memref<96000x128xf32, #tpu.memory_space<hbm>>, %arg6: memref<266688x128xf32, #tpu.memory_space<hbm>>, %arg7: memref<112x128xf32, #tpu.memory_space<vmem>>, %arg8: memref<12000xi32, #tpu.memory_space<vmem>>, %arg9: memref<12000xi32, #tpu.memory_space<vmem>>, %arg10: memref<66576xi32, #tpu.memory_space<vmem>>, %arg11: memref<2x96x128xf32, #tpu.memory_space<vmem>>, %arg12: memref<2x96xi32, #tpu.memory_space<vmem>>, %arg13: memref<2x!tpu.dma_semaphore, #tpu.memory_space<semaphore_mem>>, %arg14: memref<2x!tpu.dma_semaphore, #tpu.memory_space<semaphore_mem>>) attributes {dimension_semantics = [#tpu.dimension_semantics<core_parallel>, #tpu.dimension_semantics<subcore_parallel>], iteration_bounds = array<i64: 2, 16>, scalar_prefetch = 0 : i64, scratch_operands = 8 : i64, tpu.core_type = #tpu.core_type<sc_vector_subcore>, window_params = [{transform_indices = #map}, {transform_indices = #map}, {transform_indices = #map}, {transform_indices = #map1}, {transform_indices = #map1}]} {
    %iota3A = tpu.iota {dimensions = array<i32: 0>} : vector<16xi32>
    %lt3A = arith.constant 2 : i32
    %lt3A_0 = arith.cmpi slt, %arg1, %lt3A : i32
    %not3A = arith.constant true
    %not3A_1 = arith.xori %lt3A_0, %not3A : i1
    %convert_element_type3A = arith.extui %not3A_1 : i1 to i32
    %cond3A = arith.constant 0 : i32
    %cond3A_2 = arith.cmpi ne, %convert_element_type3A, %cond3A : i32
    scf.if %cond3A_2 {
      %broadcast_in_dim3A = arith.constant 0.000000e+00 : f32
      %broadcast_in_dim3A_9 = vector.broadcast %broadcast_in_dim3A : f32 to vector<16xf32>
      %scan3A = arith.constant 0 : i32
      %scan3A_10 = arith.constant 0 : i32
      %scan3A_11 = arith.constant 112 : i32
      %scan3A_12 = arith.addi %scan3A_10, %scan3A_11 : i32
      %scan3A_13 = arith.constant 1 : i32
      %scan3A_14 = scf.for %scan3A_64 = %scan3A_10 to %scan3A_12 step %scan3A_13 iter_args(%scan3A_65 = %scan3A) -> (i32)  : i32 {
        %swap3A = arith.index_cast %scan3A_64 : i32 to index
        %swap3A_66 = arith.constant 0 : index
        %swap3A_67 = tpu.vector_load %arg7[%swap3A, %swap3A_66] {strides = array<i32>} : memref<112x128xf32, #tpu.memory_space<vmem>>, vector<16xf32>,
        tpu.vector_store %arg7[%swap3A, %swap3A_66], %broadcast_in_dim3A_9 {strides = array<i32>} : memref<112x128xf32, #tpu.memory_space<vmem>>, vector<16xf32>,
        %swap3A_68 = arith.index_cast %scan3A_64 : i32 to index
        %swap3A_69 = arith.constant 16 : index
        %swap3A_70 = tpu.vector_load %arg7[%swap3A_68, %swap3A_69] {strides = array<i32>} : memref<112x128xf32, #tpu.memory_space<vmem>>, vector<16xf32>,
        tpu.vector_store %arg7[%swap3A_68, %swap3A_69], %broadcast_in_dim3A_9 {strides = array<i32>} : memref<112x128xf32, #tpu.memory_space<vmem>>, vector<16xf32>,
        %swap3A_71 = arith.index_cast %scan3A_64 : i32 to index
        %swap3A_72 = arith.constant 32 : index
        %swap3A_73 = tpu.vector_load %arg7[%swap3A_71, %swap3A_72] {strides = array<i32>} : memref<112x128xf32, #tpu.memory_space<vmem>>, vector<16xf32>,
        tpu.vector_store %arg7[%swap3A_71, %swap3A_72], %broadcast_in_dim3A_9 {strides = array<i32>} : memref<112x128xf32, #tpu.memory_space<vmem>>, vector<16xf32>,
        %swap3A_74 = arith.index_cast %scan3A_64 : i32 to index
        %swap3A_75 = arith.constant 48 : index
        %swap3A_76 = tpu.vector_load %arg7[%swap3A_74, %swap3A_75] {strides = array<i32>} : memref<112x128xf32, #tpu.memory_space<vmem>>, vector<16xf32>,
        tpu.vector_store %arg7[%swap3A_74, %swap3A_75], %broadcast_in_dim3A_9 {strides = array<i32>} : memref<112x128xf32, #tpu.memory_space<vmem>>, vector<16xf32>,
        %swap3A_77 = arith.index_cast %scan3A_64 : i32 to index
        %swap3A_78 = arith.constant 64 : index
        %swap3A_79 = tpu.vector_load %arg7[%swap3A_77, %swap3A_78] {strides = array<i32>} : memref<112x128xf32, #tpu.memory_space<vmem>>, vector<16xf32>,
        tpu.vector_store %arg7[%swap3A_77, %swap3A_78], %broadcast_in_dim3A_9 {strides = array<i32>} : memref<112x128xf32, #tpu.memory_space<vmem>>, vector<16xf32>,
        %swap3A_80 = arith.index_cast %scan3A_64 : i32 to index
        %swap3A_81 = arith.constant 80 : index
        %swap3A_82 = tpu.vector_load %arg7[%swap3A_80, %swap3A_81] {strides = array<i32>} : memref<112x128xf32, #tpu.memory_space<vmem>>, vector<16xf32>,
        tpu.vector_store %arg7[%swap3A_80, %swap3A_81], %broadcast_in_dim3A_9 {strides = array<i32>} : memref<112x128xf32, #tpu.memory_space<vmem>>, vector<16xf32>,
        %swap3A_83 = arith.index_cast %scan3A_64 : i32 to index
        %swap3A_84 = arith.constant 96 : index
        %swap3A_85 = tpu.vector_load %arg7[%swap3A_83, %swap3A_84] {strides = array<i32>} : memref<112x128xf32, #tpu.memory_space<vmem>>, vector<16xf32>,
        tpu.vector_store %arg7[%swap3A_83, %swap3A_84], %broadcast_in_dim3A_9 {strides = array<i32>} : memref<112x128xf32, #tpu.memory_space<vmem>>, vector<16xf32>,
        %swap3A_86 = arith.index_cast %scan3A_64 : i32 to index
        %swap3A_87 = arith.constant 112 : index
        %swap3A_88 = tpu.vector_load %arg7[%swap3A_86, %swap3A_87] {strides = array<i32>} : memref<112x128xf32, #tpu.memory_space<vmem>>, vector<16xf32>,
        tpu.vector_store %arg7[%swap3A_86, %swap3A_87], %broadcast_in_dim3A_9 {strides = array<i32>} : memref<112x128xf32, #tpu.memory_space<vmem>>, vector<16xf32>,
        %scan3A_89 = arith.constant 0 : i32
        scf.yield %scan3A_89 : i32
      }
      %scan3A_15 = arith.constant 112 : i32
      %sub3A = arith.constant 2 : i32
      %sub3A_16 = arith.subi %arg1, %sub3A : i32
      %mul3A = arith.constant 2 : i32
      %mul3A_17 = arith.muli %arg0, %mul3A : i32
      %jit3A = arith.constant 7 : i32
      %div3A = arith.divsi %sub3A_16, %jit3A : i32
      %sign3A = arith.constant 0 : i32
      %sign3A_18 = arith.cmpi sgt, %sub3A_16, %sign3A : i32
      %sign3A_19 = arith.extui %sign3A_18 : i1 to i32
      %sign3A_20 = arith.constant 0 : i32
      %sign3A_21 = arith.cmpi slt, %sub3A_16, %sign3A_20 : i32
      %sign3A_22 = arith.extui %sign3A_21 : i1 to i32
      %sign3A_23 = arith.subi %sign3A_19, %sign3A_22 : i32
      %sign3A_24 = arith.constant 0 : i32
      %sign3A_25 = arith.cmpi sgt, %jit3A, %sign3A_24 : i32
      %sign3A_26 = arith.extui %sign3A_25 : i1 to i32
      %sign3A_27 = arith.constant 0 : i32
      %sign3A_28 = arith.cmpi slt, %jit3A, %sign3A_27 : i32
      %sign3A_29 = arith.extui %sign3A_28 : i1 to i32
      %sign3A_30 = arith.subi %sign3A_26, %sign3A_29 : i32
      %ne3A = arith.cmpi ne, %sign3A_23, %sign3A_30 : i32
      %rem3A = arith.remsi %sub3A_16, %jit3A : i32
      %ne3A_31 = arith.constant 0 : i32
      %ne3A_32 = arith.cmpi ne, %rem3A, %ne3A_31 : i32
      %and3A = arith.andi %ne3A, %ne3A_32 : i1
      %sub3A_33 = arith.constant 1 : i32
      %sub3A_34 = arith.subi %div3A, %sub3A_33 : i32
      %select_n3A = arith.select %and3A, %sub3A_34, %div3A : i32
      %add3A = arith.addi %mul3A_17, %select_n3A : i32
      %mul3A_35 = arith.constant 66672 : i32
      %mul3A_36 = arith.muli %add3A, %mul3A_35 : i32
      %jit3A_37 = arith.constant 7 : i32
      %eq3A = arith.constant 0 : i32
      %eq3A_38 = arith.cmpi eq, %jit3A_37, %eq3A : i32
      %jit3A_39 = arith.constant 1 : i32
      %select_n3A_40 = arith.select %eq3A_38, %jit3A_39, %jit3A_37 : i32
      %rem3A_41 = arith.remsi %sub3A_16, %select_n3A_40 : i32
      %ne3A_42 = arith.constant 0 : i32
      %ne3A_43 = arith.cmpi ne, %rem3A_41, %ne3A_42 : i32
      %lt3A_44 = arith.constant 0 : i32
      %lt3A_45 = arith.cmpi slt, %rem3A_41, %lt3A_44 : i32
      %lt3A_46 = arith.constant 0 : i32
      %lt3A_47 = arith.cmpi slt, %select_n3A_40, %lt3A_46 : i32
      %ne3A_48 = arith.xori %lt3A_45, %lt3A_47 : i1
      %and3A_49 = arith.andi %ne3A_48, %ne3A_43 : i1
      %add3A_50 = arith.addi %rem3A_41, %select_n3A_40 : i32
      %select_n3A_51 = arith.select %and3A_49, %add3A_50, %rem3A_41 : i32
      %mul3A_52 = arith.constant 9512 : i32
      %mul3A_53 = arith.muli %select_n3A_51, %mul3A_52 : i32
      %add3A_54 = arith.addi %mul3A_36, %mul3A_53 : i32
      %scan3A_55 = arith.constant 0 : i32
      %scan3A_56 = arith.constant 0 : i32
      %scan3A_57 = arith.constant 42 : i32
      %scan3A_58 = arith.addi %scan3A_56, %scan3A_57 : i32
      %scan3A_59 = arith.constant 1 : i32
      %scan3A_60 = scf.for %scan3A_64 = %scan3A_56 to %scan3A_58 step %scan3A_59 iter_args(%scan3A_65 = %scan3A_55) -> (i32)  : i32 {
        %mul3A_66 = arith.constant 2 : i32
        %mul3A_67 = arith.muli %mul3A_66, %scan3A_64 : i32
        %mul3A_68 = arith.constant 112 : i32
        %mul3A_69 = arith.muli %mul3A_67, %mul3A_68 : i32
        %add3A_70 = arith.addi %add3A_54, %mul3A_69 : i32
        %mul3A_71 = arith.constant 2 : i32
        %mul3A_72 = arith.muli %mul3A_71, %scan3A_64 : i32
        %add3A_73 = arith.constant 1 : i32
        %add3A_74 = arith.addi %mul3A_72, %add3A_73 : i32
        %mul3A_75 = arith.constant 112 : i32
        %mul3A_76 = arith.muli %add3A_74, %mul3A_75 : i32
        %add3A_77 = arith.addi %add3A_54, %mul3A_76 : i32
        %dma_start3A = arith.constant 0 : i32
        %dma_start3A_78 = arith.constant 0 : i32
        %dma_start3A_79 = tpu.memref_slice %arg6[%add3A_70, %dma_start3A_78] : memref<266688x128xf32, #tpu.memory_space<hbm>> -> memref<112x128xf32, #tpu.memory_space<hbm>>
        %dma_start3A_80 = tpu.memref_slice %arg13[%dma_start3A] : memref<2x!tpu.dma_semaphore, #tpu.memory_space<semaphore_mem>> -> memref<1x!tpu.dma_semaphore, #tpu.memory_space<semaphore_mem>>
        %dma_start3A_81 = tpu.memref_squeeze %dma_start3A_80 : memref<1x!tpu.dma_semaphore, #tpu.memory_space<semaphore_mem>> -> memref<!tpu.dma_semaphore, #tpu.memory_space<semaphore_mem>>
        %dma_start3A_82 = arith.constant 0 : i32
        %dma_start3A_83 = tpu.memref_slice %arg6[%add3A_70, %dma_start3A_82] : memref<266688x128xf32, #tpu.memory_space<hbm>> -> memref<112x128xf32, #tpu.memory_space<hbm>>
        tpu.enqueue_dma source(%arg7 : memref<112x128xf32, #tpu.memory_space<vmem>>) target(%dma_start3A_83 : memref<112x128xf32, #tpu.memory_space<hbm>>) target_semaphore(%dma_start3A_81 : memref<!tpu.dma_semaphore, #tpu.memory_space<semaphore_mem>>)
        %dma_start3A_84 = arith.constant 1 : i32
        %dma_start3A_85 = arith.constant 0 : i32
        %dma_start3A_86 = tpu.memref_slice %arg6[%add3A_77, %dma_start3A_85] : memref<266688x128xf32, #tpu.memory_space<hbm>> -> memref<112x128xf32, #tpu.memory_space<hbm>>
        %dma_start3A_87 = tpu.memref_slice %arg13[%dma_start3A_84] : memref<2x!tpu.dma_semaphore, #tpu.memory_space<semaphore_mem>> -> memref<1x!tpu.dma_semaphore, #tpu.memory_space<semaphore_mem>>
        %dma_start3A_88 = tpu.memref_squeeze %dma_start3A_87 : memref<1x!tpu.dma_semaphore, #tpu.memory_space<semaphore_mem>> -> memref<!tpu.dma_semaphore, #tpu.memory_space<semaphore_mem>>
        %dma_start3A_89 = arith.constant 0 : i32
        %dma_start3A_90 = tpu.memref_slice %arg6[%add3A_77, %dma_start3A_89] : memref<266688x128xf32, #tpu.memory_space<hbm>> -> memref<112x128xf32, #tpu.memory_space<hbm>>
        tpu.enqueue_dma source(%arg7 : memref<112x128xf32, #tpu.memory_space<vmem>>) target(%dma_start3A_90 : memref<112x128xf32, #tpu.memory_space<hbm>>) target_semaphore(%dma_start3A_88 : memref<!tpu.dma_semaphore, #tpu.memory_space<semaphore_mem>>)
        %dma_wait3A = arith.constant 0 : i32
        %dma_wait3A_91 = arith.constant 0 : i32
        %dma_wait3A_92 = tpu.memref_slice %arg6[%add3A_70, %dma_wait3A_91] : memref<266688x128xf32, #tpu.memory_space<hbm>> -> memref<112x128xf32, #tpu.memory_space<hbm>>
        %dma_wait3A_93 = tpu.memref_slice %arg13[%dma_wait3A] : memref<2x!tpu.dma_semaphore, #tpu.memory_space<semaphore_mem>> -> memref<1x!tpu.dma_semaphore, #tpu.memory_space<semaphore_mem>>
        %dma_wait3A_94 = tpu.memref_squeeze %dma_wait3A_93 : memref<1x!tpu.dma_semaphore, #tpu.memory_space<semaphore_mem>> -> memref<!tpu.dma_semaphore, #tpu.memory_space<semaphore_mem>>
        %dma_wait3A_95 = arith.constant 0 : i32
        %dma_wait3A_96 = tpu.memref_slice %arg6[%add3A_70, %dma_wait3A_95] : memref<266688x128xf32, #tpu.memory_space<hbm>> -> memref<112x128xf32, #tpu.memory_space<hbm>>
        tpu.wait_dma2 semaphore(%dma_wait3A_94 : memref<!tpu.dma_semaphore, #tpu.memory_space<semaphore_mem>>) src(%arg7 : memref<112x128xf32, #tpu.memory_space<vmem>>) dst(%dma_wait3A_96 : memref<112x128xf32, #tpu.memory_space<hbm>>)
        %dma_wait3A_97 = arith.constant 1 : i32
        %dma_wait3A_98 = arith.constant 0 : i32
        %dma_wait3A_99 = tpu.memref_slice %arg6[%add3A_77, %dma_wait3A_98] : memref<266688x128xf32, #tpu.memory_space<hbm>> -> memref<112x128xf32, #tpu.memory_space<hbm>>
        %dma_wait3A_100 = tpu.memref_slice %arg13[%dma_wait3A_97] : memref<2x!tpu.dma_semaphore, #tpu.memory_space<semaphore_mem>> -> memref<1x!tpu.dma_semaphore, #tpu.memory_space<semaphore_mem>>
        %dma_wait3A_101 = tpu.memref_squeeze %dma_wait3A_100 : memref<1x!tpu.dma_semaphore, #tpu.memory_space<semaphore_mem>> -> memref<!tpu.dma_semaphore, #tpu.memory_space<semaphore_mem>>
        %dma_wait3A_102 = arith.constant 0 : i32
        %dma_wait3A_103 = tpu.memref_slice %arg6[%add3A_77, %dma_wait3A_102] : memref<266688x128xf32, #tpu.memory_space<hbm>> -> memref<112x128xf32, #tpu.memory_space<hbm>>
        tpu.wait_dma2 semaphore(%dma_wait3A_101 : memref<!tpu.dma_semaphore, #tpu.memory_space<semaphore_mem>>) src(%arg7 : memref<112x128xf32, #tpu.memory_space<vmem>>) dst(%dma_wait3A_103 : memref<112x128xf32, #tpu.memory_space<hbm>>)
        %scan3A_104 = arith.constant 0 : i32
        scf.yield %scan3A_104 : i32
      }
      %scan3A_61 = arith.constant 42 : i32
      %add3A_62 = arith.constant 9408 : i32
      %add3A_63 = arith.addi %add3A_54, %add3A_62 : i32
      "tpu.region"() ({
        %run_scoped3A = tpu.sem_alloc : memref<!tpu.dma_semaphore, #tpu.memory_space<semaphore_mem>>
        %dma_start3A = arith.constant 0 : i32
        %dma_start3A_64 = arith.constant 0 : i32
        %dma_start3A_65 = tpu.memref_slice %arg7[%dma_start3A, %dma_start3A_64] : memref<112x128xf32, #tpu.memory_space<vmem>> -> memref<104x128xf32, #tpu.memory_space<vmem>>
        %dma_start3A_66 = arith.constant 0 : i32
        %dma_start3A_67 = tpu.memref_slice %arg6[%add3A_63, %dma_start3A_66] : memref<266688x128xf32, #tpu.memory_space<hbm>> -> memref<104x128xf32, #tpu.memory_space<hbm>>
        %dma_start3A_68 = arith.constant 0 : i32
        %dma_start3A_69 = tpu.memref_slice %arg6[%add3A_63, %dma_start3A_68] : memref<266688x128xf32, #tpu.memory_space<hbm>> -> memref<104x128xf32, #tpu.memory_space<hbm>>
        %dma_start3A_70 = arith.constant 0 : i32
        %dma_start3A_71 = arith.constant 0 : i32
        %dma_start3A_72 = tpu.memref_slice %arg7[%dma_start3A_70, %dma_start3A_71] : memref<112x128xf32, #tpu.memory_space<vmem>> -> memref<104x128xf32, #tpu.memory_space<vmem>>
        tpu.enqueue_dma source(%dma_start3A_72 : memref<104x128xf32, #tpu.memory_space<vmem>>) target(%dma_start3A_69 : memref<104x128xf32, #tpu.memory_space<hbm>>) target_semaphore(%run_scoped3A : memref<!tpu.dma_semaphore, #tpu.memory_space<semaphore_mem>>)
        %dma_wait3A = arith.constant 0 : i32
        %dma_wait3A_73 = arith.constant 0 : i32
        %dma_wait3A_74 = tpu.memref_slice %arg7[%dma_wait3A, %dma_wait3A_73] : memref<112x128xf32, #tpu.memory_space<vmem>> -> memref<104x128xf32, #tpu.memory_space<vmem>>
        %dma_wait3A_75 = arith.constant 0 : i32
        %dma_wait3A_76 = tpu.memref_slice %arg6[%add3A_63, %dma_wait3A_75] : memref<266688x128xf32, #tpu.memory_space<hbm>> -> memref<104x128xf32, #tpu.memory_space<hbm>>
        %dma_wait3A_77 = arith.constant 0 : i32
        %dma_wait3A_78 = tpu.memref_slice %arg6[%add3A_63, %dma_wait3A_77] : memref<266688x128xf32, #tpu.memory_space<hbm>> -> memref<104x128xf32, #tpu.memory_space<hbm>>
        %dma_wait3A_79 = arith.constant 0 : i32
        %dma_wait3A_80 = arith.constant 0 : i32
        %dma_wait3A_81 = tpu.memref_slice %arg7[%dma_wait3A_79, %dma_wait3A_80] : memref<112x128xf32, #tpu.memory_space<vmem>> -> memref<104x128xf32, #tpu.memory_space<vmem>>
        tpu.wait_dma2 semaphore(%run_scoped3A : memref<!tpu.dma_semaphore, #tpu.memory_space<semaphore_mem>>) src(%dma_wait3A_81 : memref<104x128xf32, #tpu.memory_space<vmem>>) dst(%dma_wait3A_78 : memref<104x128xf32, #tpu.memory_space<hbm>>)
        tpu.yield
      }) : () -> ()
    } else {
    }
    %convert_element_type3A_3 = arith.extui %lt3A_0 : i1 to i32
    %cond3A_4 = arith.constant 0 : i32
    %cond3A_5 = arith.cmpi ne, %convert_element_type3A_3, %cond3A_4 : i32
    scf.if %cond3A_5 {
      %mul3A = arith.constant 2 : i32
      %mul3A_9 = arith.muli %arg0, %mul3A : i32
      %add3A = arith.constant 4 : i32
      %add3A_10 = arith.addi %add3A, %mul3A_9 : i32
      %add3A_11 = arith.addi %add3A_10, %arg1 : i32
      %mul3A_12 = arith.constant 12000 : i32
      %mul3A_13 = arith.muli %add3A_11, %mul3A_12 : i32
      "tpu.region"() ({
        %run_scoped3A = tpu.sem_alloc : memref<!tpu.dma_semaphore, #tpu.memory_space<semaphore_mem>>
        %dma_start3A = tpu.memref_slice %arg3[%mul3A_13] : memref<96000xi32, #tpu.memory_space<hbm>> -> memref<12000xi32, #tpu.memory_space<hbm>>
        %dma_start3A_51 = tpu.memref_slice %arg3[%mul3A_13] : memref<96000xi32, #tpu.memory_space<hbm>> -> memref<12000xi32, #tpu.memory_space<hbm>>
        tpu.enqueue_dma source(%dma_start3A_51 : memref<12000xi32, #tpu.memory_space<hbm>>) target(%arg8 : memref<12000xi32, #tpu.memory_space<vmem>>) target_semaphore(%run_scoped3A : memref<!tpu.dma_semaphore, #tpu.memory_space<semaphore_mem>>)
        %dma_wait3A = tpu.memref_slice %arg3[%mul3A_13] : memref<96000xi32, #tpu.memory_space<hbm>> -> memref<12000xi32, #tpu.memory_space<hbm>>
        %dma_wait3A_52 = tpu.memref_slice %arg3[%mul3A_13] : memref<96000xi32, #tpu.memory_space<hbm>> -> memref<12000xi32, #tpu.memory_space<hbm>>
        tpu.wait_dma2 semaphore(%run_scoped3A : memref<!tpu.dma_semaphore, #tpu.memory_space<semaphore_mem>>) src(%dma_wait3A_52 : memref<12000xi32, #tpu.memory_space<hbm>>) dst(%arg8 : memref<12000xi32, #tpu.memory_space<vmem>>)
        tpu.yield
      }) : () -> ()
      %mul3A_14 = arith.constant 12000 : i32
      %mul3A_15 = arith.muli %add3A_11, %mul3A_14 : i32
      "tpu.region"() ({
        %run_scoped3A = tpu.sem_alloc : memref<!tpu.dma_semaphore, #tpu.memory_space<semaphore_mem>>
        %dma_start3A = tpu.memref_slice %arg4[%mul3A_15] : memref<96000xi32, #tpu.memory_space<hbm>> -> memref<12000xi32, #tpu.memory_space<hbm>>
        %dma_start3A_51 = tpu.memref_slice %arg4[%mul3A_15] : memref<96000xi32, #tpu.memory_space<hbm>> -> memref<12000xi32, #tpu.memory_space<hbm>>
        tpu.enqueue_dma source(%dma_start3A_51 : memref<12000xi32, #tpu.memory_space<hbm>>) target(%arg9 : memref<12000xi32, #tpu.memory_space<vmem>>) target_semaphore(%run_scoped3A : memref<!tpu.dma_semaphore, #tpu.memory_space<semaphore_mem>>)
        %dma_wait3A = tpu.memref_slice %arg4[%mul3A_15] : memref<96000xi32, #tpu.memory_space<hbm>> -> memref<12000xi32, #tpu.memory_space<hbm>>
        %dma_wait3A_52 = tpu.memref_slice %arg4[%mul3A_15] : memref<96000xi32, #tpu.memory_space<hbm>> -> memref<12000xi32, #tpu.memory_space<hbm>>
        tpu.wait_dma2 semaphore(%run_scoped3A : memref<!tpu.dma_semaphore, #tpu.memory_space<semaphore_mem>>) src(%dma_wait3A_52 : memref<12000xi32, #tpu.memory_space<hbm>>) dst(%arg9 : memref<12000xi32, #tpu.memory_space<vmem>>)
        tpu.yield
      }) : () -> ()
      %broadcast_in_dim3A = arith.constant -1 : i32
      %broadcast_in_dim3A_16 = vector.broadcast %broadcast_in_dim3A : i32 to vector<16xi32>
      %scan3A = arith.constant 0 : i32
      %scan3A_17 = arith.constant 0 : i32
      %scan3A_18 = arith.constant 4161 : i32
      %scan3A_19 = arith.addi %scan3A_17, %scan3A_18 : i32
      %scan3A_20 = arith.constant 1 : i32
      %scan3A_21 = scf.for %scan3A_51 = %scan3A_17 to %scan3A_19 step %scan3A_20 iter_args(%scan3A_52 = %scan3A) -> (i32)  : i32 {
        %mul3A_53 = arith.constant 16 : i32
        %mul3A_54 = arith.muli %scan3A_51, %mul3A_53 : i32
        %swap3A = arith.index_cast %mul3A_54 : i32 to index
        %swap3A_55 = tpu.vector_load %arg10[%swap3A] {strides = array<i32>} : memref<66576xi32, #tpu.memory_space<vmem>>, vector<16xi32>,
        tpu.vector_store %arg10[%swap3A], %broadcast_in_dim3A_16 {strides = array<i32>} : memref<66576xi32, #tpu.memory_space<vmem>>, vector<16xi32>,
        %scan3A_56 = arith.constant 0 : i32
        scf.yield %scan3A_56 : i32
      }
      %scan3A_22 = arith.constant 4161 : i32
      %scan3A_23 = arith.constant 0 : i32
      %scan3A_24 = arith.constant 0 : i32
      %scan3A_25 = arith.constant 750 : i32
      %scan3A_26 = arith.addi %scan3A_24, %scan3A_25 : i32
      %scan3A_27 = arith.constant 1 : i32
      %scan3A_28 = scf.for %scan3A_51 = %scan3A_24 to %scan3A_26 step %scan3A_27 iter_args(%scan3A_52 = %scan3A_23) -> (i32)  : i32 {
        %mul3A_53 = arith.constant 16 : i32
        %mul3A_54 = arith.muli %scan3A_51, %mul3A_53 : i32
        %get3A = arith.index_cast %mul3A_54 : i32 to index
        %get3A_55 = tpu.vector_load %arg8[%get3A] {strides = array<i32>} : memref<12000xi32, #tpu.memory_space<vmem>>, vector<16xi32>,
        %get3A_56 = arith.index_cast %mul3A_54 : i32 to index
        %get3A_57 = tpu.vector_load %arg9[%get3A_56] {strides = array<i32>} : memref<12000xi32, #tpu.memory_space<vmem>>, vector<16xi32>,
        %ge3A = arith.constant 0 : i32
        %ge3A_58 = vector.broadcast %ge3A : i32 to vector<16xi32>
        %ge3A_59 = arith.cmpi sge, %get3A_55, %ge3A_58 : vector<16xi32>
        %lt3A_60 = arith.constant 256 : i32
        %lt3A_61 = vector.broadcast %lt3A_60 : i32 to vector<16xi32>
        %lt3A_62 = arith.cmpi slt, %get3A_55, %lt3A_61 : vector<16xi32>
        %and3A = arith.andi %ge3A_59, %lt3A_62 : vector<16xi1>
        %ge3A_63 = arith.constant 0 : i32
        %ge3A_64 = vector.broadcast %ge3A_63 : i32 to vector<16xi32>
        %ge3A_65 = arith.cmpi sge, %get3A_57, %ge3A_64 : vector<16xi32>
        %and3A_66 = arith.andi %and3A, %ge3A_65 : vector<16xi1>
        %lt3A_67 = arith.constant 256 : i32
        %lt3A_68 = vector.broadcast %lt3A_67 : i32 to vector<16xi32>
        %lt3A_69 = arith.cmpi slt, %get3A_57, %lt3A_68 : vector<16xi32>
        %and3A_70 = arith.andi %and3A_66, %lt3A_69 : vector<16xi1>
        %add3A_71 = arith.constant 1 : i32
        %add3A_72 = vector.broadcast %add3A_71 : i32 to vector<16xi32>
        %add3A_73 = arith.addi %get3A_55, %add3A_72 : vector<16xi32>
        %mul3A_74 = arith.constant 258 : i32
        %mul3A_75 = vector.broadcast %mul3A_74 : i32 to vector<16xi32>
        %mul3A_76 = arith.muli %add3A_73, %mul3A_75 : vector<16xi32>
        %add3A_77 = arith.constant 1 : i32
        %add3A_78 = vector.broadcast %add3A_77 : i32 to vector<16xi32>
        %add3A_79 = arith.addi %get3A_57, %add3A_78 : vector<16xi32>
        %add3A_80 = arith.addi %mul3A_76, %add3A_79 : vector<16xi32>
        %jit3A = arith.constant 66568 : i32
        %broadcast_in_dim3A_81 = vector.broadcast %jit3A : i32 to vector<16xi32>
        %select_n3A = arith.select %and3A_70, %add3A_80, %broadcast_in_dim3A_81 : vector<16xi1>, vector<16xi32>
        %mul3A_82 = arith.constant 16 : i32
        %mul3A_83 = arith.muli %scan3A_51, %mul3A_82 : i32
        %add3A_84 = vector.broadcast %mul3A_83 : i32 to vector<16xi32>
        %add3A_85 = arith.addi %iota3A, %add3A_84 : vector<16xi32>
        tpu.vector_store_idx %arg10[%select_n3A], %add3A_85 : memref<66576xi32, #tpu.memory_space<vmem>>[vector<16xi32>], vector<16xi32>,
        %scan3A_86 = arith.constant 0 : i32
        scf.yield %scan3A_86 : i32
      }
      %scan3A_29 = arith.constant 750 : i32
      %scan3A_30 = arith.constant 0 : i32
      %scan3A_31 = arith.constant 0 : i32
      %scan3A_32 = arith.constant 750 : i32
      %scan3A_33 = arith.addi %scan3A_31, %scan3A_32 : i32
      %scan3A_34 = arith.constant 1 : i32
      %scan3A_35 = scf.for %scan3A_51 = %scan3A_31 to %scan3A_33 step %scan3A_34 iter_args(%scan3A_52 = %scan3A_30) -> (i32)  : i32 {
        %mul3A_53 = arith.constant 16 : i32
        %mul3A_54 = arith.muli %scan3A_51, %mul3A_53 : i32
        %get3A = arith.index_cast %mul3A_54 : i32 to index
        %get3A_55 = tpu.vector_load %arg8[%get3A] {strides = array<i32>} : memref<12000xi32, #tpu.memory_space<vmem>>, vector<16xi32>,
        %get3A_56 = arith.index_cast %mul3A_54 : i32 to index
        %get3A_57 = tpu.vector_load %arg9[%get3A_56] {strides = array<i32>} : memref<12000xi32, #tpu.memory_space<vmem>>, vector<16xi32>,
        %ge3A = arith.constant 0 : i32
        %ge3A_58 = vector.broadcast %ge3A : i32 to vector<16xi32>
        %ge3A_59 = arith.cmpi sge, %get3A_55, %ge3A_58 : vector<16xi32>
        %lt3A_60 = arith.constant 256 : i32
        %lt3A_61 = vector.broadcast %lt3A_60 : i32 to vector<16xi32>
        %lt3A_62 = arith.cmpi slt, %get3A_55, %lt3A_61 : vector<16xi32>
        %and3A = arith.andi %ge3A_59, %lt3A_62 : vector<16xi1>
        %ge3A_63 = arith.constant 0 : i32
        %ge3A_64 = vector.broadcast %ge3A_63 : i32 to vector<16xi32>
        %ge3A_65 = arith.cmpi sge, %get3A_57, %ge3A_64 : vector<16xi32>
        %and3A_66 = arith.andi %and3A, %ge3A_65 : vector<16xi1>
        %lt3A_67 = arith.constant 256 : i32
        %lt3A_68 = vector.broadcast %lt3A_67 : i32 to vector<16xi32>
        %lt3A_69 = arith.cmpi slt, %get3A_57, %lt3A_68 : vector<16xi32>
        %and3A_70 = arith.andi %and3A_66, %lt3A_69 : vector<16xi1>
        %add3A_71 = arith.constant 1 : i32
        %add3A_72 = vector.broadcast %add3A_71 : i32 to vector<16xi32>
        %add3A_73 = arith.addi %get3A_55, %add3A_72 : vector<16xi32>
        %mul3A_74 = arith.constant 258 : i32
        %mul3A_75 = vector.broadcast %mul3A_74 : i32 to vector<16xi32>
        %mul3A_76 = arith.muli %add3A_73, %mul3A_75 : vector<16xi32>
        %add3A_77 = arith.constant 1 : i32
        %add3A_78 = vector.broadcast %add3A_77 : i32 to vector<16xi32>
        %add3A_79 = arith.addi %get3A_57, %add3A_78 : vector<16xi32>
        %add3A_80 = arith.addi %mul3A_76, %add3A_79 : vector<16xi32>
        %jit3A = arith.constant 66568 : i32
        %broadcast_in_dim3A_81 = vector.broadcast %jit3A : i32 to vector<16xi32>
        %select_n3A = arith.select %and3A_70, %add3A_80, %broadcast_in_dim3A_81 : vector<16xi1>, vector<16xi32>
        %mul3A_82 = arith.constant 16 : i32
        %mul3A_83 = arith.muli %scan3A_51, %mul3A_82 : i32
        %add3A_84 = vector.broadcast %mul3A_83 : i32 to vector<16xi32>
        %add3A_85 = arith.addi %iota3A, %add3A_84 : vector<16xi32>
        %gather3A = tpu.vector_load_idx %arg10[%select_n3A] : memref<66576xi32, #tpu.memory_space<vmem>>[vector<16xi32>], vector<16xi32>,
        %gt3A = arith.cmpi sgt, %add3A_85, %gather3A : vector<16xi32>
        tpu.vector_store_idx %arg10[%select_n3A], %add3A_85 masked %gt3A : memref<66576xi32, #tpu.memory_space<vmem>>[vector<16xi32>], vector<16xi32>, vector<16xi1>
        %scan3A_86 = arith.constant 0 : i32
        scf.yield %scan3A_86 : i32
      }
      %scan3A_36 = arith.constant 750 : i32
      %scan3A_37 = arith.constant 0 : i32
      %scan3A_38 = arith.constant 0 : i32
      %scan3A_39 = arith.constant 750 : i32
      %scan3A_40 = arith.addi %scan3A_38, %scan3A_39 : i32
      %scan3A_41 = arith.constant 1 : i32
      %scan3A_42 = scf.for %scan3A_51 = %scan3A_38 to %scan3A_40 step %scan3A_41 iter_args(%scan3A_52 = %scan3A_37) -> (i32)  : i32 {
        %mul3A_53 = arith.constant 16 : i32
        %mul3A_54 = arith.muli %scan3A_51, %mul3A_53 : i32
        %get3A = arith.index_cast %mul3A_54 : i32 to index
        %get3A_55 = tpu.vector_load %arg8[%get3A] {strides = array<i32>} : memref<12000xi32, #tpu.memory_space<vmem>>, vector<16xi32>,
        %get3A_56 = arith.index_cast %mul3A_54 : i32 to index
        %get3A_57 = tpu.vector_load %arg9[%get3A_56] {strides = array<i32>} : memref<12000xi32, #tpu.memory_space<vmem>>, vector<16xi32>,
        %ge3A = arith.constant 0 : i32
        %ge3A_58 = vector.broadcast %ge3A : i32 to vector<16xi32>
        %ge3A_59 = arith.cmpi sge, %get3A_55, %ge3A_58 : vector<16xi32>
        %lt3A_60 = arith.constant 256 : i32
        %lt3A_61 = vector.broadcast %lt3A_60 : i32 to vector<16xi32>
        %lt3A_62 = arith.cmpi slt, %get3A_55, %lt3A_61 : vector<16xi32>
        %and3A = arith.andi %ge3A_59, %lt3A_62 : vector<16xi1>
        %ge3A_63 = arith.constant 0 : i32
        %ge3A_64 = vector.broadcast %ge3A_63 : i32 to vector<16xi32>
        %ge3A_65 = arith.cmpi sge, %get3A_57, %ge3A_64 : vector<16xi32>
        %and3A_66 = arith.andi %and3A, %ge3A_65 : vector<16xi1>
        %lt3A_67 = arith.constant 256 : i32
        %lt3A_68 = vector.broadcast %lt3A_67 : i32 to vector<16xi32>
        %lt3A_69 = arith.cmpi slt, %get3A_57, %lt3A_68 : vector<16xi32>
        %and3A_70 = arith.andi %and3A_66, %lt3A_69 : vector<16xi1>
        %add3A_71 = arith.constant 1 : i32
        %add3A_72 = vector.broadcast %add3A_71 : i32 to vector<16xi32>
        %add3A_73 = arith.addi %get3A_55, %add3A_72 : vector<16xi32>
        %mul3A_74 = arith.constant 258 : i32
        %mul3A_75 = vector.broadcast %mul3A_74 : i32 to vector<16xi32>
        %mul3A_76 = arith.muli %add3A_73, %mul3A_75 : vector<16xi32>
        %add3A_77 = arith.constant 1 : i32
        %add3A_78 = vector.broadcast %add3A_77 : i32 to vector<16xi32>
        %add3A_79 = arith.addi %get3A_57, %add3A_78 : vector<16xi32>
        %add3A_80 = arith.addi %mul3A_76, %add3A_79 : vector<16xi32>
        %jit3A = arith.constant 66568 : i32
        %broadcast_in_dim3A_81 = vector.broadcast %jit3A : i32 to vector<16xi32>
        %select_n3A = arith.select %and3A_70, %add3A_80, %broadcast_in_dim3A_81 : vector<16xi1>, vector<16xi32>
        %mul3A_82 = arith.constant 16 : i32
        %mul3A_83 = arith.muli %scan3A_51, %mul3A_82 : i32
        %add3A_84 = vector.broadcast %mul3A_83 : i32 to vector<16xi32>
        %add3A_85 = arith.addi %iota3A, %add3A_84 : vector<16xi32>
        %gather3A = tpu.vector_load_idx %arg10[%select_n3A] : memref<66576xi32, #tpu.memory_space<vmem>>[vector<16xi32>], vector<16xi32>,
        %gt3A = arith.cmpi sgt, %add3A_85, %gather3A : vector<16xi32>
        tpu.vector_store_idx %arg10[%select_n3A], %add3A_85 masked %gt3A : memref<66576xi32, #tpu.memory_space<vmem>>[vector<16xi32>], vector<16xi32>, vector<16xi1>
        %scan3A_86 = arith.constant 0 : i32
        scf.yield %scan3A_86 : i32
      }
      %scan3A_43 = arith.constant 750 : i32
      %scan3A_44 = arith.constant 0 : i32
      %scan3A_45 = arith.constant 0 : i32
      %scan3A_46 = arith.constant 750 : i32
      %scan3A_47 = arith.addi %scan3A_45, %scan3A_46 : i32
      %scan3A_48 = arith.constant 1 : i32
      %scan3A_49 = scf.for %scan3A_51 = %scan3A_45 to %scan3A_47 step %scan3A_48 iter_args(%scan3A_52 = %scan3A_44) -> (i32)  : i32 {
        %mul3A_53 = arith.constant 16 : i32
        %mul3A_54 = arith.muli %scan3A_51, %mul3A_53 : i32
        %get3A = arith.index_cast %mul3A_54 : i32 to index
        %get3A_55 = tpu.vector_load %arg8[%get3A] {strides = array<i32>} : memref<12000xi32, #tpu.memory_space<vmem>>, vector<16xi32>,
        %get3A_56 = arith.index_cast %mul3A_54 : i32 to index
        %get3A_57 = tpu.vector_load %arg9[%get3A_56] {strides = array<i32>} : memref<12000xi32, #tpu.memory_space<vmem>>, vector<16xi32>,
        %ge3A = arith.constant 0 : i32
        %ge3A_58 = vector.broadcast %ge3A : i32 to vector<16xi32>
        %ge3A_59 = arith.cmpi sge, %get3A_55, %ge3A_58 : vector<16xi32>
        %lt3A_60 = arith.constant 256 : i32
        %lt3A_61 = vector.broadcast %lt3A_60 : i32 to vector<16xi32>
        %lt3A_62 = arith.cmpi slt, %get3A_55, %lt3A_61 : vector<16xi32>
        %and3A = arith.andi %ge3A_59, %lt3A_62 : vector<16xi1>
        %ge3A_63 = arith.constant 0 : i32
        %ge3A_64 = vector.broadcast %ge3A_63 : i32 to vector<16xi32>
        %ge3A_65 = arith.cmpi sge, %get3A_57, %ge3A_64 : vector<16xi32>
        %and3A_66 = arith.andi %and3A, %ge3A_65 : vector<16xi1>
        %lt3A_67 = arith.constant 256 : i32
        %lt3A_68 = vector.broadcast %lt3A_67 : i32 to vector<16xi32>
        %lt3A_69 = arith.cmpi slt, %get3A_57, %lt3A_68 : vector<16xi32>
        %and3A_70 = arith.andi %and3A_66, %lt3A_69 : vector<16xi1>
        %add3A_71 = arith.constant 1 : i32
        %add3A_72 = vector.broadcast %add3A_71 : i32 to vector<16xi32>
        %add3A_73 = arith.addi %get3A_55, %add3A_72 : vector<16xi32>
        %mul3A_74 = arith.constant 258 : i32
        %mul3A_75 = vector.broadcast %mul3A_74 : i32 to vector<16xi32>
        %mul3A_76 = arith.muli %add3A_73, %mul3A_75 : vector<16xi32>
        %add3A_77 = arith.constant 1 : i32
        %add3A_78 = vector.broadcast %add3A_77 : i32 to vector<16xi32>
        %add3A_79 = arith.addi %get3A_57, %add3A_78 : vector<16xi32>
        %add3A_80 = arith.addi %mul3A_76, %add3A_79 : vector<16xi32>
        %jit3A = arith.constant 66568 : i32
        %broadcast_in_dim3A_81 = vector.broadcast %jit3A : i32 to vector<16xi32>
        %select_n3A = arith.select %and3A_70, %add3A_80, %broadcast_in_dim3A_81 : vector<16xi1>, vector<16xi32>
        %mul3A_82 = arith.constant 16 : i32
        %mul3A_83 = arith.muli %scan3A_51, %mul3A_82 : i32
        %add3A_84 = vector.broadcast %mul3A_83 : i32 to vector<16xi32>
        %add3A_85 = arith.addi %iota3A, %add3A_84 : vector<16xi32>
        %gather3A = tpu.vector_load_idx %arg10[%select_n3A] : memref<66576xi32, #tpu.memory_space<vmem>>[vector<16xi32>], vector<16xi32>,
        %gt3A = arith.cmpi sgt, %add3A_85, %gather3A : vector<16xi32>
        tpu.vector_store_idx %arg10[%select_n3A], %add3A_85 masked %gt3A : memref<66576xi32, #tpu.memory_space<vmem>>[vector<16xi32>], vector<16xi32>, vector<16xi1>
        %scan3A_86 = arith.constant 0 : i32
        scf.yield %scan3A_86 : i32
      }
      %scan3A_50 = arith.constant 750 : i32
    } else {
    }
    %barrier3A = arith.constant 0 : index
    tpu.barrier barrier_id(%barrier3A)
    %convert_element_type3A_6 = arith.extui %lt3A_0 : i1 to i32
    %cond3A_7 = arith.constant 0 : i32
    %cond3A_8 = arith.cmpi ne, %convert_element_type3A_6, %cond3A_7 : i32
    scf.if %cond3A_8 {
      %mul3A = arith.constant 2 : i32
      %mul3A_9 = arith.muli %arg0, %mul3A : i32
      %add3A = arith.constant 4 : i32
      %add3A_10 = arith.addi %add3A, %mul3A_9 : i32
      %add3A_11 = arith.addi %add3A_10, %arg1 : i32
      %mul3A_12 = arith.constant 2 : i32
      %mul3A_13 = arith.muli %arg0, %mul3A_12 : i32
      %add3A_14 = arith.addi %mul3A_13, %arg1 : i32
      %mul3A_15 = arith.constant 66672 : i32
      %mul3A_16 = arith.muli %add3A_14, %mul3A_15 : i32
      %mul3A_17 = arith.constant 12000 : i32
      %mul3A_18 = arith.muli %add3A_11, %mul3A_17 : i32
      %add3A_19 = arith.constant 0 : i32
      %add3A_20 = arith.addi %mul3A_18, %add3A_19 : i32
      %dma_start3A = arith.constant 0 : i32
      %dma_start3A_21 = arith.constant 0 : i32
      %dma_start3A_22 = arith.constant 0 : i32
      %dma_start3A_23 = arith.constant 0 : i32
      %dma_start3A_24 = tpu.memref_slice %arg11[%dma_start3A, %dma_start3A_22, %dma_start3A_23] : memref<2x96x128xf32, #tpu.memory_space<vmem>> -> memref<1x96x128xf32, #tpu.memory_space<vmem>>
      %dma_start3A_25 = tpu.memref_squeeze %dma_start3A_24 : memref<1x96x128xf32, #tpu.memory_space<vmem>> -> memref<96x128xf32, #tpu.memory_space<vmem>>
      %dma_start3A_26 = arith.constant 0 : i32
      %dma_start3A_27 = tpu.memref_slice %arg5[%add3A_20, %dma_start3A_26] : memref<96000x128xf32, #tpu.memory_space<hbm>> -> memref<96x128xf32, #tpu.memory_space<hbm>>
      %dma_start3A_28 = tpu.memref_slice %arg14[%dma_start3A_21] : memref<2x!tpu.dma_semaphore, #tpu.memory_space<semaphore_mem>> -> memref<1x!tpu.dma_semaphore, #tpu.memory_space<semaphore_mem>>
      %dma_start3A_29 = tpu.memref_squeeze %dma_start3A_28 : memref<1x!tpu.dma_semaphore, #tpu.memory_space<semaphore_mem>> -> memref<!tpu.dma_semaphore, #tpu.memory_space<semaphore_mem>>
      %dma_start3A_30 = arith.constant 0 : i32
      %dma_start3A_31 = arith.constant 0 : i32
      %dma_start3A_32 = tpu.memref_slice %arg11[%dma_start3A, %dma_start3A_30, %dma_start3A_31] : memref<2x96x128xf32, #tpu.memory_space<vmem>> -> memref<1x96x128xf32, #tpu.memory_space<vmem>>
      %dma_start3A_33 = tpu.memref_squeeze %dma_start3A_32 : memref<1x96x128xf32, #tpu.memory_space<vmem>> -> memref<96x128xf32, #tpu.memory_space<vmem>>
      %dma_start3A_34 = arith.constant 0 : i32
      %dma_start3A_35 = tpu.memref_slice %arg5[%add3A_20, %dma_start3A_34] : memref<96000x128xf32, #tpu.memory_space<hbm>> -> memref<96x128xf32, #tpu.memory_space<hbm>>
      tpu.enqueue_dma source(%dma_start3A_35 : memref<96x128xf32, #tpu.memory_space<hbm>>) target(%dma_start3A_33 : memref<96x128xf32, #tpu.memory_space<vmem>>) target_semaphore(%dma_start3A_29 : memref<!tpu.dma_semaphore, #tpu.memory_space<semaphore_mem>>)
      %scan3A = arith.constant 0 : i32
      %scan3A_36 = arith.constant 0 : i32
      %scan3A_37 = arith.constant 125 : i32
      %scan3A_38 = arith.addi %scan3A_36, %scan3A_37 : i32
      %scan3A_39 = arith.constant 1 : i32
      %scan3A_40 = scf.for %scan3A_55 = %scan3A_36 to %scan3A_38 step %scan3A_39 iter_args(%scan3A_56 = %scan3A) -> (i32)  : i32 {
        %rem3A_57 = arith.constant 2 : i32
        %rem3A_58 = arith.remsi %scan3A_55, %rem3A_57 : i32
        %sub3A = arith.constant 1 : i32
        %sub3A_59 = arith.subi %sub3A, %rem3A_58 : i32
        %mul3A_60 = arith.constant 12000 : i32
        %mul3A_61 = arith.muli %add3A_11, %mul3A_60 : i32
        %mul3A_62 = arith.constant 96 : i32
        %mul3A_63 = arith.muli %scan3A_55, %mul3A_62 : i32
        %add3A_64 = arith.addi %mul3A_61, %mul3A_63 : i32
        %dma_wait3A_65 = arith.constant 0 : i32
        %dma_wait3A_66 = arith.constant 0 : i32
        %dma_wait3A_67 = tpu.memref_slice %arg11[%rem3A_58, %dma_wait3A_65, %dma_wait3A_66] : memref<2x96x128xf32, #tpu.memory_space<vmem>> -> memref<1x96x128xf32, #tpu.memory_space<vmem>>
        %dma_wait3A_68 = tpu.memref_squeeze %dma_wait3A_67 : memref<1x96x128xf32, #tpu.memory_space<vmem>> -> memref<96x128xf32, #tpu.memory_space<vmem>>
        %dma_wait3A_69 = arith.constant 0 : i32
        %dma_wait3A_70 = tpu.memref_slice %arg5[%add3A_64, %dma_wait3A_69] : memref<96000x128xf32, #tpu.memory_space<hbm>> -> memref<96x128xf32, #tpu.memory_space<hbm>>
        %dma_wait3A_71 = tpu.memref_slice %arg14[%rem3A_58] : memref<2x!tpu.dma_semaphore, #tpu.memory_space<semaphore_mem>> -> memref<1x!tpu.dma_semaphore, #tpu.memory_space<semaphore_mem>>
        %dma_wait3A_72 = tpu.memref_squeeze %dma_wait3A_71 : memref<1x!tpu.dma_semaphore, #tpu.memory_space<semaphore_mem>> -> memref<!tpu.dma_semaphore, #tpu.memory_space<semaphore_mem>>
        %dma_wait3A_73 = arith.constant 0 : i32
        %dma_wait3A_74 = arith.constant 0 : i32
        %dma_wait3A_75 = tpu.memref_slice %arg11[%rem3A_58, %dma_wait3A_73, %dma_wait3A_74] : memref<2x96x128xf32, #tpu.memory_space<vmem>> -> memref<1x96x128xf32, #tpu.memory_space<vmem>>
        %dma_wait3A_76 = tpu.memref_squeeze %dma_wait3A_75 : memref<1x96x128xf32, #tpu.memory_space<vmem>> -> memref<96x128xf32, #tpu.memory_space<vmem>>
        %dma_wait3A_77 = arith.constant 0 : i32
        %dma_wait3A_78 = tpu.memref_slice %arg5[%add3A_64, %dma_wait3A_77] : memref<96000x128xf32, #tpu.memory_space<hbm>> -> memref<96x128xf32, #tpu.memory_space<hbm>>
        tpu.wait_dma2 semaphore(%dma_wait3A_72 : memref<!tpu.dma_semaphore, #tpu.memory_space<semaphore_mem>>) src(%dma_wait3A_78 : memref<96x128xf32, #tpu.memory_space<hbm>>) dst(%dma_wait3A_76 : memref<96x128xf32, #tpu.memory_space<vmem>>)
        %mul3A_79 = arith.constant 96 : i32
        %mul3A_80 = arith.muli %scan3A_55, %mul3A_79 : i32
        %add3A_81 = arith.constant 0 : i32
        %add3A_82 = arith.addi %mul3A_80, %add3A_81 : i32
        %get3A = arith.index_cast %add3A_82 : i32 to index
        %get3A_83 = tpu.vector_load %arg8[%get3A] {strides = array<i32>} : memref<12000xi32, #tpu.memory_space<vmem>>, vector<16xi32>,
        %get3A_84 = arith.index_cast %add3A_82 : i32 to index
        %get3A_85 = tpu.vector_load %arg9[%get3A_84] {strides = array<i32>} : memref<12000xi32, #tpu.memory_space<vmem>>, vector<16xi32>,
        %ge3A = arith.constant 0 : i32
        %ge3A_86 = vector.broadcast %ge3A : i32 to vector<16xi32>
        %ge3A_87 = arith.cmpi sge, %get3A_83, %ge3A_86 : vector<16xi32>
        %lt3A_88 = arith.constant 256 : i32
        %lt3A_89 = vector.broadcast %lt3A_88 : i32 to vector<16xi32>
        %lt3A_90 = arith.cmpi slt, %get3A_83, %lt3A_89 : vector<16xi32>
        %and3A = arith.andi %ge3A_87, %lt3A_90 : vector<16xi1>
        %ge3A_91 = arith.constant 0 : i32
        %ge3A_92 = vector.broadcast %ge3A_91 : i32 to vector<16xi32>
        %ge3A_93 = arith.cmpi sge, %get3A_85, %ge3A_92 : vector<16xi32>
        %and3A_94 = arith.andi %and3A, %ge3A_93 : vector<16xi1>
        %lt3A_95 = arith.constant 256 : i32
        %lt3A_96 = vector.broadcast %lt3A_95 : i32 to vector<16xi32>
        %lt3A_97 = arith.cmpi slt, %get3A_85, %lt3A_96 : vector<16xi32>
        %and3A_98 = arith.andi %and3A_94, %lt3A_97 : vector<16xi1>
        %add3A_99 = arith.constant 1 : i32
        %add3A_100 = vector.broadcast %add3A_99 : i32 to vector<16xi32>
        %add3A_101 = arith.addi %get3A_83, %add3A_100 : vector<16xi32>
        %mul3A_102 = arith.constant 258 : i32
        %mul3A_103 = vector.broadcast %mul3A_102 : i32 to vector<16xi32>
        %mul3A_104 = arith.muli %add3A_101, %mul3A_103 : vector<16xi32>
        %add3A_105 = arith.constant 1 : i32
        %add3A_106 = vector.broadcast %add3A_105 : i32 to vector<16xi32>
        %add3A_107 = arith.addi %get3A_85, %add3A_106 : vector<16xi32>
        %add3A_108 = arith.addi %mul3A_104, %add3A_107 : vector<16xi32>
        %jit3A = arith.constant 66568 : i32
        %broadcast_in_dim3A = vector.broadcast %jit3A : i32 to vector<16xi32>
        %select_n3A = arith.select %and3A_98, %add3A_108, %broadcast_in_dim3A : vector<16xi1>, vector<16xi32>
        %mul3A_109 = arith.constant 96 : i32
        %mul3A_110 = arith.muli %scan3A_55, %mul3A_109 : i32
        %add3A_111 = arith.constant 0 : i32
        %add3A_112 = arith.addi %mul3A_110, %add3A_111 : i32
        %add3A_113 = vector.broadcast %add3A_112 : i32 to vector<16xi32>
        %add3A_114 = arith.addi %iota3A, %add3A_113 : vector<16xi32>
        %gather3A = tpu.vector_load_idx %arg10[%select_n3A] : memref<66576xi32, #tpu.memory_space<vmem>>[vector<16xi32>], vector<16xi32>,
        %eq3A = arith.cmpi eq, %gather3A, %add3A_114 : vector<16xi32>
        %and3A_115 = arith.andi %and3A_98, %eq3A : vector<16xi1>
        %add3A_116 = vector.broadcast %mul3A_16 : i32 to vector<16xi32>
        %add3A_117 = arith.addi %add3A_116, %select_n3A : vector<16xi32>
        %add3A_118 = arith.constant 66592 : i32
        %add3A_119 = arith.addi %mul3A_16, %add3A_118 : i32
        %and3A_120 = arith.constant 63 : i32
        %and3A_121 = vector.broadcast %and3A_120 : i32 to vector<16xi32>
        %and3A_122 = arith.andi %add3A_114, %and3A_121 : vector<16xi32>
        %add3A_123 = vector.broadcast %add3A_119 : i32 to vector<16xi32>
        %add3A_124 = arith.addi %add3A_123, %and3A_122 : vector<16xi32>
        %select_n3A_125 = arith.select %and3A_115, %add3A_117, %add3A_124 : vector<16xi1>, vector<16xi32>
        %swap3A = arith.index_cast %rem3A_58 : i32 to index
        %swap3A_126 = arith.constant 0 : index
        %swap3A_127 = tpu.vector_load %arg12[%swap3A, %swap3A_126] {strides = array<i32>} : memref<2x96xi32, #tpu.memory_space<vmem>>, vector<16xi32>,
        tpu.vector_store %arg12[%swap3A, %swap3A_126], %select_n3A_125 {strides = array<i32>} : memref<2x96xi32, #tpu.memory_space<vmem>>, vector<16xi32>,
        %mul3A_128 = arith.constant 96 : i32
        %mul3A_129 = arith.muli %scan3A_55, %mul3A_128 : i32
        %add3A_130 = arith.constant 16 : i32
        %add3A_131 = arith.addi %mul3A_129, %add3A_130 : i32
        %get3A_132 = arith.index_cast %add3A_131 : i32 to index
        %get3A_133 = tpu.vector_load %arg8[%get3A_132] {strides = array<i32>} : memref<12000xi32, #tpu.memory_space<vmem>>, vector<16xi32>,
        %get3A_134 = arith.index_cast %add3A_131 : i32 to index
        %get3A_135 = tpu.vector_load %arg9[%get3A_134] {strides = array<i32>} : memref<12000xi32, #tpu.memory_space<vmem>>, vector<16xi32>,
        %ge3A_136 = arith.constant 0 : i32
        %ge3A_137 = vector.broadcast %ge3A_136 : i32 to vector<16xi32>
        %ge3A_138 = arith.cmpi sge, %get3A_133, %ge3A_137 : vector<16xi32>
        %lt3A_139 = arith.constant 256 : i32
        %lt3A_140 = vector.broadcast %lt3A_139 : i32 to vector<16xi32>
        %lt3A_141 = arith.cmpi slt, %get3A_133, %lt3A_140 : vector<16xi32>
        %and3A_142 = arith.andi %ge3A_138, %lt3A_141 : vector<16xi1>
        %ge3A_143 = arith.constant 0 : i32
        %ge3A_144 = vector.broadcast %ge3A_143 : i32 to vector<16xi32>
        %ge3A_145 = arith.cmpi sge, %get3A_135, %ge3A_144 : vector<16xi32>
        %and3A_146 = arith.andi %and3A_142, %ge3A_145 : vector<16xi1>
        %lt3A_147 = arith.constant 256 : i32
        %lt3A_148 = vector.broadcast %lt3A_147 : i32 to vector<16xi32>
        %lt3A_149 = arith.cmpi slt, %get3A_135, %lt3A_148 : vector<16xi32>
        %and3A_150 = arith.andi %and3A_146, %lt3A_149 : vector<16xi1>
        %add3A_151 = arith.constant 1 : i32
        %add3A_152 = vector.broadcast %add3A_151 : i32 to vector<16xi32>
        %add3A_153 = arith.addi %get3A_133, %add3A_152 : vector<16xi32>
        %mul3A_154 = arith.constant 258 : i32
        %mul3A_155 = vector.broadcast %mul3A_154 : i32 to vector<16xi32>
        %mul3A_156 = arith.muli %add3A_153, %mul3A_155 : vector<16xi32>
        %add3A_157 = arith.constant 1 : i32
        %add3A_158 = vector.broadcast %add3A_157 : i32 to vector<16xi32>
        %add3A_159 = arith.addi %get3A_135, %add3A_158 : vector<16xi32>
        %add3A_160 = arith.addi %mul3A_156, %add3A_159 : vector<16xi32>
        %jit3A_161 = arith.constant 66568 : i32
        %broadcast_in_dim3A_162 = vector.broadcast %jit3A_161 : i32 to vector<16xi32>
        %select_n3A_163 = arith.select %and3A_150, %add3A_160, %broadcast_in_dim3A_162 : vector<16xi1>, vector<16xi32>
        %mul3A_164 = arith.constant 96 : i32
        %mul3A_165 = arith.muli %scan3A_55, %mul3A_164 : i32
        %add3A_166 = arith.constant 16 : i32
        %add3A_167 = arith.addi %mul3A_165, %add3A_166 : i32
        %add3A_168 = vector.broadcast %add3A_167 : i32 to vector<16xi32>
        %add3A_169 = arith.addi %iota3A, %add3A_168 : vector<16xi32>
        %gather3A_170 = tpu.vector_load_idx %arg10[%select_n3A_163] : memref<66576xi32, #tpu.memory_space<vmem>>[vector<16xi32>], vector<16xi32>,
        %eq3A_171 = arith.cmpi eq, %gather3A_170, %add3A_169 : vector<16xi32>
        %and3A_172 = arith.andi %and3A_150, %eq3A_171 : vector<16xi1>
        %add3A_173 = vector.broadcast %mul3A_16 : i32 to vector<16xi32>
        %add3A_174 = arith.addi %add3A_173, %select_n3A_163 : vector<16xi32>
        %add3A_175 = arith.constant 66592 : i32
        %add3A_176 = arith.addi %mul3A_16, %add3A_175 : i32
        %and3A_177 = arith.constant 63 : i32
        %and3A_178 = vector.broadcast %and3A_177 : i32 to vector<16xi32>
        %and3A_179 = arith.andi %add3A_169, %and3A_178 : vector<16xi32>
        %add3A_180 = vector.broadcast %add3A_176 : i32 to vector<16xi32>
        %add3A_181 = arith.addi %add3A_180, %and3A_179 : vector<16xi32>
        %select_n3A_182 = arith.select %and3A_172, %add3A_174, %add3A_181 : vector<16xi1>, vector<16xi32>
        %swap3A_183 = arith.index_cast %rem3A_58 : i32 to index
        %swap3A_184 = arith.constant 16 : index
        %swap3A_185 = tpu.vector_load %arg12[%swap3A_183, %swap3A_184] {strides = array<i32>} : memref<2x96xi32, #tpu.memory_space<vmem>>, vector<16xi32>,
        tpu.vector_store %arg12[%swap3A_183, %swap3A_184], %select_n3A_182 {strides = array<i32>} : memref<2x96xi32, #tpu.memory_space<vmem>>, vector<16xi32>,
        %mul3A_186 = arith.constant 96 : i32
        %mul3A_187 = arith.muli %scan3A_55, %mul3A_186 : i32
        %add3A_188 = arith.constant 32 : i32
        %add3A_189 = arith.addi %mul3A_187, %add3A_188 : i32
        %get3A_190 = arith.index_cast %add3A_189 : i32 to index
        %get3A_191 = tpu.vector_load %arg8[%get3A_190] {strides = array<i32>} : memref<12000xi32, #tpu.memory_space<vmem>>, vector<16xi32>,
        %get3A_192 = arith.index_cast %add3A_189 : i32 to index
        %get3A_193 = tpu.vector_load %arg9[%get3A_192] {strides = array<i32>} : memref<12000xi32, #tpu.memory_space<vmem>>, vector<16xi32>,
        %ge3A_194 = arith.constant 0 : i32
        %ge3A_195 = vector.broadcast %ge3A_194 : i32 to vector<16xi32>
        %ge3A_196 = arith.cmpi sge, %get3A_191, %ge3A_195 : vector<16xi32>
        %lt3A_197 = arith.constant 256 : i32
        %lt3A_198 = vector.broadcast %lt3A_197 : i32 to vector<16xi32>
        %lt3A_199 = arith.cmpi slt, %get3A_191, %lt3A_198 : vector<16xi32>
        %and3A_200 = arith.andi %ge3A_196, %lt3A_199 : vector<16xi1>
        %ge3A_201 = arith.constant 0 : i32
        %ge3A_202 = vector.broadcast %ge3A_201 : i32 to vector<16xi32>
        %ge3A_203 = arith.cmpi sge, %get3A_193, %ge3A_202 : vector<16xi32>
        %and3A_204 = arith.andi %and3A_200, %ge3A_203 : vector<16xi1>
        %lt3A_205 = arith.constant 256 : i32
        %lt3A_206 = vector.broadcast %lt3A_205 : i32 to vector<16xi32>
        %lt3A_207 = arith.cmpi slt, %get3A_193, %lt3A_206 : vector<16xi32>
        %and3A_208 = arith.andi %and3A_204, %lt3A_207 : vector<16xi1>
        %add3A_209 = arith.constant 1 : i32
        %add3A_210 = vector.broadcast %add3A_209 : i32 to vector<16xi32>
        %add3A_211 = arith.addi %get3A_191, %add3A_210 : vector<16xi32>
        %mul3A_212 = arith.constant 258 : i32
        %mul3A_213 = vector.broadcast %mul3A_212 : i32 to vector<16xi32>
        %mul3A_214 = arith.muli %add3A_211, %mul3A_213 : vector<16xi32>
        %add3A_215 = arith.constant 1 : i32
        %add3A_216 = vector.broadcast %add3A_215 : i32 to vector<16xi32>
        %add3A_217 = arith.addi %get3A_193, %add3A_216 : vector<16xi32>
        %add3A_218 = arith.addi %mul3A_214, %add3A_217 : vector<16xi32>
        %jit3A_219 = arith.constant 66568 : i32
        %broadcast_in_dim3A_220 = vector.broadcast %jit3A_219 : i32 to vector<16xi32>
        %select_n3A_221 = arith.select %and3A_208, %add3A_218, %broadcast_in_dim3A_220 : vector<16xi1>, vector<16xi32>
        %mul3A_222 = arith.constant 96 : i32
        %mul3A_223 = arith.muli %scan3A_55, %mul3A_222 : i32
        %add3A_224 = arith.constant 32 : i32
        %add3A_225 = arith.addi %mul3A_223, %add3A_224 : i32
        %add3A_226 = vector.broadcast %add3A_225 : i32 to vector<16xi32>
        %add3A_227 = arith.addi %iota3A, %add3A_226 : vector<16xi32>
        %gather3A_228 = tpu.vector_load_idx %arg10[%select_n3A_221] : memref<66576xi32, #tpu.memory_space<vmem>>[vector<16xi32>], vector<16xi32>,
        %eq3A_229 = arith.cmpi eq, %gather3A_228, %add3A_227 : vector<16xi32>
        %and3A_230 = arith.andi %and3A_208, %eq3A_229 : vector<16xi1>
        %add3A_231 = vector.broadcast %mul3A_16 : i32 to vector<16xi32>
        %add3A_232 = arith.addi %add3A_231, %select_n3A_221 : vector<16xi32>
        %add3A_233 = arith.constant 66592 : i32
        %add3A_234 = arith.addi %mul3A_16, %add3A_233 : i32
        %and3A_235 = arith.constant 63 : i32
        %and3A_236 = vector.broadcast %and3A_235 : i32 to vector<16xi32>
        %and3A_237 = arith.andi %add3A_227, %and3A_236 : vector<16xi32>
        %add3A_238 = vector.broadcast %add3A_234 : i32 to vector<16xi32>
        %add3A_239 = arith.addi %add3A_238, %and3A_237 : vector<16xi32>
        %select_n3A_240 = arith.select %and3A_230, %add3A_232, %add3A_239 : vector<16xi1>, vector<16xi32>
        %swap3A_241 = arith.index_cast %rem3A_58 : i32 to index
        %swap3A_242 = arith.constant 32 : index
        %swap3A_243 = tpu.vector_load %arg12[%swap3A_241, %swap3A_242] {strides = array<i32>} : memref<2x96xi32, #tpu.memory_space<vmem>>, vector<16xi32>,
        tpu.vector_store %arg12[%swap3A_241, %swap3A_242], %select_n3A_240 {strides = array<i32>} : memref<2x96xi32, #tpu.memory_space<vmem>>, vector<16xi32>,
        %mul3A_244 = arith.constant 96 : i32
        %mul3A_245 = arith.muli %scan3A_55, %mul3A_244 : i32
        %add3A_246 = arith.constant 48 : i32
        %add3A_247 = arith.addi %mul3A_245, %add3A_246 : i32
        %get3A_248 = arith.index_cast %add3A_247 : i32 to index
        %get3A_249 = tpu.vector_load %arg8[%get3A_248] {strides = array<i32>} : memref<12000xi32, #tpu.memory_space<vmem>>, vector<16xi32>,
        %get3A_250 = arith.index_cast %add3A_247 : i32 to index
        %get3A_251 = tpu.vector_load %arg9[%get3A_250] {strides = array<i32>} : memref<12000xi32, #tpu.memory_space<vmem>>, vector<16xi32>,
        %ge3A_252 = arith.constant 0 : i32
        %ge3A_253 = vector.broadcast %ge3A_252 : i32 to vector<16xi32>
        %ge3A_254 = arith.cmpi sge, %get3A_249, %ge3A_253 : vector<16xi32>
        %lt3A_255 = arith.constant 256 : i32
        %lt3A_256 = vector.broadcast %lt3A_255 : i32 to vector<16xi32>
        %lt3A_257 = arith.cmpi slt, %get3A_249, %lt3A_256 : vector<16xi32>
        %and3A_258 = arith.andi %ge3A_254, %lt3A_257 : vector<16xi1>
        %ge3A_259 = arith.constant 0 : i32
        %ge3A_260 = vector.broadcast %ge3A_259 : i32 to vector<16xi32>
        %ge3A_261 = arith.cmpi sge, %get3A_251, %ge3A_260 : vector<16xi32>
        %and3A_262 = arith.andi %and3A_258, %ge3A_261 : vector<16xi1>
        %lt3A_263 = arith.constant 256 : i32
        %lt3A_264 = vector.broadcast %lt3A_263 : i32 to vector<16xi32>
        %lt3A_265 = arith.cmpi slt, %get3A_251, %lt3A_264 : vector<16xi32>
        %and3A_266 = arith.andi %and3A_262, %lt3A_265 : vector<16xi1>
        %add3A_267 = arith.constant 1 : i32
        %add3A_268 = vector.broadcast %add3A_267 : i32 to vector<16xi32>
        %add3A_269 = arith.addi %get3A_249, %add3A_268 : vector<16xi32>
        %mul3A_270 = arith.constant 258 : i32
        %mul3A_271 = vector.broadcast %mul3A_270 : i32 to vector<16xi32>
        %mul3A_272 = arith.muli %add3A_269, %mul3A_271 : vector<16xi32>
        %add3A_273 = arith.constant 1 : i32
        %add3A_274 = vector.broadcast %add3A_273 : i32 to vector<16xi32>
        %add3A_275 = arith.addi %get3A_251, %add3A_274 : vector<16xi32>
        %add3A_276 = arith.addi %mul3A_272, %add3A_275 : vector<16xi32>
        %jit3A_277 = arith.constant 66568 : i32
        %broadcast_in_dim3A_278 = vector.broadcast %jit3A_277 : i32 to vector<16xi32>
        %select_n3A_279 = arith.select %and3A_266, %add3A_276, %broadcast_in_dim3A_278 : vector<16xi1>, vector<16xi32>
        %mul3A_280 = arith.constant 96 : i32
        %mul3A_281 = arith.muli %scan3A_55, %mul3A_280 : i32
        %add3A_282 = arith.constant 48 : i32
        %add3A_283 = arith.addi %mul3A_281, %add3A_282 : i32
        %add3A_284 = vector.broadcast %add3A_283 : i32 to vector<16xi32>
        %add3A_285 = arith.addi %iota3A, %add3A_284 : vector<16xi32>
        %gather3A_286 = tpu.vector_load_idx %arg10[%select_n3A_279] : memref<66576xi32, #tpu.memory_space<vmem>>[vector<16xi32>], vector<16xi32>,
        %eq3A_287 = arith.cmpi eq, %gather3A_286, %add3A_285 : vector<16xi32>
        %and3A_288 = arith.andi %and3A_266, %eq3A_287 : vector<16xi1>
        %add3A_289 = vector.broadcast %mul3A_16 : i32 to vector<16xi32>
        %add3A_290 = arith.addi %add3A_289, %select_n3A_279 : vector<16xi32>
        %add3A_291 = arith.constant 66592 : i32
        %add3A_292 = arith.addi %mul3A_16, %add3A_291 : i32
        %and3A_293 = arith.constant 63 : i32
        %and3A_294 = vector.broadcast %and3A_293 : i32 to vector<16xi32>
        %and3A_295 = arith.andi %add3A_285, %and3A_294 : vector<16xi32>
        %add3A_296 = vector.broadcast %add3A_292 : i32 to vector<16xi32>
        %add3A_297 = arith.addi %add3A_296, %and3A_295 : vector<16xi32>
        %select_n3A_298 = arith.select %and3A_288, %add3A_290, %add3A_297 : vector<16xi1>, vector<16xi32>
        %swap3A_299 = arith.index_cast %rem3A_58 : i32 to index
        %swap3A_300 = arith.constant 48 : index
        %swap3A_301 = tpu.vector_load %arg12[%swap3A_299, %swap3A_300] {strides = array<i32>} : memref<2x96xi32, #tpu.memory_space<vmem>>, vector<16xi32>,
        tpu.vector_store %arg12[%swap3A_299, %swap3A_300], %select_n3A_298 {strides = array<i32>} : memref<2x96xi32, #tpu.memory_space<vmem>>, vector<16xi32>,
        %mul3A_302 = arith.constant 96 : i32
        %mul3A_303 = arith.muli %scan3A_55, %mul3A_302 : i32
        %add3A_304 = arith.constant 64 : i32
        %add3A_305 = arith.addi %mul3A_303, %add3A_304 : i32
        %get3A_306 = arith.index_cast %add3A_305 : i32 to index
        %get3A_307 = tpu.vector_load %arg8[%get3A_306] {strides = array<i32>} : memref<12000xi32, #tpu.memory_space<vmem>>, vector<16xi32>,
        %get3A_308 = arith.index_cast %add3A_305 : i32 to index
        %get3A_309 = tpu.vector_load %arg9[%get3A_308] {strides = array<i32>} : memref<12000xi32, #tpu.memory_space<vmem>>, vector<16xi32>,
        %ge3A_310 = arith.constant 0 : i32
        %ge3A_311 = vector.broadcast %ge3A_310 : i32 to vector<16xi32>
        %ge3A_312 = arith.cmpi sge, %get3A_307, %ge3A_311 : vector<16xi32>
        %lt3A_313 = arith.constant 256 : i32
        %lt3A_314 = vector.broadcast %lt3A_313 : i32 to vector<16xi32>
        %lt3A_315 = arith.cmpi slt, %get3A_307, %lt3A_314 : vector<16xi32>
        %and3A_316 = arith.andi %ge3A_312, %lt3A_315 : vector<16xi1>
        %ge3A_317 = arith.constant 0 : i32
        %ge3A_318 = vector.broadcast %ge3A_317 : i32 to vector<16xi32>
        %ge3A_319 = arith.cmpi sge, %get3A_309, %ge3A_318 : vector<16xi32>
        %and3A_320 = arith.andi %and3A_316, %ge3A_319 : vector<16xi1>
        %lt3A_321 = arith.constant 256 : i32
        %lt3A_322 = vector.broadcast %lt3A_321 : i32 to vector<16xi32>
        %lt3A_323 = arith.cmpi slt, %get3A_309, %lt3A_322 : vector<16xi32>
        %and3A_324 = arith.andi %and3A_320, %lt3A_323 : vector<16xi1>
        %add3A_325 = arith.constant 1 : i32
        %add3A_326 = vector.broadcast %add3A_325 : i32 to vector<16xi32>
        %add3A_327 = arith.addi %get3A_307, %add3A_326 : vector<16xi32>
        %mul3A_328 = arith.constant 258 : i32
        %mul3A_329 = vector.broadcast %mul3A_328 : i32 to vector<16xi32>
        %mul3A_330 = arith.muli %add3A_327, %mul3A_329 : vector<16xi32>
        %add3A_331 = arith.constant 1 : i32
        %add3A_332 = vector.broadcast %add3A_331 : i32 to vector<16xi32>
        %add3A_333 = arith.addi %get3A_309, %add3A_332 : vector<16xi32>
        %add3A_334 = arith.addi %mul3A_330, %add3A_333 : vector<16xi32>
        %jit3A_335 = arith.constant 66568 : i32
        %broadcast_in_dim3A_336 = vector.broadcast %jit3A_335 : i32 to vector<16xi32>
        %select_n3A_337 = arith.select %and3A_324, %add3A_334, %broadcast_in_dim3A_336 : vector<16xi1>, vector<16xi32>
        %mul3A_338 = arith.constant 96 : i32
        %mul3A_339 = arith.muli %scan3A_55, %mul3A_338 : i32
        %add3A_340 = arith.constant 64 : i32
        %add3A_341 = arith.addi %mul3A_339, %add3A_340 : i32
        %add3A_342 = vector.broadcast %add3A_341 : i32 to vector<16xi32>
        %add3A_343 = arith.addi %iota3A, %add3A_342 : vector<16xi32>
        %gather3A_344 = tpu.vector_load_idx %arg10[%select_n3A_337] : memref<66576xi32, #tpu.memory_space<vmem>>[vector<16xi32>], vector<16xi32>,
        %eq3A_345 = arith.cmpi eq, %gather3A_344, %add3A_343 : vector<16xi32>
        %and3A_346 = arith.andi %and3A_324, %eq3A_345 : vector<16xi1>
        %add3A_347 = vector.broadcast %mul3A_16 : i32 to vector<16xi32>
        %add3A_348 = arith.addi %add3A_347, %select_n3A_337 : vector<16xi32>
        %add3A_349 = arith.constant 66592 : i32
        %add3A_350 = arith.addi %mul3A_16, %add3A_349 : i32
        %and3A_351 = arith.constant 63 : i32
        %and3A_352 = vector.broadcast %and3A_351 : i32 to vector<16xi32>
        %and3A_353 = arith.andi %add3A_343, %and3A_352 : vector<16xi32>
        %add3A_354 = vector.broadcast %add3A_350 : i32 to vector<16xi32>
        %add3A_355 = arith.addi %add3A_354, %and3A_353 : vector<16xi32>
        %select_n3A_356 = arith.select %and3A_346, %add3A_348, %add3A_355 : vector<16xi1>, vector<16xi32>
        %swap3A_357 = arith.index_cast %rem3A_58 : i32 to index
        %swap3A_358 = arith.constant 64 : index
        %swap3A_359 = tpu.vector_load %arg12[%swap3A_357, %swap3A_358] {strides = array<i32>} : memref<2x96xi32, #tpu.memory_space<vmem>>, vector<16xi32>,
        tpu.vector_store %arg12[%swap3A_357, %swap3A_358], %select_n3A_356 {strides = array<i32>} : memref<2x96xi32, #tpu.memory_space<vmem>>, vector<16xi32>,
        %mul3A_360 = arith.constant 96 : i32
        %mul3A_361 = arith.muli %scan3A_55, %mul3A_360 : i32
        %add3A_362 = arith.constant 80 : i32
        %add3A_363 = arith.addi %mul3A_361, %add3A_362 : i32
        %get3A_364 = arith.index_cast %add3A_363 : i32 to index
        %get3A_365 = tpu.vector_load %arg8[%get3A_364] {strides = array<i32>} : memref<12000xi32, #tpu.memory_space<vmem>>, vector<16xi32>,
        %get3A_366 = arith.index_cast %add3A_363 : i32 to index
        %get3A_367 = tpu.vector_load %arg9[%get3A_366] {strides = array<i32>} : memref<12000xi32, #tpu.memory_space<vmem>>, vector<16xi32>,
        %ge3A_368 = arith.constant 0 : i32
        %ge3A_369 = vector.broadcast %ge3A_368 : i32 to vector<16xi32>
        %ge3A_370 = arith.cmpi sge, %get3A_365, %ge3A_369 : vector<16xi32>
        %lt3A_371 = arith.constant 256 : i32
        %lt3A_372 = vector.broadcast %lt3A_371 : i32 to vector<16xi32>
        %lt3A_373 = arith.cmpi slt, %get3A_365, %lt3A_372 : vector<16xi32>
        %and3A_374 = arith.andi %ge3A_370, %lt3A_373 : vector<16xi1>
        %ge3A_375 = arith.constant 0 : i32
        %ge3A_376 = vector.broadcast %ge3A_375 : i32 to vector<16xi32>
        %ge3A_377 = arith.cmpi sge, %get3A_367, %ge3A_376 : vector<16xi32>
        %and3A_378 = arith.andi %and3A_374, %ge3A_377 : vector<16xi1>
        %lt3A_379 = arith.constant 256 : i32
        %lt3A_380 = vector.broadcast %lt3A_379 : i32 to vector<16xi32>
        %lt3A_381 = arith.cmpi slt, %get3A_367, %lt3A_380 : vector<16xi32>
        %and3A_382 = arith.andi %and3A_378, %lt3A_381 : vector<16xi1>
        %add3A_383 = arith.constant 1 : i32
        %add3A_384 = vector.broadcast %add3A_383 : i32 to vector<16xi32>
        %add3A_385 = arith.addi %get3A_365, %add3A_384 : vector<16xi32>
        %mul3A_386 = arith.constant 258 : i32
        %mul3A_387 = vector.broadcast %mul3A_386 : i32 to vector<16xi32>
        %mul3A_388 = arith.muli %add3A_385, %mul3A_387 : vector<16xi32>
        %add3A_389 = arith.constant 1 : i32
        %add3A_390 = vector.broadcast %add3A_389 : i32 to vector<16xi32>
        %add3A_391 = arith.addi %get3A_367, %add3A_390 : vector<16xi32>
        %add3A_392 = arith.addi %mul3A_388, %add3A_391 : vector<16xi32>
        %jit3A_393 = arith.constant 66568 : i32
        %broadcast_in_dim3A_394 = vector.broadcast %jit3A_393 : i32 to vector<16xi32>
        %select_n3A_395 = arith.select %and3A_382, %add3A_392, %broadcast_in_dim3A_394 : vector<16xi1>, vector<16xi32>
        %mul3A_396 = arith.constant 96 : i32
        %mul3A_397 = arith.muli %scan3A_55, %mul3A_396 : i32
        %add3A_398 = arith.constant 80 : i32
        %add3A_399 = arith.addi %mul3A_397, %add3A_398 : i32
        %add3A_400 = vector.broadcast %add3A_399 : i32 to vector<16xi32>
        %add3A_401 = arith.addi %iota3A, %add3A_400 : vector<16xi32>
        %gather3A_402 = tpu.vector_load_idx %arg10[%select_n3A_395] : memref<66576xi32, #tpu.memory_space<vmem>>[vector<16xi32>], vector<16xi32>,
        %eq3A_403 = arith.cmpi eq, %gather3A_402, %add3A_401 : vector<16xi32>
        %and3A_404 = arith.andi %and3A_382, %eq3A_403 : vector<16xi1>
        %add3A_405 = vector.broadcast %mul3A_16 : i32 to vector<16xi32>
        %add3A_406 = arith.addi %add3A_405, %select_n3A_395 : vector<16xi32>
        %add3A_407 = arith.constant 66592 : i32
        %add3A_408 = arith.addi %mul3A_16, %add3A_407 : i32
        %and3A_409 = arith.constant 63 : i32
        %and3A_410 = vector.broadcast %and3A_409 : i32 to vector<16xi32>
        %and3A_411 = arith.andi %add3A_401, %and3A_410 : vector<16xi32>
        %add3A_412 = vector.broadcast %add3A_408 : i32 to vector<16xi32>
        %add3A_413 = arith.addi %add3A_412, %and3A_411 : vector<16xi32>
        %select_n3A_414 = arith.select %and3A_404, %add3A_406, %add3A_413 : vector<16xi1>, vector<16xi32>
        %swap3A_415 = arith.index_cast %rem3A_58 : i32 to index
        %swap3A_416 = arith.constant 80 : index
        %swap3A_417 = tpu.vector_load %arg12[%swap3A_415, %swap3A_416] {strides = array<i32>} : memref<2x96xi32, #tpu.memory_space<vmem>>, vector<16xi32>,
        tpu.vector_store %arg12[%swap3A_415, %swap3A_416], %select_n3A_414 {strides = array<i32>} : memref<2x96xi32, #tpu.memory_space<vmem>>, vector<16xi32>,
        %gt3A = arith.constant 0 : i32
        %gt3A_418 = arith.cmpi sgt, %scan3A_55, %gt3A : i32
        %convert_element_type3A_419 = arith.extui %gt3A_418 : i1 to i32
        %cond3A_420 = arith.constant 0 : i32
        %cond3A_421 = arith.cmpi ne, %convert_element_type3A_419, %cond3A_420 : i32
        scf.if %cond3A_421 {
          %sub3A_440 = arith.constant 1 : i32
          %sub3A_441 = arith.subi %scan3A_55, %sub3A_440 : i32
          %dma_wait3A_442 = arith.constant 0 : i32
          %dma_wait3A_443 = arith.constant 0 : i32
          %dma_wait3A_444 = tpu.memref_slice %arg11[%sub3A_59, %dma_wait3A_442, %dma_wait3A_443] : memref<2x96x128xf32, #tpu.memory_space<vmem>> -> memref<1x96x128xf32, #tpu.memory_space<vmem>>
          %dma_wait3A_445 = tpu.memref_squeeze %dma_wait3A_444 : memref<1x96x128xf32, #tpu.memory_space<vmem>> -> memref<96x128xf32, #tpu.memory_space<vmem>>
          %dma_wait3A_446 = arith.constant 0 : i32
          %dma_wait3A_447 = tpu.memref_slice %arg12[%sub3A_59, %dma_wait3A_446] : memref<2x96xi32, #tpu.memory_space<vmem>> -> memref<1x96xi32, #tpu.memory_space<vmem>>
          %dma_wait3A_448 = tpu.memref_squeeze %dma_wait3A_447 : memref<1x96xi32, #tpu.memory_space<vmem>> -> memref<96xi32, #tpu.memory_space<vmem>>
          %dma_wait3A_449 = arith.constant 0 : i32
          %dma_wait3A_450 = arith.constant 0 : i32
          %dma_wait3A_451 = tpu.memref_slice %arg6[%dma_wait3A_449, %dma_wait3A_450] : memref<266688x128xf32, #tpu.memory_space<hbm>> -> memref<266688x128xf32, #tpu.memory_space<hbm>>
          %dma_wait3A_452 = tpu.memref_slice %arg13[%sub3A_59] : memref<2x!tpu.dma_semaphore, #tpu.memory_space<semaphore_mem>> -> memref<1x!tpu.dma_semaphore, #tpu.memory_space<semaphore_mem>>
          %dma_wait3A_453 = tpu.memref_squeeze %dma_wait3A_452 : memref<1x!tpu.dma_semaphore, #tpu.memory_space<semaphore_mem>> -> memref<!tpu.dma_semaphore, #tpu.memory_space<semaphore_mem>>
          tpu.wait_indirect_dma semaphore(%dma_wait3A_453 : memref<!tpu.dma_semaphore, #tpu.memory_space<semaphore_mem>>) src(%dma_wait3A_445 : memref<96x128xf32, #tpu.memory_space<vmem>>) dst(%dma_wait3A_451 : memref<266688x128xf32, #tpu.memory_space<hbm>>)
        } else {
        }
        %lt3A_422 = arith.constant 124 : i32
        %lt3A_423 = arith.cmpi slt, %scan3A_55, %lt3A_422 : i32
        %convert_element_type3A_424 = arith.extui %lt3A_423 : i1 to i32
        %cond3A_425 = arith.constant 0 : i32
        %cond3A_426 = arith.cmpi ne, %convert_element_type3A_424, %cond3A_425 : i32
        scf.if %cond3A_426 {
          %add3A_440 = arith.constant 1 : i32
          %add3A_441 = arith.addi %scan3A_55, %add3A_440 : i32
          %mul3A_442 = arith.constant 12000 : i32
          %mul3A_443 = arith.muli %add3A_11, %mul3A_442 : i32
          %mul3A_444 = arith.constant 96 : i32
          %mul3A_445 = arith.muli %add3A_441, %mul3A_444 : i32
          %add3A_446 = arith.addi %mul3A_443, %mul3A_445 : i32
          %dma_start3A_447 = arith.constant 0 : i32
          %dma_start3A_448 = arith.constant 0 : i32
          %dma_start3A_449 = tpu.memref_slice %arg11[%sub3A_59, %dma_start3A_447, %dma_start3A_448] : memref<2x96x128xf32, #tpu.memory_space<vmem>> -> memref<1x96x128xf32, #tpu.memory_space<vmem>>
          %dma_start3A_450 = tpu.memref_squeeze %dma_start3A_449 : memref<1x96x128xf32, #tpu.memory_space<vmem>> -> memref<96x128xf32, #tpu.memory_space<vmem>>
          %dma_start3A_451 = arith.constant 0 : i32
          %dma_start3A_452 = tpu.memref_slice %arg5[%add3A_446, %dma_start3A_451] : memref<96000x128xf32, #tpu.memory_space<hbm>> -> memref<96x128xf32, #tpu.memory_space<hbm>>
          %dma_start3A_453 = tpu.memref_slice %arg14[%sub3A_59] : memref<2x!tpu.dma_semaphore, #tpu.memory_space<semaphore_mem>> -> memref<1x!tpu.dma_semaphore, #tpu.memory_space<semaphore_mem>>
          %dma_start3A_454 = tpu.memref_squeeze %dma_start3A_453 : memref<1x!tpu.dma_semaphore, #tpu.memory_space<semaphore_mem>> -> memref<!tpu.dma_semaphore, #tpu.memory_space<semaphore_mem>>
          %dma_start3A_455 = arith.constant 0 : i32
          %dma_start3A_456 = arith.constant 0 : i32
          %dma_start3A_457 = tpu.memref_slice %arg11[%sub3A_59, %dma_start3A_455, %dma_start3A_456] : memref<2x96x128xf32, #tpu.memory_space<vmem>> -> memref<1x96x128xf32, #tpu.memory_space<vmem>>
          %dma_start3A_458 = tpu.memref_squeeze %dma_start3A_457 : memref<1x96x128xf32, #tpu.memory_space<vmem>> -> memref<96x128xf32, #tpu.memory_space<vmem>>
          %dma_start3A_459 = arith.constant 0 : i32
          %dma_start3A_460 = tpu.memref_slice %arg5[%add3A_446, %dma_start3A_459] : memref<96000x128xf32, #tpu.memory_space<hbm>> -> memref<96x128xf32, #tpu.memory_space<hbm>>
          tpu.enqueue_dma source(%dma_start3A_460 : memref<96x128xf32, #tpu.memory_space<hbm>>) target(%dma_start3A_458 : memref<96x128xf32, #tpu.memory_space<vmem>>) target_semaphore(%dma_start3A_454 : memref<!tpu.dma_semaphore, #tpu.memory_space<semaphore_mem>>)
        } else {
        }
        %dma_start3A_427 = arith.constant 0 : i32
        %dma_start3A_428 = arith.constant 0 : i32
        %dma_start3A_429 = tpu.memref_slice %arg11[%rem3A_58, %dma_start3A_427, %dma_start3A_428] : memref<2x96x128xf32, #tpu.memory_space<vmem>> -> memref<1x96x128xf32, #tpu.memory_space<vmem>>
        %dma_start3A_430 = tpu.memref_squeeze %dma_start3A_429 : memref<1x96x128xf32, #tpu.memory_space<vmem>> -> memref<96x128xf32, #tpu.memory_space<vmem>>
        %dma_start3A_431 = arith.constant 0 : i32
        %dma_start3A_432 = tpu.memref_slice %arg12[%rem3A_58, %dma_start3A_431] : memref<2x96xi32, #tpu.memory_space<vmem>> -> memref<1x96xi32, #tpu.memory_space<vmem>>
        %dma_start3A_433 = tpu.memref_squeeze %dma_start3A_432 : memref<1x96xi32, #tpu.memory_space<vmem>> -> memref<96xi32, #tpu.memory_space<vmem>>
        %dma_start3A_434 = arith.constant 0 : i32
        %dma_start3A_435 = arith.constant 0 : i32
        %dma_start3A_436 = tpu.memref_slice %arg6[%dma_start3A_434, %dma_start3A_435] : memref<266688x128xf32, #tpu.memory_space<hbm>> -> memref<266688x128xf32, #tpu.memory_space<hbm>>
        %dma_start3A_437 = tpu.memref_slice %arg13[%rem3A_58] : memref<2x!tpu.dma_semaphore, #tpu.memory_space<semaphore_mem>> -> memref<1x!tpu.dma_semaphore, #tpu.memory_space<semaphore_mem>>
        %dma_start3A_438 = tpu.memref_squeeze %dma_start3A_437 : memref<1x!tpu.dma_semaphore, #tpu.memory_space<semaphore_mem>> -> memref<!tpu.dma_semaphore, #tpu.memory_space<semaphore_mem>>
        tpu.enqueue_indirect_dma source(%dma_start3A_430 : memref<96x128xf32, #tpu.memory_space<vmem>>) target(%dma_start3A_436 : memref<266688x128xf32, #tpu.memory_space<hbm>>) offsets(%dma_start3A_433 : memref<96xi32, #tpu.memory_space<vmem>>) semaphore(%dma_start3A_438 : memref<!tpu.dma_semaphore, #tpu.memory_space<semaphore_mem>>)
        %scan3A_439 = arith.constant 0 : i32
        scf.yield %scan3A_439 : i32
      }
      %scan3A_41 = arith.constant 125 : i32
      %rem3A = arith.constant 124 : i32
      %rem3A_42 = arith.constant 2 : i32
      %rem3A_43 = arith.remsi %rem3A, %rem3A_42 : i32
      %dma_wait3A = arith.constant 0 : i32
      %dma_wait3A_44 = arith.constant 0 : i32
      %dma_wait3A_45 = tpu.memref_slice %arg11[%rem3A_43, %dma_wait3A, %dma_wait3A_44] : memref<2x96x128xf32, #tpu.memory_space<vmem>> -> memref<1x96x128xf32, #tpu.memory_space<vmem>>
      %dma_wait3A_46 = tpu.memref_squeeze %dma_wait3A_45 : memref<1x96x128xf32, #tpu.memory_space<vmem>> -> memref<96x128xf32, #tpu.memory_space<vmem>>
      %dma_wait3A_47 = arith.constant 0 : i32
      %dma_wait3A_48 = tpu.memref_slice %arg12[%rem3A_43, %dma_wait3A_47] : memref<2x96xi32, #tpu.memory_space<vmem>> -> memref<1x96xi32, #tpu.memory_space<vmem>>
      %dma_wait3A_49 = tpu.memref_squeeze %dma_wait3A_48 : memref<1x96xi32, #tpu.memory_space<vmem>> -> memref<96xi32, #tpu.memory_space<vmem>>
      %dma_wait3A_50 = arith.constant 0 : i32
      %dma_wait3A_51 = arith.constant 0 : i32
      %dma_wait3A_52 = tpu.memref_slice %arg6[%dma_wait3A_50, %dma_wait3A_51] : memref<266688x128xf32, #tpu.memory_space<hbm>> -> memref<266688x128xf32, #tpu.memory_space<hbm>>
      %dma_wait3A_53 = tpu.memref_slice %arg13[%rem3A_43] : memref<2x!tpu.dma_semaphore, #tpu.memory_space<semaphore_mem>> -> memref<1x!tpu.dma_semaphore, #tpu.memory_space<semaphore_mem>>
      %dma_wait3A_54 = tpu.memref_squeeze %dma_wait3A_53 : memref<1x!tpu.dma_semaphore, #tpu.memory_space<semaphore_mem>> -> memref<!tpu.dma_semaphore, #tpu.memory_space<semaphore_mem>>
      tpu.wait_indirect_dma semaphore(%dma_wait3A_54 : memref<!tpu.dma_semaphore, #tpu.memory_space<semaphore_mem>>) src(%dma_wait3A_46 : memref<96x128xf32, #tpu.memory_space<vmem>>) dst(%dma_wait3A_52 : memref<266688x128xf32, #tpu.memory_space<hbm>>)
    } else {
    }
    return
  }
}

module attributes {stable_mosaic.version = 14 : i64} {
  func.func @_tc_conv(%arg0: i32, %arg1: i32, %arg2: memref<266688x128xf32, #tpu.memory_space<any>>, %arg3: memref<3x256x64xbf16, #tpu.memory_space<vmem>>, %arg4: memref<64xf32, #tpu.memory_space<vmem>>, %arg5: memref<64x1xf32, #tpu.memory_space<vmem>>, %arg6: memref<1xf32, #tpu.memory_space<vmem>>, %arg7: memref<1x1x32x258xf32, #tpu.memory_space<vmem>>, %arg8: memref<2x8792x128xf32, #tpu.memory_space<vmem>>, %arg9: memref<8784x256xbf16, #tpu.memory_space<vmem>>, %arg10: memref<2x!tpu.dma_semaphore, #tpu.memory_space<semaphore_mem>>) attributes {dimension_semantics = [#tpu.dimension_semantics<arbitrary>, #tpu.dimension_semantics<arbitrary>], iteration_bounds = array<i64: 4, 8>, scalar_prefetch = 0 : i64, scratch_operands = 3 : i64, tpu.core_type = #tpu.core_type<tc>, window_params = [{}, {pipeline_mode = #tpu.pipeline_mode<synchronous>, transform_indices = @transform_1, window_bounds = array<i64: 3, 256, 64>}, {pipeline_mode = #tpu.pipeline_mode<synchronous>, transform_indices = @transform_2, window_bounds = array<i64: 64>}, {pipeline_mode = #tpu.pipeline_mode<synchronous>, transform_indices = @transform_3, window_bounds = array<i64: 64, 1>}, {pipeline_mode = #tpu.pipeline_mode<synchronous>, transform_indices = @transform_4, window_bounds = array<i64: 1>}, {transform_indices = @transform_5, window_bounds = array<i64: 1, 1, 32, 258>}]} {
    %mul3A = arith.constant 8 : i32
    %mul3A_0 = arith.muli %arg0, %mul3A : i32
    %add3A = arith.addi %mul3A_0, %arg1 : i32
    %rem3A = arith.constant 2 : i32
    %rem3A_1 = arith.remsi %add3A, %rem3A : i32
    %sub3A = arith.constant 1 : i32
    %sub3A_2 = arith.subi %sub3A, %rem3A_1 : i32
    %eq3A = arith.constant 0 : i32
    %eq3A_3 = arith.cmpi eq, %add3A, %eq3A : i32
    %convert_element_type3A = arith.extui %eq3A_3 : i1 to i32
    %cond3A = arith.constant 0 : i32
    %cond3A_4 = arith.cmpi ne, %convert_element_type3A, %cond3A : i32
    scf.if %cond3A_4 {
      %dma_start3A = arith.constant 0 : i32
      %dma_start3A_263 = arith.constant 0 : i32
      %dma_start3A_264 = tpu.memref_slice %arg10[%dma_start3A_263] : memref<2x!tpu.dma_semaphore, #tpu.memory_space<semaphore_mem>> -> memref<1x!tpu.dma_semaphore, #tpu.memory_space<semaphore_mem>>
      %dma_start3A_265 = tpu.memref_squeeze %dma_start3A_264 : memref<1x!tpu.dma_semaphore, #tpu.memory_space<semaphore_mem>> -> memref<!tpu.dma_semaphore, #tpu.memory_space<semaphore_mem>>
      %dma_start3A_266 = arith.constant 0 : i32
      %dma_start3A_267 = arith.constant 0 : i32
      %dma_start3A_268 = tpu.memref_slice %arg8[%dma_start3A, %dma_start3A_266, %dma_start3A_267] : memref<2x8792x128xf32, #tpu.memory_space<vmem>> -> memref<1x8784x128xf32, #tpu.memory_space<vmem>>
      %dma_start3A_269 = tpu.memref_squeeze %dma_start3A_268 : memref<1x8784x128xf32, #tpu.memory_space<vmem>> -> memref<8784x128xf32, #tpu.memory_space<vmem>>
      %dma_start3A_270 = arith.constant 0 : i32
      %dma_start3A_271 = arith.constant 0 : i32
      %dma_start3A_272 = tpu.memref_slice %arg2[%dma_start3A_270, %dma_start3A_271] : memref<266688x128xf32, #tpu.memory_space<any>> -> memref<8784x128xf32, #tpu.memory_space<any>>
      tpu.enqueue_dma source(%dma_start3A_272 : memref<8784x128xf32, #tpu.memory_space<any>>) target(%dma_start3A_269 : memref<8784x128xf32, #tpu.memory_space<vmem>>) target_semaphore(%dma_start3A_265 : memref<!tpu.dma_semaphore, #tpu.memory_space<semaphore_mem>>)
    } else {
    }
    %add3A_5 = arith.constant 1 : i32
    %add3A_6 = arith.addi %add3A, %add3A_5 : i32
    %lt3A = arith.constant 32 : i32
    %lt3A_7 = arith.cmpi slt, %add3A_6, %lt3A : i32
    %convert_element_type3A_8 = arith.extui %lt3A_7 : i1 to i32
    %cond3A_9 = arith.constant 0 : i32
    %cond3A_10 = arith.cmpi ne, %convert_element_type3A_8, %cond3A_9 : i32
    scf.if %cond3A_10 {
      %add3A_263 = arith.constant 1 : i32
      %add3A_264 = arith.addi %add3A, %add3A_263 : i32
      %jit3A_265 = arith.constant 8 : i32
      %div3A_266 = arith.divsi %add3A_264, %jit3A_265 : i32
      %sign3A_267 = arith.constant 0 : i32
      %sign3A_268 = arith.cmpi sgt, %add3A_264, %sign3A_267 : i32
      %sign3A_269 = arith.extui %sign3A_268 : i1 to i32
      %sign3A_270 = arith.constant 0 : i32
      %sign3A_271 = arith.cmpi slt, %add3A_264, %sign3A_270 : i32
      %sign3A_272 = arith.extui %sign3A_271 : i1 to i32
      %sign3A_273 = arith.subi %sign3A_269, %sign3A_272 : i32
      %sign3A_274 = arith.constant 0 : i32
      %sign3A_275 = arith.cmpi sgt, %jit3A_265, %sign3A_274 : i32
      %sign3A_276 = arith.extui %sign3A_275 : i1 to i32
      %sign3A_277 = arith.constant 0 : i32
      %sign3A_278 = arith.cmpi slt, %jit3A_265, %sign3A_277 : i32
      %sign3A_279 = arith.extui %sign3A_278 : i1 to i32
      %sign3A_280 = arith.subi %sign3A_276, %sign3A_279 : i32
      %ne3A_281 = arith.cmpi ne, %sign3A_273, %sign3A_280 : i32
      %rem3A_282 = arith.remsi %add3A_264, %jit3A_265 : i32
      %ne3A_283 = arith.constant 0 : i32
      %ne3A_284 = arith.cmpi ne, %rem3A_282, %ne3A_283 : i32
      %and3A_285 = arith.andi %ne3A_281, %ne3A_284 : i1
      %sub3A_286 = arith.constant 1 : i32
      %sub3A_287 = arith.subi %div3A_266, %sub3A_286 : i32
      %select_n3A_288 = arith.select %and3A_285, %sub3A_287, %div3A_266 : i32
      %mul3A_289 = arith.constant 8 : i32
      %mul3A_290 = arith.muli %select_n3A_288, %mul3A_289 : i32
      %sub3A_291 = arith.subi %add3A_264, %mul3A_290 : i32
      %mul3A_292 = arith.constant 66672 : i32
      %mul3A_293 = arith.muli %select_n3A_288, %mul3A_292 : i32
      %mul3A_294 = arith.constant 32 : i32
      %mul3A_295 = arith.muli %sub3A_291, %mul3A_294 : i32
      %mul3A_296 = arith.constant 258 : i32
      %mul3A_297 = arith.muli %mul3A_295, %mul3A_296 : i32
      %add3A_298 = arith.addi %mul3A_293, %mul3A_297 : i32
      %dma_start3A = tpu.memref_slice %arg10[%sub3A_2] : memref<2x!tpu.dma_semaphore, #tpu.memory_space<semaphore_mem>> -> memref<1x!tpu.dma_semaphore, #tpu.memory_space<semaphore_mem>>
      %dma_start3A_299 = tpu.memref_squeeze %dma_start3A : memref<1x!tpu.dma_semaphore, #tpu.memory_space<semaphore_mem>> -> memref<!tpu.dma_semaphore, #tpu.memory_space<semaphore_mem>>
      %dma_start3A_300 = arith.constant 0 : i32
      %dma_start3A_301 = arith.constant 0 : i32
      %dma_start3A_302 = tpu.memref_slice %arg8[%sub3A_2, %dma_start3A_300, %dma_start3A_301] : memref<2x8792x128xf32, #tpu.memory_space<vmem>> -> memref<1x8784x128xf32, #tpu.memory_space<vmem>>
      %dma_start3A_303 = tpu.memref_squeeze %dma_start3A_302 : memref<1x8784x128xf32, #tpu.memory_space<vmem>> -> memref<8784x128xf32, #tpu.memory_space<vmem>>
      %dma_start3A_304 = arith.constant 0 : i32
      %dma_start3A_305 = tpu.memref_slice %arg2[%add3A_298, %dma_start3A_304] : memref<266688x128xf32, #tpu.memory_space<any>> -> memref<8784x128xf32, #tpu.memory_space<any>>
      tpu.enqueue_dma source(%dma_start3A_305 : memref<8784x128xf32, #tpu.memory_space<any>>) target(%dma_start3A_303 : memref<8784x128xf32, #tpu.memory_space<vmem>>) target_semaphore(%dma_start3A_299 : memref<!tpu.dma_semaphore, #tpu.memory_space<semaphore_mem>>)
    } else {
    }
    %jit3A = arith.constant 8 : i32
    %div3A = arith.divsi %add3A, %jit3A : i32
    %sign3A = arith.constant 0 : i32
    %sign3A_11 = arith.cmpi sgt, %add3A, %sign3A : i32
    %sign3A_12 = arith.extui %sign3A_11 : i1 to i32
    %sign3A_13 = arith.constant 0 : i32
    %sign3A_14 = arith.cmpi slt, %add3A, %sign3A_13 : i32
    %sign3A_15 = arith.extui %sign3A_14 : i1 to i32
    %sign3A_16 = arith.subi %sign3A_12, %sign3A_15 : i32
    %sign3A_17 = arith.constant 0 : i32
    %sign3A_18 = arith.cmpi sgt, %jit3A, %sign3A_17 : i32
    %sign3A_19 = arith.extui %sign3A_18 : i1 to i32
    %sign3A_20 = arith.constant 0 : i32
    %sign3A_21 = arith.cmpi slt, %jit3A, %sign3A_20 : i32
    %sign3A_22 = arith.extui %sign3A_21 : i1 to i32
    %sign3A_23 = arith.subi %sign3A_19, %sign3A_22 : i32
    %ne3A = arith.cmpi ne, %sign3A_16, %sign3A_23 : i32
    %rem3A_24 = arith.remsi %add3A, %jit3A : i32
    %ne3A_25 = arith.constant 0 : i32
    %ne3A_26 = arith.cmpi ne, %rem3A_24, %ne3A_25 : i32
    %and3A = arith.andi %ne3A, %ne3A_26 : i1
    %sub3A_27 = arith.constant 1 : i32
    %sub3A_28 = arith.subi %div3A, %sub3A_27 : i32
    %select_n3A = arith.select %and3A, %sub3A_28, %div3A : i32
    %mul3A_29 = arith.constant 8 : i32
    %mul3A_30 = arith.muli %select_n3A, %mul3A_29 : i32
    %sub3A_31 = arith.subi %add3A, %mul3A_30 : i32
    %mul3A_32 = arith.constant 66672 : i32
    %mul3A_33 = arith.muli %select_n3A, %mul3A_32 : i32
    %mul3A_34 = arith.constant 32 : i32
    %mul3A_35 = arith.muli %sub3A_31, %mul3A_34 : i32
    %mul3A_36 = arith.constant 258 : i32
    %mul3A_37 = arith.muli %mul3A_35, %mul3A_36 : i32
    %add3A_38 = arith.addi %mul3A_33, %mul3A_37 : i32
    %dma_wait3A = tpu.memref_slice %arg10[%rem3A_1] : memref<2x!tpu.dma_semaphore, #tpu.memory_space<semaphore_mem>> -> memref<1x!tpu.dma_semaphore, #tpu.memory_space<semaphore_mem>>
    %dma_wait3A_39 = tpu.memref_squeeze %dma_wait3A : memref<1x!tpu.dma_semaphore, #tpu.memory_space<semaphore_mem>> -> memref<!tpu.dma_semaphore, #tpu.memory_space<semaphore_mem>>
    %dma_wait3A_40 = arith.constant 0 : i32
    %dma_wait3A_41 = arith.constant 0 : i32
    %dma_wait3A_42 = tpu.memref_slice %arg8[%rem3A_1, %dma_wait3A_40, %dma_wait3A_41] : memref<2x8792x128xf32, #tpu.memory_space<vmem>> -> memref<1x8784x128xf32, #tpu.memory_space<vmem>>
    %dma_wait3A_43 = tpu.memref_squeeze %dma_wait3A_42 : memref<1x8784x128xf32, #tpu.memory_space<vmem>> -> memref<8784x128xf32, #tpu.memory_space<vmem>>
    %dma_wait3A_44 = arith.constant 0 : i32
    %dma_wait3A_45 = tpu.memref_slice %arg2[%add3A_38, %dma_wait3A_44] : memref<266688x128xf32, #tpu.memory_space<any>> -> memref<8784x128xf32, #tpu.memory_space<any>>
    tpu.wait_dma2 semaphore(%dma_wait3A_39 : memref<!tpu.dma_semaphore, #tpu.memory_space<semaphore_mem>>) src(%dma_wait3A_45 : memref<8784x128xf32, #tpu.memory_space<any>>) dst(%dma_wait3A_43 : memref<8784x128xf32, #tpu.memory_space<vmem>>)
    %get3A = arith.index_cast %rem3A_1 : i32 to index
    %get3A_46 = arith.constant 0 : index
    %get3A_47 = arith.constant 0 : index
    %get3A_48 = vector.load %arg8[%get3A, %get3A_46, %get3A_47] : memref<2x8792x128xf32, #tpu.memory_space<vmem>>, vector<1x1464x64xf32>
    %get3A_49 = vector.shape_cast %get3A_48 : vector<1x1464x64xf32> to vector<1464x64xf32>
    %convert_element_type3A_50 = arith.truncf %get3A_49 : vector<1464x64xf32> to vector<1464x64xbf16>
    %swap3A = arith.constant 0 : index
    %swap3A_51 = arith.constant 0 : index
    %swap3A_52 = vector.load %arg9[%swap3A, %swap3A_51] : memref<8784x256xbf16, #tpu.memory_space<vmem>>, vector<1464x64xbf16>
    tpu.vector_store %arg9[%swap3A, %swap3A_51], %convert_element_type3A_50 {strides = array<i32>} : memref<8784x256xbf16, #tpu.memory_space<vmem>>, vector<1464x64xbf16>,
    %get3A_53 = arith.index_cast %rem3A_1 : i32 to index
    %get3A_54 = arith.constant 1 : index
    %get3A_55 = arith.constant 0 : index
    %get3A_56 = vector.load %arg8[%get3A_53, %get3A_54, %get3A_55] : memref<2x8792x128xf32, #tpu.memory_space<vmem>>, vector<1x1464x64xf32>
    %get3A_57 = vector.shape_cast %get3A_56 : vector<1x1464x64xf32> to vector<1464x64xf32>
    %convert_element_type3A_58 = arith.truncf %get3A_57 : vector<1464x64xf32> to vector<1464x64xbf16>
    %swap3A_59 = arith.constant 0 : index
    %swap3A_60 = arith.constant 64 : index
    %swap3A_61 = vector.load %arg9[%swap3A_59, %swap3A_60] : memref<8784x256xbf16, #tpu.memory_space<vmem>>, vector<1464x64xbf16>
    tpu.vector_store %arg9[%swap3A_59, %swap3A_60], %convert_element_type3A_58 {strides = array<i32>} : memref<8784x256xbf16, #tpu.memory_space<vmem>>, vector<1464x64xbf16>,
    %get3A_62 = arith.index_cast %rem3A_1 : i32 to index
    %get3A_63 = arith.constant 2 : index
    %get3A_64 = arith.constant 0 : index
    %get3A_65 = vector.load %arg8[%get3A_62, %get3A_63, %get3A_64] : memref<2x8792x128xf32, #tpu.memory_space<vmem>>, vector<1x1464x64xf32>
    %get3A_66 = vector.shape_cast %get3A_65 : vector<1x1464x64xf32> to vector<1464x64xf32>
    %convert_element_type3A_67 = arith.truncf %get3A_66 : vector<1464x64xf32> to vector<1464x64xbf16>
    %swap3A_68 = arith.constant 0 : index
    %swap3A_69 = arith.constant 128 : index
    %swap3A_70 = vector.load %arg9[%swap3A_68, %swap3A_69] : memref<8784x256xbf16, #tpu.memory_space<vmem>>, vector<1464x64xbf16>
    tpu.vector_store %arg9[%swap3A_68, %swap3A_69], %convert_element_type3A_67 {strides = array<i32>} : memref<8784x256xbf16, #tpu.memory_space<vmem>>, vector<1464x64xbf16>,
    %get3A_71 = arith.index_cast %rem3A_1 : i32 to index
    %get3A_72 = arith.constant 1464 : index
    %get3A_73 = arith.constant 0 : index
    %get3A_74 = vector.load %arg8[%get3A_71, %get3A_72, %get3A_73] : memref<2x8792x128xf32, #tpu.memory_space<vmem>>, vector<1x1464x64xf32>
    %get3A_75 = vector.shape_cast %get3A_74 : vector<1x1464x64xf32> to vector<1464x64xf32>
    %convert_element_type3A_76 = arith.truncf %get3A_75 : vector<1464x64xf32> to vector<1464x64xbf16>
    %swap3A_77 = arith.constant 1464 : index
    %swap3A_78 = arith.constant 0 : index
    %swap3A_79 = vector.load %arg9[%swap3A_77, %swap3A_78] : memref<8784x256xbf16, #tpu.memory_space<vmem>>, vector<1464x64xbf16>
    tpu.vector_store %arg9[%swap3A_77, %swap3A_78], %convert_element_type3A_76 {strides = array<i32>} : memref<8784x256xbf16, #tpu.memory_space<vmem>>, vector<1464x64xbf16>,
    %get3A_80 = arith.index_cast %rem3A_1 : i32 to index
    %get3A_81 = arith.constant 1465 : index
    %get3A_82 = arith.constant 0 : index
    %get3A_83 = vector.load %arg8[%get3A_80, %get3A_81, %get3A_82] : memref<2x8792x128xf32, #tpu.memory_space<vmem>>, vector<1x1464x64xf32>
    %get3A_84 = vector.shape_cast %get3A_83 : vector<1x1464x64xf32> to vector<1464x64xf32>
    %convert_element_type3A_85 = arith.truncf %get3A_84 : vector<1464x64xf32> to vector<1464x64xbf16>
    %swap3A_86 = arith.constant 1464 : index
    %swap3A_87 = arith.constant 64 : index
    %swap3A_88 = vector.load %arg9[%swap3A_86, %swap3A_87] : memref<8784x256xbf16, #tpu.memory_space<vmem>>, vector<1464x64xbf16>
    tpu.vector_store %arg9[%swap3A_86, %swap3A_87], %convert_element_type3A_85 {strides = array<i32>} : memref<8784x256xbf16, #tpu.memory_space<vmem>>, vector<1464x64xbf16>,
    %get3A_89 = arith.index_cast %rem3A_1 : i32 to index
    %get3A_90 = arith.constant 1466 : index
    %get3A_91 = arith.constant 0 : index
    %get3A_92 = vector.load %arg8[%get3A_89, %get3A_90, %get3A_91] : memref<2x8792x128xf32, #tpu.memory_space<vmem>>, vector<1x1464x64xf32>
    %get3A_93 = vector.shape_cast %get3A_92 : vector<1x1464x64xf32> to vector<1464x64xf32>
    %convert_element_type3A_94 = arith.truncf %get3A_93 : vector<1464x64xf32> to vector<1464x64xbf16>
    %swap3A_95 = arith.constant 1464 : index
    %swap3A_96 = arith.constant 128 : index
    %swap3A_97 = vector.load %arg9[%swap3A_95, %swap3A_96] : memref<8784x256xbf16, #tpu.memory_space<vmem>>, vector<1464x64xbf16>
    tpu.vector_store %arg9[%swap3A_95, %swap3A_96], %convert_element_type3A_94 {strides = array<i32>} : memref<8784x256xbf16, #tpu.memory_space<vmem>>, vector<1464x64xbf16>,
    %get3A_98 = arith.index_cast %rem3A_1 : i32 to index
    %get3A_99 = arith.constant 2928 : index
    %get3A_100 = arith.constant 0 : index
    %get3A_101 = vector.load %arg8[%get3A_98, %get3A_99, %get3A_100] : memref<2x8792x128xf32, #tpu.memory_space<vmem>>, vector<1x1464x64xf32>
    %get3A_102 = vector.shape_cast %get3A_101 : vector<1x1464x64xf32> to vector<1464x64xf32>
    %convert_element_type3A_103 = arith.truncf %get3A_102 : vector<1464x64xf32> to vector<1464x64xbf16>
    %swap3A_104 = arith.constant 2928 : index
    %swap3A_105 = arith.constant 0 : index
    %swap3A_106 = vector.load %arg9[%swap3A_104, %swap3A_105] : memref<8784x256xbf16, #tpu.memory_space<vmem>>, vector<1464x64xbf16>
    tpu.vector_store %arg9[%swap3A_104, %swap3A_105], %convert_element_type3A_103 {strides = array<i32>} : memref<8784x256xbf16, #tpu.memory_space<vmem>>, vector<1464x64xbf16>,
    %get3A_107 = arith.index_cast %rem3A_1 : i32 to index
    %get3A_108 = arith.constant 2929 : index
    %get3A_109 = arith.constant 0 : index
    %get3A_110 = vector.load %arg8[%get3A_107, %get3A_108, %get3A_109] : memref<2x8792x128xf32, #tpu.memory_space<vmem>>, vector<1x1464x64xf32>
    %get3A_111 = vector.shape_cast %get3A_110 : vector<1x1464x64xf32> to vector<1464x64xf32>
    %convert_element_type3A_112 = arith.truncf %get3A_111 : vector<1464x64xf32> to vector<1464x64xbf16>
    %swap3A_113 = arith.constant 2928 : index
    %swap3A_114 = arith.constant 64 : index
    %swap3A_115 = vector.load %arg9[%swap3A_113, %swap3A_114] : memref<8784x256xbf16, #tpu.memory_space<vmem>>, vector<1464x64xbf16>
    tpu.vector_store %arg9[%swap3A_113, %swap3A_114], %convert_element_type3A_112 {strides = array<i32>} : memref<8784x256xbf16, #tpu.memory_space<vmem>>, vector<1464x64xbf16>,
    %get3A_116 = arith.index_cast %rem3A_1 : i32 to index
    %get3A_117 = arith.constant 2930 : index
    %get3A_118 = arith.constant 0 : index
    %get3A_119 = vector.load %arg8[%get3A_116, %get3A_117, %get3A_118] : memref<2x8792x128xf32, #tpu.memory_space<vmem>>, vector<1x1464x64xf32>
    %get3A_120 = vector.shape_cast %get3A_119 : vector<1x1464x64xf32> to vector<1464x64xf32>
    %convert_element_type3A_121 = arith.truncf %get3A_120 : vector<1464x64xf32> to vector<1464x64xbf16>
    %swap3A_122 = arith.constant 2928 : index
    %swap3A_123 = arith.constant 128 : index
    %swap3A_124 = vector.load %arg9[%swap3A_122, %swap3A_123] : memref<8784x256xbf16, #tpu.memory_space<vmem>>, vector<1464x64xbf16>
    tpu.vector_store %arg9[%swap3A_122, %swap3A_123], %convert_element_type3A_121 {strides = array<i32>} : memref<8784x256xbf16, #tpu.memory_space<vmem>>, vector<1464x64xbf16>,
    %get3A_125 = arith.index_cast %rem3A_1 : i32 to index
    %get3A_126 = arith.constant 4392 : index
    %get3A_127 = arith.constant 0 : index
    %get3A_128 = vector.load %arg8[%get3A_125, %get3A_126, %get3A_127] : memref<2x8792x128xf32, #tpu.memory_space<vmem>>, vector<1x1464x64xf32>
    %get3A_129 = vector.shape_cast %get3A_128 : vector<1x1464x64xf32> to vector<1464x64xf32>
    %convert_element_type3A_130 = arith.truncf %get3A_129 : vector<1464x64xf32> to vector<1464x64xbf16>
    %swap3A_131 = arith.constant 4392 : index
    %swap3A_132 = arith.constant 0 : index
    %swap3A_133 = vector.load %arg9[%swap3A_131, %swap3A_132] : memref<8784x256xbf16, #tpu.memory_space<vmem>>, vector<1464x64xbf16>
    tpu.vector_store %arg9[%swap3A_131, %swap3A_132], %convert_element_type3A_130 {strides = array<i32>} : memref<8784x256xbf16, #tpu.memory_space<vmem>>, vector<1464x64xbf16>,
    %get3A_134 = arith.index_cast %rem3A_1 : i32 to index
    %get3A_135 = arith.constant 4393 : index
    %get3A_136 = arith.constant 0 : index
    %get3A_137 = vector.load %arg8[%get3A_134, %get3A_135, %get3A_136] : memref<2x8792x128xf32, #tpu.memory_space<vmem>>, vector<1x1464x64xf32>
    %get3A_138 = vector.shape_cast %get3A_137 : vector<1x1464x64xf32> to vector<1464x64xf32>
    %convert_element_type3A_139 = arith.truncf %get3A_138 : vector<1464x64xf32> to vector<1464x64xbf16>
    %swap3A_140 = arith.constant 4392 : index
    %swap3A_141 = arith.constant 64 : index
    %swap3A_142 = vector.load %arg9[%swap3A_140, %swap3A_141] : memref<8784x256xbf16, #tpu.memory_space<vmem>>, vector<1464x64xbf16>
    tpu.vector_store %arg9[%swap3A_140, %swap3A_141], %convert_element_type3A_139 {strides = array<i32>} : memref<8784x256xbf16, #tpu.memory_space<vmem>>, vector<1464x64xbf16>,
    %get3A_143 = arith.index_cast %rem3A_1 : i32 to index
    %get3A_144 = arith.constant 4394 : index
    %get3A_145 = arith.constant 0 : index
    %get3A_146 = vector.load %arg8[%get3A_143, %get3A_144, %get3A_145] : memref<2x8792x128xf32, #tpu.memory_space<vmem>>, vector<1x1464x64xf32>
    %get3A_147 = vector.shape_cast %get3A_146 : vector<1x1464x64xf32> to vector<1464x64xf32>
    %convert_element_type3A_148 = arith.truncf %get3A_147 : vector<1464x64xf32> to vector<1464x64xbf16>
    %swap3A_149 = arith.constant 4392 : index
    %swap3A_150 = arith.constant 128 : index
    %swap3A_151 = vector.load %arg9[%swap3A_149, %swap3A_150] : memref<8784x256xbf16, #tpu.memory_space<vmem>>, vector<1464x64xbf16>
    tpu.vector_store %arg9[%swap3A_149, %swap3A_150], %convert_element_type3A_148 {strides = array<i32>} : memref<8784x256xbf16, #tpu.memory_space<vmem>>, vector<1464x64xbf16>,
    %get3A_152 = arith.index_cast %rem3A_1 : i32 to index
    %get3A_153 = arith.constant 5856 : index
    %get3A_154 = arith.constant 0 : index
    %get3A_155 = vector.load %arg8[%get3A_152, %get3A_153, %get3A_154] : memref<2x8792x128xf32, #tpu.memory_space<vmem>>, vector<1x1464x64xf32>
    %get3A_156 = vector.shape_cast %get3A_155 : vector<1x1464x64xf32> to vector<1464x64xf32>
    %convert_element_type3A_157 = arith.truncf %get3A_156 : vector<1464x64xf32> to vector<1464x64xbf16>
    %swap3A_158 = arith.constant 5856 : index
    %swap3A_159 = arith.constant 0 : index
    %swap3A_160 = vector.load %arg9[%swap3A_158, %swap3A_159] : memref<8784x256xbf16, #tpu.memory_space<vmem>>, vector<1464x64xbf16>
    tpu.vector_store %arg9[%swap3A_158, %swap3A_159], %convert_element_type3A_157 {strides = array<i32>} : memref<8784x256xbf16, #tpu.memory_space<vmem>>, vector<1464x64xbf16>,
    %get3A_161 = arith.index_cast %rem3A_1 : i32 to index
    %get3A_162 = arith.constant 5857 : index
    %get3A_163 = arith.constant 0 : index
    %get3A_164 = vector.load %arg8[%get3A_161, %get3A_162, %get3A_163] : memref<2x8792x128xf32, #tpu.memory_space<vmem>>, vector<1x1464x64xf32>
    %get3A_165 = vector.shape_cast %get3A_164 : vector<1x1464x64xf32> to vector<1464x64xf32>
    %convert_element_type3A_166 = arith.truncf %get3A_165 : vector<1464x64xf32> to vector<1464x64xbf16>
    %swap3A_167 = arith.constant 5856 : index
    %swap3A_168 = arith.constant 64 : index
    %swap3A_169 = vector.load %arg9[%swap3A_167, %swap3A_168] : memref<8784x256xbf16, #tpu.memory_space<vmem>>, vector<1464x64xbf16>
    tpu.vector_store %arg9[%swap3A_167, %swap3A_168], %convert_element_type3A_166 {strides = array<i32>} : memref<8784x256xbf16, #tpu.memory_space<vmem>>, vector<1464x64xbf16>,
    %get3A_170 = arith.index_cast %rem3A_1 : i32 to index
    %get3A_171 = arith.constant 5858 : index
    %get3A_172 = arith.constant 0 : index
    %get3A_173 = vector.load %arg8[%get3A_170, %get3A_171, %get3A_172] : memref<2x8792x128xf32, #tpu.memory_space<vmem>>, vector<1x1464x64xf32>
    %get3A_174 = vector.shape_cast %get3A_173 : vector<1x1464x64xf32> to vector<1464x64xf32>
    %convert_element_type3A_175 = arith.truncf %get3A_174 : vector<1464x64xf32> to vector<1464x64xbf16>
    %swap3A_176 = arith.constant 5856 : index
    %swap3A_177 = arith.constant 128 : index
    %swap3A_178 = vector.load %arg9[%swap3A_176, %swap3A_177] : memref<8784x256xbf16, #tpu.memory_space<vmem>>, vector<1464x64xbf16>
    tpu.vector_store %arg9[%swap3A_176, %swap3A_177], %convert_element_type3A_175 {strides = array<i32>} : memref<8784x256xbf16, #tpu.memory_space<vmem>>, vector<1464x64xbf16>,
    %get3A_179 = arith.index_cast %rem3A_1 : i32 to index
    %get3A_180 = arith.constant 7320 : index
    %get3A_181 = arith.constant 0 : index
    %get3A_182 = vector.load %arg8[%get3A_179, %get3A_180, %get3A_181] : memref<2x8792x128xf32, #tpu.memory_space<vmem>>, vector<1x1464x64xf32>
    %get3A_183 = vector.shape_cast %get3A_182 : vector<1x1464x64xf32> to vector<1464x64xf32>
    %convert_element_type3A_184 = arith.truncf %get3A_183 : vector<1464x64xf32> to vector<1464x64xbf16>
    %swap3A_185 = arith.constant 7320 : index
    %swap3A_186 = arith.constant 0 : index
    %swap3A_187 = vector.load %arg9[%swap3A_185, %swap3A_186] : memref<8784x256xbf16, #tpu.memory_space<vmem>>, vector<1464x64xbf16>
    tpu.vector_store %arg9[%swap3A_185, %swap3A_186], %convert_element_type3A_184 {strides = array<i32>} : memref<8784x256xbf16, #tpu.memory_space<vmem>>, vector<1464x64xbf16>,
    %get3A_188 = arith.index_cast %rem3A_1 : i32 to index
    %get3A_189 = arith.constant 7321 : index
    %get3A_190 = arith.constant 0 : index
    %get3A_191 = vector.load %arg8[%get3A_188, %get3A_189, %get3A_190] : memref<2x8792x128xf32, #tpu.memory_space<vmem>>, vector<1x1464x64xf32>
    %get3A_192 = vector.shape_cast %get3A_191 : vector<1x1464x64xf32> to vector<1464x64xf32>
    %convert_element_type3A_193 = arith.truncf %get3A_192 : vector<1464x64xf32> to vector<1464x64xbf16>
    %swap3A_194 = arith.constant 7320 : index
    %swap3A_195 = arith.constant 64 : index
    %swap3A_196 = vector.load %arg9[%swap3A_194, %swap3A_195] : memref<8784x256xbf16, #tpu.memory_space<vmem>>, vector<1464x64xbf16>
    tpu.vector_store %arg9[%swap3A_194, %swap3A_195], %convert_element_type3A_193 {strides = array<i32>} : memref<8784x256xbf16, #tpu.memory_space<vmem>>, vector<1464x64xbf16>,
    %get3A_197 = arith.index_cast %rem3A_1 : i32 to index
    %get3A_198 = arith.constant 7322 : index
    %get3A_199 = arith.constant 0 : index
    %get3A_200 = vector.load %arg8[%get3A_197, %get3A_198, %get3A_199] : memref<2x8792x128xf32, #tpu.memory_space<vmem>>, vector<1x1464x64xf32>
    %get3A_201 = vector.shape_cast %get3A_200 : vector<1x1464x64xf32> to vector<1464x64xf32>
    %convert_element_type3A_202 = arith.truncf %get3A_201 : vector<1464x64xf32> to vector<1464x64xbf16>
    %swap3A_203 = arith.constant 7320 : index
    %swap3A_204 = arith.constant 128 : index
    %swap3A_205 = vector.load %arg9[%swap3A_203, %swap3A_204] : memref<8784x256xbf16, #tpu.memory_space<vmem>>, vector<1464x64xbf16>
    tpu.vector_store %arg9[%swap3A_203, %swap3A_204], %convert_element_type3A_202 {strides = array<i32>} : memref<8784x256xbf16, #tpu.memory_space<vmem>>, vector<1464x64xbf16>,
    %get3A_206 = arith.constant 0 : index
    %get3A_207 = vector.load %arg4[%get3A_206] : memref<64xf32, #tpu.memory_space<vmem>>, vector<64xf32>
    %reshape3A = vector.shape_cast %get3A_207 : vector<64xf32> to vector<1x64xf32>
    %get3A_208 = arith.constant 0 : index
    %get3A_209 = vector.load %arg6[%get3A_208] : memref<1xf32, #tpu.memory_space<vmem>>, vector<1xf32>
    %get3A_210 = vector.extract %get3A_209[0] : f32 from vector<1xf32>
    %broadcast_in_dim3A = arith.constant 0.000000e+00 : f32
    %broadcast_in_dim3A_211 = vector.broadcast %broadcast_in_dim3A : f32 to vector<8256x64xf32>
    %get3A_212 = arith.constant 0 : index
    %get3A_213 = arith.constant 0 : index
    %get3A_214 = vector.load %arg9[%get3A_212, %get3A_213] : memref<8784x256xbf16, #tpu.memory_space<vmem>>, vector<8256x256xbf16>
    %get3A_215 = arith.constant 0 : index
    %get3A_216 = arith.constant 0 : index
    %get3A_217 = arith.constant 0 : index
    %get3A_218 = vector.load %arg3[%get3A_215, %get3A_216, %get3A_217] : memref<3x256x64xbf16, #tpu.memory_space<vmem>>, vector<1x256x64xbf16>
    %get3A_219 = vector.shape_cast %get3A_218 : vector<1x256x64xbf16> to vector<256x64xbf16>
    %dot_general3A = arith.constant dense<0.000000e+00> : vector<8256x64xf32>
    %dot_general3A_220 = tpu.matmul %get3A_214, %get3A_219, %dot_general3A {dimension_numbers = #tpu.dot_dimension_numbers<[1], [0], [0], [1], [0, 0, 1, 1], [], []>, transpose_lhs_hint = false} : vector<8256x256xbf16>, vector<256x64xbf16>, vector<8256x64xf32> -> vector<8256x64xf32>
    %add3A_221 = arith.addf %broadcast_in_dim3A_211, %dot_general3A_220 : vector<8256x64xf32>
    %get3A_222 = arith.constant 258 : index
    %get3A_223 = arith.constant 0 : index
    %get3A_224 = vector.load %arg9[%get3A_222, %get3A_223] : memref<8784x256xbf16, #tpu.memory_space<vmem>>, vector<8256x256xbf16>
    %get3A_225 = arith.constant 1 : index
    %get3A_226 = arith.constant 0 : index
    %get3A_227 = arith.constant 0 : index
    %get3A_228 = vector.load %arg3[%get3A_225, %get3A_226, %get3A_227] : memref<3x256x64xbf16, #tpu.memory_space<vmem>>, vector<1x256x64xbf16>
    %get3A_229 = vector.shape_cast %get3A_228 : vector<1x256x64xbf16> to vector<256x64xbf16>
    %dot_general3A_230 = arith.constant dense<0.000000e+00> : vector<8256x64xf32>
    %dot_general3A_231 = tpu.matmul %get3A_224, %get3A_229, %dot_general3A_230 {dimension_numbers = #tpu.dot_dimension_numbers<[1], [0], [0], [1], [0, 0, 1, 1], [], []>, transpose_lhs_hint = false} : vector<8256x256xbf16>, vector<256x64xbf16>, vector<8256x64xf32> -> vector<8256x64xf32>
    %add3A_232 = arith.addf %add3A_221, %dot_general3A_231 : vector<8256x64xf32>
    %get3A_233 = arith.constant 516 : index
    %get3A_234 = arith.constant 0 : index
    %get3A_235 = vector.load %arg9[%get3A_233, %get3A_234] : memref<8784x256xbf16, #tpu.memory_space<vmem>>, vector<8256x256xbf16>
    %get3A_236 = arith.constant 2 : index
    %get3A_237 = arith.constant 0 : index
    %get3A_238 = arith.constant 0 : index
    %get3A_239 = vector.load %arg3[%get3A_236, %get3A_237, %get3A_238] : memref<3x256x64xbf16, #tpu.memory_space<vmem>>, vector<1x256x64xbf16>
    %get3A_240 = vector.shape_cast %get3A_239 : vector<1x256x64xbf16> to vector<256x64xbf16>
    %dot_general3A_241 = arith.constant dense<0.000000e+00> : vector<8256x64xf32>
    %dot_general3A_242 = tpu.matmul %get3A_235, %get3A_240, %dot_general3A_241 {dimension_numbers = #tpu.dot_dimension_numbers<[1], [0], [0], [1], [0, 0, 1, 1], [], []>, transpose_lhs_hint = false} : vector<8256x256xbf16>, vector<256x64xbf16>, vector<8256x64xf32> -> vector<8256x64xf32>
    %add3A_243 = arith.addf %add3A_232, %dot_general3A_242 : vector<8256x64xf32>
    %add3A_244 = vector.broadcast %reshape3A : vector<1x64xf32> to vector<8256x64xf32>
    %add3A_245 = arith.addf %add3A_243, %add3A_244 : vector<8256x64xf32>
    %max3A = arith.constant 0.000000e+00 : f32
    %max3A_246 = vector.broadcast %max3A : f32 to vector<8256x64xf32>
    %max3A_247 = arith.maximumf %add3A_245, %max3A_246 : vector<8256x64xf32>
    %get3A_248 = arith.constant 0 : index
    %get3A_249 = arith.constant 0 : index
    %get3A_250 = vector.load %arg5[%get3A_248, %get3A_249] : memref<64x1xf32, #tpu.memory_space<vmem>>, vector<64x1xf32>
    %dot_general3A_251 = arith.constant dense<0.000000e+00> : vector<8256x1xf32>
    %dot_general3A_252 = tpu.matmul %max3A_247, %get3A_250, %dot_general3A_251 {dimension_numbers = #tpu.dot_dimension_numbers<[1], [0], [0], [1], [0, 0, 1, 1], [], []>, transpose_lhs_hint = false} : vector<8256x64xf32>, vector<64x1xf32>, vector<8256x1xf32> -> vector<8256x1xf32>
    %reshape3A_253 = vector.shape_cast %dot_general3A_252 : vector<8256x1xf32> to vector<32x258xf32>
    %add3A_254 = vector.broadcast %get3A_210 : f32 to vector<32x258xf32>
    %add3A_255 = arith.addf %reshape3A_253, %add3A_254 : vector<32x258xf32>
    %swap3A_256 = arith.constant 0 : index
    %swap3A_257 = arith.constant 0 : index
    %swap3A_258 = arith.constant 0 : index
    %swap3A_259 = arith.constant 0 : index
    %swap3A_260 = vector.load %arg7[%swap3A_256, %swap3A_257, %swap3A_258, %swap3A_259] : memref<1x1x32x258xf32, #tpu.memory_space<vmem>>, vector<1x1x32x258xf32>
    %swap3A_261 = vector.shape_cast %swap3A_260 : vector<1x1x32x258xf32> to vector<32x258xf32>
    %swap3A_262 = vector.shape_cast %add3A_255 : vector<32x258xf32> to vector<1x1x32x258xf32>
    tpu.vector_store %arg7[%swap3A_256, %swap3A_257, %swap3A_258, %swap3A_259], %swap3A_262 {strides = array<i32>} : memref<1x1x32x258xf32, #tpu.memory_space<vmem>>, vector<1x1x32x258xf32>,
    return
  }
  func.func @transform_1(%arg0: i32, %arg1: i32) -> (i32, i32, i32) {
    %c0_i32 = arith.constant 0 : i32
    %c0_i32_0 = arith.constant 0 : i32
    %c0_i32_1 = arith.constant 0 : i32
    %c0_i32_2 = arith.constant 0 : i32
    return %c0_i32, %c0_i32_0, %c0_i32_1 : i32, i32, i32
  }
  func.func @transform_2(%arg0: i32, %arg1: i32) -> i32 {
    %c0_i32 = arith.constant 0 : i32
    %c0_i32_0 = arith.constant 0 : i32
    return %c0_i32 : i32
  }
  func.func @transform_3(%arg0: i32, %arg1: i32) -> (i32, i32) {
    %c0_i32 = arith.constant 0 : i32
    %c0_i32_0 = arith.constant 0 : i32
    %c0_i32_1 = arith.constant 0 : i32
    return %c0_i32, %c0_i32_0 : i32, i32
  }
  func.func @transform_4(%arg0: i32, %arg1: i32) -> i32 {
    %c0_i32 = arith.constant 0 : i32
    %c0_i32_0 = arith.constant 0 : i32
    return %c0_i32 : i32
  }
  func.func @transform_5(%arg0: i32, %arg1: i32) -> (i32, i32, i32, i32) {
    %c0_i32 = arith.constant 0 : i32
    %c0_i32_0 = arith.constant 0 : i32
    %c0_i32_1 = arith.constant 0 : i32
    return %arg0, %arg1, %c0_i32, %c0_i32_0 : i32, i32, i32, i32
  }
}

</mosaic_0001>

<sc_bundles>
// kernel: kernel.6.cloned.1.call-start
scs
__scs_entry_jumppad:
0x0: {  	(pc) =	sbr.rel $0x88, $3  }
0x1: {  	(tag) =	ssettag $0x0;
	lr =	simm.s32 $0x1  }
0x2: {  	[smem:$0x3F9B] =	sst lr;
	_ =	strace $0xD0000000  }
0x3: {  	_ = 	snop  }
0x4: {  	_ = 	snop  }
0x5: {  	_ = 	snop  }
0x6: {  	_ = 	snop  }
0x7: {  	_ = 	snop  }
__scs_overlays_trampoline_lowered:
0x8: {  	[smem:$0x3FAA] =	sst s0  }
0x9: {  	[smem:$0x3FAB] =	sst s1  }
0xa: {  	[smem:$0x3FAC] =	sst s2  }
0xb: {  	[smem:$0x3FAD] =	sst s3  }
0xc: {  	[smem:$0x3FAE] =	sst s4  }
0xd: {  	[smem:$0x3FAF] =	sst s5  }
0xe: {  	[smem:$0x3FB0] =	sst s6  }
0xf: {  	[smem:$0x3FB1] =	sst s7  }
0x10: {  	[smem:$0x3FB2] =	sst s8  }
0x11: {  	[smem:$0x3FB3] =	sst s9;
	s0 =	simm.s32 @!p0 $0x0  }
0x12: {  	s1 =	sld [smem:$0x3F99];
	s0 =	simm.s32 @p0 $0x1  }
0x13: {  	[smem:$0x3FB4] =	sst s0;
	s0 =	simm.s32 @!p1 $0x0  }
0x14: {  	s2 =	sld [smem:$0x3F98];
	s0 =	simm.s32 @p1 $0x1  }
0x15: {  	[smem:$0x3FB5] =	sst s0;
	s0 =	simm.s32 @!p2 $0x0  }
0x16: {  	s3 =	sld [smem:$0x3FDB];
	s0 =	simm.s32 @p2 $0x1  }
0x17: {  	s4 =	simm.s32 $0x1BF5;
	[smem:$0x3FB7] =	sst s0  }
0x18: {  	s0 =	sld [smem:$0x3F9A];
	_ =	swait.ge [sflag:s4], $0x0  }
0x19: {  	s7 =	sld [smem:$0x3F9B]  }
0x1a: {  	s8 =	sadd.s32 $0xFFFFE003, lr  }
0x1b: {  	s9 =	sadd.s32 $0xFFFFFEF7, lr;
	s5 =	simm.s32 $0xFFFFFFFF;
	p2 =	slt.u32 s8, $0xFFFFF086  }
0x1c: {  	p1 =	slt.u32 s9, $0xF7A;
	s5 =	simm.s32 @!p2 $0x0  }
0x1d: {  	s5 =	simm.s32 @p1 $0x1;
	p0 =	seq.s32 s7, s2  }
0x1e: {  	s7 =	smul.u32 @!p0 $0xF7A, s2;
	p2 =	seq.s32 @!p0 s5, $0x0  }
0x1f: {  	s9 =	smul.u32 $0xF7A, s1;
	s8 =	simm.s32 @!p0 $0x1BF5;
	p2 =	por !p2, p0  }
0x20: {  	[sflag:s8] =	ssyncset.s32 @!p0 $0xFFFFF086;
	s6 =	sadd.s32 @!p0 s3, s7;
	s7 =	simm.s32 @!p0 $0x108  }
0x21: {  	s3 =	sadd.s32 s3, s9;
	s6 =	sadd.s32 @!p0 $0x88, s6;
	s7 =	simm.s32 @p2 $0x1082  }
0x22: {  	[simem:s7], [sflag:s8] =	dma.local @!p0 [hbm:s6], $0xF7A  }
0x23: {  	s9 =	sor.u32 $0xD0000000, s2;
	s6 =	simm.s32 $0x108;
	_ =	swait.ge @!p0 [sflag:s8], $0x0  }
0x24: {  	s3 =	sadd.s32 $0x88, s3;
	s6 =	simm.s32 @!p1 $0x1082;
	[sflag:s4] =	ssyncset.s32 $0xFFFFF086  }
0x25: {  	[simem:s6], [sflag:s4] =	dma.local [hbm:s3], $0xF7A  }
0x26: {  	[smem:$0x3F9B] =	sst s1;
	(tag) =	ssettag s2;
	_ =	strace s9  }
0x27: {  	s1 =	sld [smem:$0x3FAB]  }
0x28: {  	s2 =	sld [smem:$0x3FAC]  }
0x29: {  	s4 =	sld [smem:$0x3FAE]  }
0x2a: {  	p0 =	seq.s32 s5, $0x0;
	s5 =	sld [smem:$0x3FAF]  }
0x2b: {  	s6 =	sld [smem:$0x3FB0]  }
0x2c: {  	s7 =	sld [smem:$0x3FB1]  }
0x2d: {  	s3 =	simm.s32 $0x108;
	s8 =	sld [smem:$0x3FB2]  }
0x2e: {  	s3 =	simm.s32 @!p0 $0x1082;
	s9 =	sld [smem:$0x3FB3]  }
0x2f: {  	lr =	sadd.s32 s0, s3;
	s0 =	sld [smem:$0x3FAA]  }
0x30: {  	s3 =	sld [smem:$0x3FAD]  }
0x31: {  	[smem:$0x3FB6] =	sst s10  }
0x32: {  	s10 =	sld [smem:$0x3FB4];
	_ =	sdelay $0x3  }
0x33: {  	p0 =	seq.s32 s10, $0x1;
	s10 =	sld [smem:$0x3FB6];
	_ =	sdelay $0x3  }
0x34: {  	[smem:$0x3FB6] =	sst s10  }
0x35: {  	s10 =	sld [smem:$0x3FB5];
	_ =	sdelay $0x3  }
0x36: {  	p1 =	seq.s32 s10, $0x1;
	s10 =	sld [smem:$0x3FB6];
	_ =	sdelay $0x3  }
0x37: {  	[smem:$0x3FB6] =	sst s10  }
0x38: {  	s10 =	sld [smem:$0x3FB7]  }
0x39: {  	_ = 	snop;
	(pc) =	sbr.ind lr, $3  }
0x3a: {  	_ = 	snop  }
0x3b: {  	_ = 	snop  }
0x3c: {  	p2 =	seq.s32 s10, $0x1;
	s10 =	sld [smem:$0x3FB6]  }
0x3d: {  	_ =	shalt  }
0x3e: {  	_ =	shalt  }
0x3f: {  	_ =	shalt  }
0x40: {  	_ =	shalt  }
0x41: {  	_ =	shalt  }
0x42: {  	_ =	shalt  }
0x43: {  	_ =	shalt  }
0x44: {  	_ =	shalt  }
0x45: {  	_ =	shalt  }
0x46: {  	_ =	shalt  }
0x47: {  	_ =	shalt  }
0x48: {  	_ =	shalt  }
0x49: {  	_ =	shalt  }
0x4a: {  	_ =	shalt  }
0x4b: {  	_ =	shalt  }
0x4c: {  	_ =	shalt  }
0x4d: {  	_ =	shalt  }
0x4e: {  	_ =	shalt  }
0x4f: {  	_ =	shalt  }
0x50: {  	_ =	shalt  }
0x51: {  	_ =	shalt  }
0x52: {  	_ =	shalt  }
0x53: {  	_ =	shalt  }
0x54: {  	_ =	shalt  }
0x55: {  	_ =	shalt  }
0x56: {  	_ =	shalt  }
0x57: {  	_ =	shalt  }
0x58: {  	_ =	shalt  }
0x59: {  	_ =	shalt  }
0x5a: {  	_ =	shalt  }
0x5b: {  	_ =	shalt  }
0x5c: {  	_ =	shalt  }
0x5d: {  	_ =	shalt  }
0x5e: {  	_ =	shalt  }
0x5f: {  	_ =	shalt  }
0x60: {  	_ =	shalt  }
0x61: {  	_ =	shalt  }
0x62: {  	_ =	shalt  }
0x63: {  	_ =	shalt  }
0x64: {  	_ =	shalt  }
0x65: {  	_ =	shalt  }
0x66: {  	_ =	shalt  }
0x67: {  	_ =	shalt  }
0x68: {  	_ =	shalt  }
0x69: {  	_ =	shalt  }
0x6a: {  	_ =	shalt  }
0x6b: {  	_ =	shalt  }
0x6c: {  	_ =	shalt  }
0x6d: {  	_ =	shalt  }
0x6e: {  	_ =	shalt  }
0x6f: {  	_ =	shalt  }
0x70: {  	_ =	shalt  }
0x71: {  	_ =	shalt  }
0x72: {  	_ =	shalt  }
0x73: {  	_ =	shalt  }
0x74: {  	_ =	shalt  }
0x75: {  	_ =	shalt  }
0x76: {  	_ =	shalt  }
0x77: {  	_ =	shalt  }
0x78: {  	_ =	shalt  }
0x79: {  	_ =	shalt  }
0x7a: {  	_ =	shalt  }
0x7b: {  	_ =	shalt  }
0x7c: {  	_ =	shalt  }
0x7d: {  	_ =	shalt  }
0x7e: {  	_ =	shalt  }
0x7f: {  	_ =	shalt  }
0x80: {  	_ =	shalt  }
0x81: {  	_ =	shalt  }
0x82: {  	_ =	shalt  }
0x83: {  	_ =	shalt  }
0x84: {  	_ =	shalt  }
0x85: {  	_ =	shalt  }
0x86: {  	_ =	shalt  }
0x87: {  	_ =	shalt  }
.Lfunc_end0:
.L_simem_size_0:
called_computation_lowered:
.L_overlay_start_0:
0x88: {  	s2 =	sld [smem:$0x3FD9]  }
0x89: {  	s3 =	sld [smem:$0x3FFE];
	_ =	sdelay $0x1  }
0x8a: {  	s1 =	srdreg.scid  }
0x8b: {  	s0 =	sand.u32 $0x1, s1  }
0x8c: {  	s17 =	sshll.u32 s0, $0xA;
	s2 =	sadd.s32 s3, s2  }
0x8d: {  	s2 =	sadd.s32 s2, s17  }
0x8e: {  	[smem:$0x3FC2] =	sst s2  }
0x8f: {  	_ = 	snop  }
0x90: {  	s2 =	sld [smem:$0x3FD0];
	(tm) =	ssettm $0x1  }
0x91: {  	s18 =	sld [smem:$0x3FFB];
	_ =	sdelay $0x3  }
0x92: {  	_ =	strace s18  }
0x93: {  	s3 =	sld [smem:$0x3FFC];
	_ =	sdelay $0x3  }
0x94: {  	_ =	strace s3  }
0x95: {  	s3 =	sld [smem:$0x3FFD];
	_ =	sdelay $0x3  }
0x96: {  	_ =	strace s3  }
0x97: {  	_ =	strace $0x8FFFFFFF  }
0x98: {  	s19 =	sld [smem:$0x3FDB];
	_ =	sdelay $0x1  }
0x99: {  	s4 =	simm.s32 $_scs_section_size  }
0x9a: {  	s5 =	simm.s32 $_size__tile_overlayer_lowered;
	s6 =	simm.s32 $_tile_overlayer_lowered  }
0x9b: {  	s22 =	simm.s32 $0x1BFF;
	s21 =	sshll.u32 s6, $0x1;
	s3 =	sadd.s32 s4, s19  }
0x9c: {  	s7 =	simm.s32 $0x0;
	s20 =	sshll.u32 s5, $0x1;
	s5 =	sadd.s32 s21, s3  }
0x9d: {  	[timem:s7], [sflag:s22] =	dma.local [hbm:s5], s20  }
0x9e: {  	_ =	swait.ge [sflag:s22], s20  }
0x9f: {  	s4 =	ssub.s32 $0x0, s20;
	[sflag:s22] =	ssyncset.done $0x0  }
0xa0: {  	[sflag:s22] =	ssyncadd.s32 s4;
	_ =	sdelay $0x1  }
0xa1: {  	s23 =	simm.s32 $0x1B8B  }
0xa2: {  	_ =	swait.ge [sflag:s23], $0x1  }
0xa3: {  	[sflag:s23] =	ssyncset.done $0x0  }
0xa4: {  	s25 =	simm.s32 $0x1B8E;
	s24 =	sld [smem:$0x3FFE];
	[sflag:s23] =	ssyncadd.s32 $0xFFFFFFFF  }
0xa5: {  	s26 =	simm.s32 $execute0_lowered;
	[smem:$0x3FD2] =	sst s25  }
0xa6: {  	s5 =	sshll.u32 s26, $0x1;
	_ =	strace $0x80000046;
	[dreg:$0x1] =	wrdreg $0xFFFFFFFF  }
0xa7: {  	s28 =	simm.s32 $_size_execute0_lowered;
	s3 =	sadd.s32 s3, s5;
	[dreg:$0x0] =	wrdreg $0x0  }
0xa8: {  	s5 =	sshll.u32 s28, $0x1;
	[dreg:$0x2] =	wrdreg s3  }
0xa9: {  	[dreg:$0x3] =	wrdreg s5  }
0xaa: {  	[dreg:$0x4] =	wrdreg $0xC0  }
0xab: {  	_ =	task [dreg:s7], $0x5FFFF  }
0xac: {  	[dreg:$0x1] =	wrdreg $0xFFFFFFFF  }
0xad: {  	[dreg:$0x0] =	wrdreg $0x60  }
0xae: {  	[dreg:$0x2] =	wrdreg s2  }
0xaf: {  	[dreg:$0x3] =	wrdreg s24  }
0xb0: {  	[dreg:$0x4] =	wrdreg $0x9  }
0xb1: {  	_ =	task.clear_ibuf [dreg:s7], $0x5FFFF;
	_ =	strace $0x90000046  }
0xb2: {  	s29 =	simm.s32 $0x9;
	_ =	strace $0x80000048  }
0xb3: {  	_ =	swait.ge [sflag:s29], $0x1  }
0xb4: {  	[sflag:s29] =	ssyncadd.s32 $0xFFFFFFFF  }
0xb5: {  	_ =	strace $0x90000048  }
0xb6: {  	_ =	sfence  }
0xb7: {  	s30 =	sld [smem:$0x0];
	_ =	sdelay $0x2  }
0xb8: {  	s31 =	sshll.u32 s1, $0xD;
	s1 =	sshrl.u32 s1, $0x2  }
0xb9: {  	s3 =	sand.u32 $0x4000, s31;
	s1 =	sadd.s32 s1, s30  }
0xba: {  	s0 =	sor.u32 s3, s0;
	s1 =	sshll.u32 s1, $0x11  }
0xbb: {  	s0 =	sor.u32 s1, s0  }
0xbc: {  	s0 =	sadd.s32 $0x8F2B, s0  }
0xbd: {  	[sflag:s0] =	ssyncadd.remote.s32 $0x1  }
0xbe: {  	_ =	sfence.sel $0xFFFF  }
0xbf: {  	[dreg:$0x0] =	wrdreg $0xFFFFFFFF;
	(pc) =	sbr.abs _section_cstart, $3  }
0xc0: {  	[dreg:$0x1] =	wrdreg $0xFFFFFFFF  }
0xc1: {  	_ =	task.clear_ibuf [dreg:s7], $0x2FFFF;
	_ =	strace $0x9FFFFFFF  }
0xc2: {  	(tm) =	ssettm $0x7FFFFFFF  }
0xc3: {  	_ =	shalt  }
tec
execute0_lowered:
.L_overlay_start_1:
0x0: {  	(tag) =	ssettag $0x1  }
0x1: {  	s0 =	stileid.u32;
	s4 =	rddreg [dreg:$0x0]  }
0x2: {  	s1 =	srdreg.scid;
	s5 =	rddreg [dreg:$0x1]  }
0x3: {  	s17 =	simm.s32 $0x19A80;
	s18 =	simm.s32 $0x60;
	s25 =	smul.u32 $0x2EE00, s0  }
0x4: {  	s3 =	sadd.s32 $0xFFFFFFFE, s0;
	s7 =	sand.u32 $0x1, s1;
	s29 =	smul.u32 $0x25280, s0  }
0x5: {  	s1 =	rddreg [dreg:$0x2];
	s20 =	sadd.s32 $0x17A200, s5;
	s2 =	smulhi.u32 $0x24924925, s3  }
0x6: {  	p0 =	slt.u32 s0, $0x2;
	s6 =	sshll.u32 s7, $0x1;
	s23 =	smul.u32 $0x5DC00, s7  }
0x7: {  	s13 =	ssub.s32 $0x2, s7;
	s28 =	smul.u32 $0x208E00, s7;
	s9 =	sadd.s32 s0, s6  }
0x8: {  	s21 =	sshrl.u32 s13, $0x1;
	s19 =	ssub.s32 s3, s2;
	s10 =	smul.u32 $0x2EE0, s9  }
0x9: {  	s15 =	smul.u32 $0x10470, s9;
	s13 =	ssub.s32 s13, s21;
	s8 =	sshrl.u32 s19, $0x1  }
0xa: {  	s9 =	smul.u32 $0x2EE00, s9;
	s19 =	simm.s32 $0x0;
	s8 =	sadd.s32 s2, s8  }
0xb: {  	s2 =	simm.s32 $0x0;
	s10 =	sshrl.u32 s10, $0x3;
	s16 =	sadd.s32 $0x10420, s15  }
0xc: {  	v0 =	vmov s15;
	s15 =	simm.s32 $0x6700;
	s8 =	sshrl.u32 s8, $0x2;
	[smem:$0x7FF] =	sst s2  }
0xd: {  	s12 =	sadd.s32 s10, s5;
	s4 =	sadd.s32 s4, s10;
	s11 =	smul.u32 $0x7, s8  }
0xe: {  	s10 =	sadd.s32 s23, s20;
	s6 =	sadd.s32 s6, s8;
	s31 =	smul.u32 $0x580, s8  }
0xf: {  	v1 =	vmov s16;
	s16 =	simm.s32 $0x9600;
	s6 =	smul.u32 $0x10470, s6;
	s3 =	ssub.s32 s3, s11  }
0x10: {  	_ =	strace $0x80000047;
	s8 =	smax.u32 s13, $0x1;
	s14 =	smul.u32 $0x2528, s3  }
0x11: {  	s10 =	sadd.s32 s25, s10;
	s13 =	simm.s32 $0x5;
	s3 =	sadd.s32 $0x2F1200, s5  }
.Ltmp0:
0x12: {  	s5 =	sadd.s32 $0x200, s12;
	s22 =	sadd.s32 s14, s6;
	(pc) =	sbr.rel .LBB2_1-.Ltmp0, $4  }
0x13: {  	s12 =	simm.s32 $0x2;
	s30 =	sadd.s32 s28, s3;
	s6 =	sshll.u32 s22, $0x4  }
0x14: {  	s11 =	sadd.s32 s29, s30;
	s14 =	simm.s32 $0x3800;
	s24 =	sand.u32 $0x1FFFFF80, s6  }
0x15: {  	s6 =	sadd.s32 s20, s9;
	s9 =	sadd.s32 $0x600, s10;
	s26 =	sadd.s32 s3, s24  }
0x16: {  	v2 =	vimm.f32 $0.0e+00;
	v3 =	vimm.s32 $0xFFFFFFFF;
	v4 =	vlaneseq.u32;
	s10 =	sadd.s32 s31, s11;
	s11 =	simm.s32 $0x1;
	s7 =	sadd.s32 $0x24C00, s26  }
.LBB2_20:
0x17: {  	[hbm4b:s3+s18] =	stream.indirect.scatter [tilespmem:s29], [sflag:s25], $0x80, s26, s18, $0xb8;
	[tilespmem:$0x1FB80] =	vst v63  }
0x18: {  	_ =	swait.ge [sflag:s11], $0x3000  }
0x19: {  	[sflag:s11] =	ssyncset.done $0x0  }
0x1a: {  	[sflag:s11] =	ssyncadd.s32 $0xFFFFD000  }
.LBB2_21:
0x1b: {  	s19 =	sadd.s32 $0x1, s19  }
0x1c: {  	p1 =	sne.s32 s19, s8  }
.Ltmp1:
0x1d: {  	_ = 	snop;
	(pc) =	sbr.rel @!p1 .LBB2_22-.Ltmp1, $1  }
0x1e: {  	_ =	sdelay $0x3  }
.LBB2_1:
.Ltmp2:
0x1f: {  	(pc) =	sbr.rel @p0 .LBB2_7-.Ltmp2, $1  }
0x20: {  	_ =	sdelay $0x3  }
0x21: {  	s20 =	sshra.s32 s2, $0x2;
	s21 =	sadd.s32 $0x200, s2  }
.LBB2_3:
0x22: {  	p1 =	sne.s32 s21, $0xDE00;
	[tilespmem:s20+$0x70] =	vst v2  }
0x23: {  	[tilespmem:s20+$0x0] =	vst v2  }
0x24: {  	[tilespmem:s20+$0x10] =	vst v2  }
.Ltmp3:
0x25: {  	[tilespmem:s20+$0x20] =	vst v2;
	(pc) =	sbr.rel @p1 .LBB2_3-.Ltmp3, $4  }
0x26: {  	[tilespmem:s20+$0x30] =	vst v2  }
0x27: {  	[tilespmem:s20+$0x40] =	vst v2  }
0x28: {  	[tilespmem:s20+$0x50] =	vst v2  }
0x29: {  	[tilespmem:s20+$0x60] =	vst v2;
	s20 =	sshra.s32 s21, $0x2;
	s21 =	sadd.s32 $0x200, s21  }
0x2a: {  	[tilespmem:s20+$0x70] =	vst v2  }
0x2b: {  	[tilespmem:s20+$0x0] =	vst v2  }
0x2c: {  	[tilespmem:s20+$0x10] =	vst v2  }
0x2d: {  	[tilespmem:s20+$0x20] =	vst v2  }
0x2e: {  	[tilespmem:s20+$0x30] =	vst v2  }
0x2f: {  	[tilespmem:s20+$0x40] =	vst v2  }
0x30: {  	[tilespmem:s20+$0x50] =	vst v2;
	s21 =	sadd.s32 $0xFFFDB400, s10  }
0x31: {  	[tilespmem:s20+$0x60] =	vst v2;
	s30 =	sadd.s32 $0xFFFDA700, s21  }
0x32: {  	[hbm4b:s30+s2] =	stream.linear.scatter [tilespmem:s2], [sflag:$0x1], $0x3800, $0x38;
	[tilespmem:$0x1FB80] =	vst v63  }
0x33: {  	s31 =	sadd.s32 $0xFFFDAE00, s21  }
0x34: {  	[hbm4b:s31+s2] =	stream.linear.scatter [tilespmem:s2], [sflag:$0x2], $0x3800, $0x38;
	[tilespmem:$0x1FB80] =	vst v63  }
0x35: {  	_ =	swait.ge [sflag:s11], $0x3800  }
0x36: {  	[sflag:s11] =	ssyncset.done $0x0  }
0x37: {  	[sflag:s11] =	ssyncadd.s32 $0xFFFFC800  }
0x38: {  	_ =	swait.ge [sflag:s12], $0x3800  }
0x39: {  	s20 =	sadd.s32 $0xFFFDC200, s10;
	s21 =	simm.s32 $0xFFFDD000;
	[sflag:s12] =	ssyncset.done $0x0  }
.LBB2_5:
0x3a: {  	s22 =	sadd.s32 $0xFFFDA700, s20  }
0x3b: {  	[sflag:s12] =	ssyncadd.s32 $0xFFFFC800;
	s23 =	smov.u32 s21;
	s24 =	sadd.s32 $0xE00, s21  }
0x3c: {  	[hbm4b:s22+s2] =	stream.linear.scatter [tilespmem:s2], [sflag:$0x1], $0x3800, $0x38;
	[tilespmem:$0x1FB80] =	vst v63  }
0x3d: {  	p1 =	sne.s32 s21, $0xFFFFF200;
	s20 =	sadd.s32 $0xFFFDAE00, s20  }
0x3e: {  	[hbm4b:s20+s2] =	stream.linear.scatter [tilespmem:s2], [sflag:$0x2], $0x3800, $0x38;
	[tilespmem:$0x1FB80] =	vst v63  }
.Ltmp4:
0x3f: {  	_ =	swait.ge [sflag:s11], $0x3800;
	(pc) =	sbr.rel @p1 .LBB2_5-.Ltmp4, $4  }
0x40: {  	[sflag:s11] =	ssyncset.done $0x0  }
0x41: {  	[sflag:s11] =	ssyncadd.s32 $0xFFFFC800  }
0x42: {  	_ =	swait.ge [sflag:s12], $0x3800  }
0x43: {  	s21 =	smov.u32 s24;
	s20 =	sadd.s32 s23, s10;
	[sflag:s12] =	ssyncset.done $0x0  }
0x44: {  	s21 =	sadd.s32 $0xFFFDA700, s20;
	[sflag:s12] =	ssyncadd.s32 $0xFFFFC800  }
0x45: {  	[hbm4b:s21+s2] =	stream.linear.scatter [tilespmem:s2], [sflag:$0x1], $0x3800, $0x38;
	[tilespmem:$0x1FB80] =	vst v63  }
0x46: {  	s31 =	sadd.s32 $0xFFFDAE00, s20  }
0x47: {  	[hbm4b:s31+s2] =	stream.linear.scatter [tilespmem:s2], [sflag:$0x2], $0x3800, $0x38;
	[tilespmem:$0x1FB80] =	vst v63  }
0x48: {  	_ =	swait.ge [sflag:s11], $0x3800  }
0x49: {  	[sflag:s11] =	ssyncset.done $0x0  }
0x4a: {  	[sflag:s11] =	ssyncadd.s32 $0xFFFFC800  }
0x4b: {  	_ =	swait.ge [sflag:s12], $0x3800  }
0x4c: {  	[sflag:s12] =	ssyncset.done $0x0  }
0x4d: {  	[sflag:s12] =	ssyncadd.s32 $0xFFFFC800  }
0x4e: {  	[hbm4b:s7+s2] =	stream.linear.scatter [tilespmem:s2], [sflag:$0x5], $0x3400, $0x38;
	[tilespmem:$0x1FB80] =	vst v63  }
.Ltmp5:
0x4f: {  	_ =	swait.ge [sflag:s13], $0x3400;
	(pc) =	sbr.rel .LBB2_21-.Ltmp5, $3  }
0x50: {  	[sflag:s13] =	ssyncset.done $0x0  }
0x51: {  	[sflag:s13] =	ssyncadd.s32 $0xFFFFCC00  }
0x52: {  	[bflag:$0x0] =	sbarrier.arrive $0xFFFF;
	_ =	sdelay $0x1  }
.LBB2_7:
0x53: {  	s22 =	simm.s32 $0x0  }
0x54: {  	[tilespmem:s14], [sflag:$0x5] =	stream.linear.gather [hbm4b:s4+s22], $0x2EE0, $0x38;
	[tilespmem:$0x1FB80] =	vst v63  }
0x55: {  	_ =	swait.ge [sflag:s13], $0x2EE0  }
0x56: {  	[sflag:s13] =	ssyncset.done $0x0  }
0x57: {  	[sflag:s13] =	ssyncadd.s32 $0xFFFFD120  }
0x58: {  	[tilespmem:s15], [sflag:$0x5] =	stream.linear.gather [hbm4b:s5+s22], $0x2EE0, $0x38;
	[tilespmem:$0x1FB80] =	vst v63  }
0x59: {  	_ =	swait.ge [sflag:s13], $0x2EE0  }
0x5a: {  	[sflag:s13] =	ssyncset.done $0x0  }
0x5b: {  	s21 =	simm.s32 $0x40;
	s23 =	simm.s32 $0x0;
	[sflag:s13] =	ssyncadd.s32 $0xFFFFD120  }
.LBB2_8:
0x5c: {  	p1 =	sne.s32 s21, $0x41000;
	[tilespmem:s23+$0x9600] =	vst v3;
	s20 =	smov.u32 s21;
	s21 =	sadd.s32 $0x40, s21  }
.Ltmp6:
0x5d: {  	(pc) =	sbr.rel @p1 .LBB2_8-.Ltmp6, $2  }
0x5e: {  	_ =	sdelay $0x2  }
0x5f: {  	s23 =	sshra.s32 s20, $0x2;
	s20 =	simm.s32 $0x6700  }
0x60: {  	[tilespmem:s23+$0x9600] =	vst v3;
	s21 =	simm.s32 $0x3800  }
0x61: {  	v5 =	vld [tilespmem:s21+$0x0];
	_ =	sdelay $0x1  }
0x62: {  	v6 =	vld [tilespmem:s20+$0x0];
	_ =	sdelay $0x2  }
0x63: {  	v7 =	vmul.u32 $0x102, v5;
	_ =	sdelay $0x1  }
0x64: {  	v5 =	vor.u32 v5, v6;
	v6 =	vadd.s32 v7, v6  }
0x65: {  	vm0 =	vlt.u32 v5, $0x100;
	v5 =	vadd.s32 $0x103, v6  }
0x66: {  	v5 =	vnsel vm0, $0x10408, v5;
	_ =	sdelay $0x3  }
0x67: {  	v6 =	vor.u32 s22, v4  }
0x68: {  	s23 =	simm.s32 $0x3810;
	[tilespmem:v5+s16+$0x0] =	vst.idx.msk $0xffff, v6  }
0x69: {  	s25 =	simm.s32 $0x20;
	s24 =	simm.s32 $0x6700;
	s22 =	simm.s32 $0x10;
	v5 =	vld [tilespmem:s23+$0x0]  }
.LBB2_10:
0x6a: {  	p1 =	sne.s32 s25, $0x2ED0;
	s24 =	sadd.s32 $0x10, s24  }
0x6b: {  	v6 =	vld [tilespmem:s24+$0x0];
	_ =	sdelay $0x2  }
0x6c: {  	v7 =	vmul.u32 $0x102, v5;
	_ =	sdelay $0x1  }
0x6d: {  	v5 =	vor.u32 v5, v6;
	v6 =	vadd.s32 v7, v6  }
0x6e: {  	vm0 =	vlt.u32 v5, $0x100;
	v5 =	vadd.s32 $0x103, v6  }
0x6f: {  	v5 =	vnsel vm0, $0x10408, v5;
	_ =	sdelay $0x1  }
.Ltmp7:
0x70: {  	(pc) =	sbr.rel @p1 .LBB2_10-.Ltmp7, $4  }
0x71: {  	_ = 	snop  }
0x72: {  	v6 =	vor.u32 s22, v4;
	s22 =	smov.u32 s25  }
0x73: {  	s23 =	sadd.s32 $0x10, s23;
	[tilespmem:v5+s16+$0x0] =	vst.idx.msk $0xffff, v6  }
0x74: {  	s25 =	sadd.s32 $0x10, s25;
	v5 =	vld [tilespmem:s23+$0x0]  }
0x75: {  	s23 =	sadd.s32 $0x10, s24  }
0x76: {  	v6 =	vld [tilespmem:s23+$0x0];
	_ =	sdelay $0x2  }
0x77: {  	v7 =	vmul.u32 $0x102, v5;
	_ =	sdelay $0x1  }
0x78: {  	v5 =	vor.u32 v5, v6;
	v6 =	vadd.s32 v7, v6  }
0x79: {  	vm0 =	vlt.u32 v5, $0x100;
	v5 =	vadd.s32 $0x103, v6  }
0x7a: {  	v5 =	vnsel vm0, $0x10408, v5;
	_ =	sdelay $0x3  }
0x7b: {  	v6 =	vor.u32 s22, v4  }
0x7c: {  	s25 =	simm.s32 $0x0;
	s23 =	simm.s32 $0x0;
	[tilespmem:v5+s16+$0x0] =	vst.idx.msk $0xffff, v6  }
.LBB2_12:
0x7d: {  	v5 =	vld [tilespmem:s21+$0x0];
	_ =	sdelay $0x1  }
0x7e: {  	v6 =	vld [tilespmem:s20+$0x0];
	_ =	sdelay $0x2  }
0x7f: {  	v7 =	vmul.u32 $0x102, v5;
	_ =	sdelay $0x1  }
0x80: {  	v5 =	vor.u32 v5, v6;
	v6 =	vadd.s32 v7, v6  }
0x81: {  	vm0 =	vlt.u32 v5, $0x100;
	v5 =	vadd.s32 $0x103, v6  }
0x82: {  	v5 =	vnsel vm0, $0x10408, v5;
	_ =	sdelay $0x4  }
0x83: {  	v6 =	vld.idx.msk [tilespmem:v5+s16+$0x0], $0xffff;
	_ =	sdelay $0x3  }
0x84: {  	v7 =	vor.u32 s25, v4  }
0x85: {  	vm15 =	vgt.s32 v7, v6  }
0x86: {  	p1 =	sne.s32 s25, $0x2ED0  }
.Ltmp8:
0x87: {  	_ = 	snop;
	(pc) =	sbr.rel @p1 .LBB2_12-.Ltmp8, $3  }
0x88: {  	_ =	sdelay $0x1  }
0x89: {  	s21 =	sadd.s32 $0x10, s21;
	s20 =	sadd.s32 $0x10, s20  }
0x8a: {  	s22 =	simm.s32 $0x3800;
	s24 =	simm.s32 $0x6700;
	s25 =	sadd.s32 $0x10, s25;
	[tilespmem:v5+s16+$0x0] =	vst.idx.msk vm15, v7  }
0x8b: {  	s20 =	simm.s32 $0x6700;
	s21 =	simm.s32 $0x3800  }
.LBB2_14:
0x8c: {  	v5 =	vld [tilespmem:s21+$0x0];
	_ =	sdelay $0x1  }
0x8d: {  	v6 =	vld [tilespmem:s20+$0x0];
	_ =	sdelay $0x2  }
0x8e: {  	v7 =	vmul.u32 $0x102, v5;
	_ =	sdelay $0x1  }
0x8f: {  	v5 =	vor.u32 v5, v6;
	v6 =	vadd.s32 v7, v6  }
0x90: {  	vm0 =	vlt.u32 v5, $0x100;
	v5 =	vadd.s32 $0x103, v6  }
0x91: {  	v5 =	vnsel vm0, $0x10408, v5;
	_ =	sdelay $0x4  }
0x92: {  	v6 =	vld.idx.msk [tilespmem:v5+s16+$0x0], $0xffff;
	_ =	sdelay $0x3  }
0x93: {  	v7 =	vor.u32 s23, v4  }
0x94: {  	vm15 =	vgt.s32 v7, v6  }
0x95: {  	p1 =	sne.s32 s23, $0x2ED0  }
.Ltmp9:
0x96: {  	_ = 	snop;
	(pc) =	sbr.rel @p1 .LBB2_14-.Ltmp9, $2  }
0x97: {  	_ =	sdelay $0x2  }
0x98: {  	s21 =	sadd.s32 $0x10, s21;
	s20 =	sadd.s32 $0x10, s20;
	s23 =	sadd.s32 $0x10, s23;
	[tilespmem:v5+s16+$0x0] =	vst.idx.msk vm15, v7  }
0x99: {  	s20 =	simm.s32 $0x0  }
.LBB2_16:
0x9a: {  	v5 =	vld [tilespmem:s22+$0x0];
	_ =	sdelay $0x1  }
0x9b: {  	v6 =	vld [tilespmem:s24+$0x0];
	_ =	sdelay $0x2  }
0x9c: {  	v7 =	vmul.u32 $0x102, v5;
	_ =	sdelay $0x1  }
0x9d: {  	v5 =	vor.u32 v5, v6;
	v6 =	vadd.s32 v7, v6  }
0x9e: {  	vm0 =	vlt.u32 v5, $0x100;
	v5 =	vadd.s32 $0x103, v6  }
0x9f: {  	v5 =	vnsel vm0, $0x10408, v5;
	_ =	sdelay $0x4  }
0xa0: {  	v6 =	vld.idx.msk [tilespmem:v5+s16+$0x0], $0xffff;
	_ =	sdelay $0x3  }
0xa1: {  	v7 =	vor.u32 s20, v4  }
0xa2: {  	vm15 =	vgt.s32 v7, v6  }
0xa3: {  	p1 =	sne.s32 s20, $0x2ED0  }
.Ltmp10:
0xa4: {  	_ = 	snop;
	(pc) =	sbr.rel @p1 .LBB2_16-.Ltmp10, $2  }
0xa5: {  	_ =	sdelay $0x2  }
0xa6: {  	s22 =	sadd.s32 $0x10, s22;
	s24 =	sadd.s32 $0x10, s24;
	s20 =	sadd.s32 $0x10, s20;
	[tilespmem:v5+s16+$0x0] =	vst.idx.msk vm15, v7  }
0xa7: {  	[bflag:$0x0] =	sbarrier.arrive $0xFFFF;
	s20 =	simm.s32 $0x0;
	s21 =	simm.s32 $0x50  }
0xa8: {  	s22 =	simm.s32 $0x6730;
	s23 =	simm.s32 $0x3830;
	s24 =	smov.u32 s9  }
0xa9: {  	[tilespmem:s17], [sflag:$0x3] =	stream.linear.gather [hbm4b:s6+s20], $0x3000, $0x38;
	[tilespmem:$0x1FB80] =	vst v63  }
.LBB2_18:
0xaa: {  	s25 =	sand.u32 $0x1, s20  }
0xab: {  	s26 =	sadd.s32 $0x3, s25  }
0xac: {  	_ =	swait.ge [sflag:s26], $0x3000  }
0xad: {  	[sflag:s26] =	ssyncset.done $0x0  }
0xae: {  	[sflag:s26] =	ssyncadd.s32 $0xFFFFD000  }
0xaf: {  	v5 =	vld [tilespmem:s23+$0xFFFFFFD0];
	_ =	sdelay $0x1  }
0xb0: {  	v6 =	vld [tilespmem:s22+$0xFFFFFFD0];
	_ =	sdelay $0x2  }
0xb1: {  	v7 =	vmul.u32 $0x102, v5;
	_ =	sdelay $0x1  }
0xb2: {  	v5 =	vor.u32 v5, v6;
	v6 =	vadd.s32 v7, v6  }
0xb3: {  	vm0 =	vlt.u32 v5, $0x100;
	v5 =	vadd.s32 $0x103, v6  }
0xb4: {  	v5 =	vnsel vm0, $0x10408, v5;
	_ =	sdelay $0x4  }
0xb5: {  	v6 =	vld.idx.msk [tilespmem:v5+s16+$0x0], $0xffff;
	_ =	sdelay $0x2  }
0xb6: {  	s30 =	sadd.s32 $0xFFFFFFB0, s21  }
0xb7: {  	v7 =	vor.u32 s30, v4  }
0xb8: {  	vm1 =	veq.s32 v6, v7;
	v6 =	vand.u32 $0x2F, v7  }
0xb9: {  	v5 =	vadd.s32 v0, v5;
	vm0 =	vmand vm0, vm1;
	v6 =	vadd.s32 v1, v6  }
0xba: {  	s31 =	sshll.u32 s25, $0x7;
	v5 =	vsel vm0, v5, v6  }
0xbb: {  	[tilespmem:s31+$0x1FA80] =	vst v5  }
0xbc: {  	v5 =	vld [tilespmem:s23+$0xFFFFFFE0];
	_ =	sdelay $0x1  }
0xbd: {  	v6 =	vld [tilespmem:s22+$0xFFFFFFE0];
	_ =	sdelay $0x2  }
0xbe: {  	v7 =	vmul.u32 $0x102, v5;
	_ =	sdelay $0x1  }
0xbf: {  	v5 =	vor.u32 v5, v6;
	v6 =	vadd.s32 v7, v6  }
0xc0: {  	vm6 =	vlt.u32 v5, $0x100;
	v5 =	vadd.s32 $0x103, v6  }
0xc1: {  	v5 =	vnsel vm6, $0x10408, v5;
	_ =	sdelay $0x4  }
0xc2: {  	v6 =	vld.idx.msk [tilespmem:v5+s16+$0x0], $0xffff;
	_ =	sdelay $0x2  }
0xc3: {  	s28 =	sadd.s32 $0xFFFFFFC0, s21  }
0xc4: {  	v7 =	vor.u32 s28, v4  }
0xc5: {  	vm7 =	veq.s32 v6, v7;
	v6 =	vand.u32 $0x3F, v7  }
0xc6: {  	v5 =	vadd.s32 v0, v5;
	vm0 =	vmand vm6, vm7;
	v6 =	vadd.s32 v1, v6  }
0xc7: {  	v5 =	vsel vm0, v5, v6  }
0xc8: {  	[tilespmem:s31+$0x1FA90] =	vst v5  }
0xc9: {  	v5 =	vld [tilespmem:s23+$0xFFFFFFF0];
	_ =	sdelay $0x1  }
0xca: {  	v6 =	vld [tilespmem:s22+$0xFFFFFFF0];
	_ =	sdelay $0x2  }
0xcb: {  	v7 =	vmul.u32 $0x102, v5;
	_ =	sdelay $0x1  }
0xcc: {  	v5 =	vor.u32 v5, v6;
	v6 =	vadd.s32 v7, v6  }
0xcd: {  	vm8 =	vlt.u32 v5, $0x100;
	v5 =	vadd.s32 $0x103, v6  }
0xce: {  	v5 =	vnsel vm8, $0x10408, v5;
	_ =	sdelay $0x4  }
0xcf: {  	v6 =	vld.idx.msk [tilespmem:v5+s16+$0x0], $0xffff;
	_ =	sdelay $0x2  }
0xd0: {  	s28 =	sadd.s32 $0xFFFFFFD0, s21  }
0xd1: {  	v7 =	vor.u32 s28, v4  }
0xd2: {  	vm9 =	veq.s32 v6, v7;
	v6 =	vand.u32 $0x2F, v7  }
0xd3: {  	v5 =	vadd.s32 v0, v5;
	vm0 =	vmand vm8, vm9;
	v6 =	vadd.s32 v1, v6  }
0xd4: {  	v5 =	vsel vm0, v5, v6  }
0xd5: {  	[tilespmem:s31+$0x1FAA0] =	vst v5  }
0xd6: {  	v5 =	vld [tilespmem:s23+$0x0];
	_ =	sdelay $0x1  }
0xd7: {  	v6 =	vld [tilespmem:s22+$0x0];
	_ =	sdelay $0x2  }
0xd8: {  	v7 =	vmul.u32 $0x102, v5;
	_ =	sdelay $0x1  }
0xd9: {  	v5 =	vor.u32 v5, v6;
	v6 =	vadd.s32 v7, v6  }
0xda: {  	vm10 =	vlt.u32 v5, $0x100;
	v5 =	vadd.s32 $0x103, v6  }
0xdb: {  	v5 =	vnsel vm10, $0x10408, v5;
	_ =	sdelay $0x4  }
0xdc: {  	v6 =	vld.idx.msk [tilespmem:v5+s16+$0x0], $0xffff;
	_ =	sdelay $0x2  }
0xdd: {  	s28 =	sadd.s32 $0xFFFFFFE0, s21  }
0xde: {  	v7 =	vor.u32 s28, v4  }
0xdf: {  	vm11 =	veq.s32 v6, v7;
	v6 =	vand.u32 $0x3F, v7  }
0xe0: {  	v5 =	vadd.s32 v0, v5;
	vm0 =	vmand vm10, vm11;
	v6 =	vadd.s32 v1, v6  }
0xe1: {  	v5 =	vsel vm0, v5, v6  }
0xe2: {  	[tilespmem:s31+$0x1FAB0] =	vst v5  }
0xe3: {  	v5 =	vld [tilespmem:s23+$0x10];
	_ =	sdelay $0x1  }
0xe4: {  	v6 =	vld [tilespmem:s22+$0x10];
	_ =	sdelay $0x2  }
0xe5: {  	v7 =	vmul.u32 $0x102, v5;
	_ =	sdelay $0x1  }
0xe6: {  	v5 =	vor.u32 v5, v6;
	v6 =	vadd.s32 v7, v6  }
0xe7: {  	vm12 =	vlt.u32 v5, $0x100;
	v5 =	vadd.s32 $0x103, v6  }
0xe8: {  	v5 =	vnsel vm12, $0x10408, v5;
	_ =	sdelay $0x4  }
0xe9: {  	v6 =	vld.idx.msk [tilespmem:v5+s16+$0x0], $0xffff;
	_ =	sdelay $0x2  }
0xea: {  	s28 =	sadd.s32 $0xFFFFFFF0, s21  }
0xeb: {  	v7 =	vor.u32 s28, v4  }
0xec: {  	vm13 =	veq.s32 v6, v7;
	v6 =	vand.u32 $0x2F, v7  }
0xed: {  	v5 =	vadd.s32 v0, v5;
	vm0 =	vmand vm12, vm13;
	v6 =	vadd.s32 v1, v6  }
0xee: {  	v5 =	vsel vm0, v5, v6  }
0xef: {  	[tilespmem:s31+$0x1FAC0] =	vst v5  }
0xf0: {  	v5 =	vld [tilespmem:s23+$0x20];
	_ =	sdelay $0x1  }
0xf1: {  	v6 =	vld [tilespmem:s22+$0x20];
	_ =	sdelay $0x2  }
0xf2: {  	v7 =	vmul.u32 $0x102, v5;
	_ =	sdelay $0x1  }
0xf3: {  	v5 =	vor.u32 v5, v6;
	v6 =	vadd.s32 v7, v6  }
0xf4: {  	vm14 =	vlt.u32 v5, $0x100;
	v5 =	vadd.s32 $0x103, v6  }
0xf5: {  	v5 =	vnsel vm14, $0x10408, v5;
	_ =	sdelay $0x4  }
0xf6: {  	v6 =	vld.idx.msk [tilespmem:v5+s16+$0x0], $0xffff;
	_ =	sdelay $0x3  }
0xf7: {  	p1 =	seq.s32 s20, $0x0;
	v7 =	vor.u32 s21, v4  }
0xf8: {  	p2 =	seq.s32 @!p1 s20, $0x7C;
	vm15 =	veq.s32 v6, v7;
	v6 =	vand.u32 $0x3F, v7  }
0xf9: {  	s29 =	smul.u32 $0xC000, s25;
	p2 =	por p1, !p2;
	v5 =	vadd.s32 v0, v5;
	vm0 =	vmand vm14, vm15;
	v6 =	vadd.s32 v1, v6  }
.Ltmp11:
0xfa: {  	s28 =	sxor.u32 $0x1, s25;
	v5 =	vsel vm0, v5, v6;
	(pc) =	sbr.rel @!p2 .LBB2_20-.Ltmp11, $4  }
0xfb: {  	s30 =	sadd.s32 @!p1 $0x1, s28;
	[tilespmem:s31+$0x1FAD0] =	vst v5  }
0xfc: {  	s29 =	sshrl.u32 s29, $0x2;
	_ =	swait.ge @!p1 [sflag:s30], $0x3000  }
0xfd: {  	s29 =	sadd.s32 $0x19A80, s29;
	[sflag:s30] =	ssyncset.done @!p1 $0x0  }
0xfe: {  	s26 =	sadd.s32 $0x1FA80, s31;
	s25 =	sadd.s32 $0x1, s25;
	[sflag:s30] =	ssyncadd.s32 @!p1 $0xFFFFD000  }
0xff: {  	s30 =	smul.u32 $0xC000, s28;
	_ =	sdelay $0x1  }
.Ltmp12:
0x100: {  	s31 =	sadd.s32 $0x3, s28;
	s30 =	sshrl.u32 s30, $0x2;
	(pc) =	sbr.rel .LBB2_18-.Ltmp12, $4  }
0x101: {  	s20 =	sadd.s32 $0x1, s20;
	s21 =	sadd.s32 $0x60, s21;
	s30 =	sadd.s32 $0x19A80, s30  }
0x102: {  	[tilespmem:s30], [sflag:s31] =	stream.linear.gather [hbm4b:s24+s2], $0x3000, $0x38;
	[tilespmem:$0x1FB80] =	vst v63  }
0x103: {  	s22 =	sadd.s32 $0x60, s22;
	s23 =	sadd.s32 $0x60, s23;
	s24 =	sadd.s32 $0x600, s24  }
0x104: {  	[hbm4b:s3+s18] =	stream.indirect.scatter [tilespmem:s29], [sflag:s25], $0x80, s26, s18, $0xb8;
	[tilespmem:$0x1FB80] =	vst v63  }
.LBB2_22:
0x105: {  	_ =	sfence.sel $0x180000  }
0x106: {  	[bflag:$0x0] =	sbarrier.arrive $0xFFFF  }
0x107: {  	p0 =	sne.s32 s0, $0x0;
	_ =	strace $0x90000047  }
0x108: {  	s0 =	sadd.s32 @!p0 $0x100000, s1;
	[bflag:$0x2] =	sbarrier.arrive $0xFFFF  }
0x109: {  	[sflag:s0] =	ssyncadd.tile.s32 @!p0 $0x1;
	_ =	shalt  }
.Lfunc_end2:
_tile_overlayer_lowered:
.L_overlay_start_2:
0x10a: {  	(tag) =	ssettag $0x2  }
0x10b: {  	s0 =	rddreg [dreg:$0x0];
	s2 =	stileid.u32  }
0x10c: {  	s1 =	rddreg [dreg:$0x1];
	p0 =	sne.s32 s2, $0x0  }
0x10d: {  	s3 =	rddreg [dreg:$0x2];
	[bflag:$0x3] =	sbarrier.arrive $0xFFFF;
	s2 =	simm.s32 @!p0 $0x1C05  }
0x10e: {  	[timem:s3], [sflag:s2] =	dma.local @!p0 [hbm:s0], s1  }
0x10f: {  	s0 =	simm.s32 @!p0 $0x5  }
0x110: {  	_ =	swait.ge @!p0 [sflag:s0], s1  }
0x111: {  	s1 =	ssub.s32 @!p0 $0x0, s1;
	[sflag:s0] =	ssyncset.done @!p0 $0x0  }
0x112: {  	[sflag:s0] =	ssyncadd.s32 @!p0 s1  }
0x113: {  	[bflag:$0x3] =	sbarrier.arrive $0xFFFF  }
0x114: {  	_ =	shalt  }

// kernel: kernel.9.cloned.1.call-start
scs
__scs_entry_jumppad:
0x0: {  	(pc) =	sbr.rel $0x88, $3  }
0x1: {  	(tag) =	ssettag $0x0;
	lr =	simm.s32 $0x1  }
0x2: {  	[smem:$0x3F9B] =	sst lr;
	_ =	strace $0xD0000000  }
0x3: {  	_ = 	snop  }
0x4: {  	_ = 	snop  }
0x5: {  	_ = 	snop  }
0x6: {  	_ = 	snop  }
0x7: {  	_ = 	snop  }
__scs_overlays_trampoline_lowered:
0x8: {  	[smem:$0x3FAA] =	sst s0  }
0x9: {  	[smem:$0x3FAB] =	sst s1  }
0xa: {  	[smem:$0x3FAC] =	sst s2  }
0xb: {  	[smem:$0x3FAD] =	sst s3  }
0xc: {  	[smem:$0x3FAE] =	sst s4  }
0xd: {  	[smem:$0x3FAF] =	sst s5  }
0xe: {  	[smem:$0x3FB0] =	sst s6  }
0xf: {  	[smem:$0x3FB1] =	sst s7  }
0x10: {  	[smem:$0x3FB2] =	sst s8  }
0x11: {  	[smem:$0x3FB3] =	sst s9;
	s0 =	simm.s32 @!p0 $0x0  }
0x12: {  	s1 =	sld [smem:$0x3F99];
	s0 =	simm.s32 @p0 $0x1  }
0x13: {  	[smem:$0x3FB4] =	sst s0;
	s0 =	simm.s32 @!p1 $0x0  }
0x14: {  	s2 =	sld [smem:$0x3F98];
	s0 =	simm.s32 @p1 $0x1  }
0x15: {  	[smem:$0x3FB5] =	sst s0;
	s0 =	simm.s32 @!p2 $0x0  }
0x16: {  	s3 =	sld [smem:$0x3FDB];
	s0 =	simm.s32 @p2 $0x1  }
0x17: {  	s4 =	simm.s32 $0x1BF5;
	[smem:$0x3FB7] =	sst s0  }
0x18: {  	s0 =	sld [smem:$0x3F9A];
	_ =	swait.ge [sflag:s4], $0x0  }
0x19: {  	s7 =	sld [smem:$0x3F9B]  }
0x1a: {  	s8 =	sadd.s32 $0xFFFFE003, lr  }
0x1b: {  	s9 =	sadd.s32 $0xFFFFFEF7, lr;
	s5 =	simm.s32 $0xFFFFFFFF;
	p2 =	slt.u32 s8, $0xFFFFF086  }
0x1c: {  	p1 =	slt.u32 s9, $0xF7A;
	s5 =	simm.s32 @!p2 $0x0  }
0x1d: {  	s5 =	simm.s32 @p1 $0x1;
	p0 =	seq.s32 s7, s2  }
0x1e: {  	s7 =	smul.u32 @!p0 $0xF7A, s2;
	p2 =	seq.s32 @!p0 s5, $0x0  }
0x1f: {  	s9 =	smul.u32 $0xF7A, s1;
	s8 =	simm.s32 @!p0 $0x1BF5;
	p2 =	por !p2, p0  }
0x20: {  	[sflag:s8] =	ssyncset.s32 @!p0 $0xFFFFF086;
	s6 =	sadd.s32 @!p0 s3, s7;
	s7 =	simm.s32 @!p0 $0x108  }
0x21: {  	s3 =	sadd.s32 s3, s9;
	s6 =	sadd.s32 @!p0 $0x88, s6;
	s7 =	simm.s32 @p2 $0x1082  }
0x22: {  	[simem:s7], [sflag:s8] =	dma.local @!p0 [hbm:s6], $0xF7A  }
0x23: {  	s9 =	sor.u32 $0xD0000000, s2;
	s6 =	simm.s32 $0x108;
	_ =	swait.ge @!p0 [sflag:s8], $0x0  }
0x24: {  	s3 =	sadd.s32 $0x88, s3;
	s6 =	simm.s32 @!p1 $0x1082;
	[sflag:s4] =	ssyncset.s32 $0xFFFFF086  }
0x25: {  	[simem:s6], [sflag:s4] =	dma.local [hbm:s3], $0xF7A  }
0x26: {  	[smem:$0x3F9B] =	sst s1;
	(tag) =	ssettag s2;
	_ =	strace s9  }
0x27: {  	s1 =	sld [smem:$0x3FAB]  }
0x28: {  	s2 =	sld [smem:$0x3FAC]  }
0x29: {  	s4 =	sld [smem:$0x3FAE]  }
0x2a: {  	p0 =	seq.s32 s5, $0x0;
	s5 =	sld [smem:$0x3FAF]  }
0x2b: {  	s6 =	sld [smem:$0x3FB0]  }
0x2c: {  	s7 =	sld [smem:$0x3FB1]  }
0x2d: {  	s3 =	simm.s32 $0x108;
	s8 =	sld [smem:$0x3FB2]  }
0x2e: {  	s3 =	simm.s32 @!p0 $0x1082;
	s9 =	sld [smem:$0x3FB3]  }
0x2f: {  	lr =	sadd.s32 s0, s3;
	s0 =	sld [smem:$0x3FAA]  }
0x30: {  	s3 =	sld [smem:$0x3FAD]  }
0x31: {  	[smem:$0x3FB6] =	sst s10  }
0x32: {  	s10 =	sld [smem:$0x3FB4];
	_ =	sdelay $0x3  }
0x33: {  	p0 =	seq.s32 s10, $0x1;
	s10 =	sld [smem:$0x3FB6];
	_ =	sdelay $0x3  }
0x34: {  	[smem:$0x3FB6] =	sst s10  }
0x35: {  	s10 =	sld [smem:$0x3FB5];
	_ =	sdelay $0x3  }
0x36: {  	p1 =	seq.s32 s10, $0x1;
	s10 =	sld [smem:$0x3FB6];
	_ =	sdelay $0x3  }
0x37: {  	[smem:$0x3FB6] =	sst s10  }
0x38: {  	s10 =	sld [smem:$0x3FB7]  }
0x39: {  	_ = 	snop;
	(pc) =	sbr.ind lr, $3  }
0x3a: {  	_ = 	snop  }
0x3b: {  	_ = 	snop  }
0x3c: {  	p2 =	seq.s32 s10, $0x1;
	s10 =	sld [smem:$0x3FB6]  }
0x3d: {  	_ =	shalt  }
0x3e: {  	_ =	shalt  }
0x3f: {  	_ =	shalt  }
0x40: {  	_ =	shalt  }
0x41: {  	_ =	shalt  }
0x42: {  	_ =	shalt  }
0x43: {  	_ =	shalt  }
0x44: {  	_ =	shalt  }
0x45: {  	_ =	shalt  }
0x46: {  	_ =	shalt  }
0x47: {  	_ =	shalt  }
0x48: {  	_ =	shalt  }
0x49: {  	_ =	shalt  }
0x4a: {  	_ =	shalt  }
0x4b: {  	_ =	shalt  }
0x4c: {  	_ =	shalt  }
0x4d: {  	_ =	shalt  }
0x4e: {  	_ =	shalt  }
0x4f: {  	_ =	shalt  }
0x50: {  	_ =	shalt  }
0x51: {  	_ =	shalt  }
0x52: {  	_ =	shalt  }
0x53: {  	_ =	shalt  }
0x54: {  	_ =	shalt  }
0x55: {  	_ =	shalt  }
0x56: {  	_ =	shalt  }
0x57: {  	_ =	shalt  }
0x58: {  	_ =	shalt  }
0x59: {  	_ =	shalt  }
0x5a: {  	_ =	shalt  }
0x5b: {  	_ =	shalt  }
0x5c: {  	_ =	shalt  }
0x5d: {  	_ =	shalt  }
0x5e: {  	_ =	shalt  }
0x5f: {  	_ =	shalt  }
0x60: {  	_ =	shalt  }
0x61: {  	_ =	shalt  }
0x62: {  	_ =	shalt  }
0x63: {  	_ =	shalt  }
0x64: {  	_ =	shalt  }
0x65: {  	_ =	shalt  }
0x66: {  	_ =	shalt  }
0x67: {  	_ =	shalt  }
0x68: {  	_ =	shalt  }
0x69: {  	_ =	shalt  }
0x6a: {  	_ =	shalt  }
0x6b: {  	_ =	shalt  }
0x6c: {  	_ =	shalt  }
0x6d: {  	_ =	shalt  }
0x6e: {  	_ =	shalt  }
0x6f: {  	_ =	shalt  }
0x70: {  	_ =	shalt  }
0x71: {  	_ =	shalt  }
0x72: {  	_ =	shalt  }
0x73: {  	_ =	shalt  }
0x74: {  	_ =	shalt  }
0x75: {  	_ =	shalt  }
0x76: {  	_ =	shalt  }
0x77: {  	_ =	shalt  }
0x78: {  	_ =	shalt  }
0x79: {  	_ =	shalt  }
0x7a: {  	_ =	shalt  }
0x7b: {  	_ =	shalt  }
0x7c: {  	_ =	shalt  }
0x7d: {  	_ =	shalt  }
0x7e: {  	_ =	shalt  }
0x7f: {  	_ =	shalt  }
0x80: {  	_ =	shalt  }
0x81: {  	_ =	shalt  }
0x82: {  	_ =	shalt  }
0x83: {  	_ =	shalt  }
0x84: {  	_ =	shalt  }
0x85: {  	_ =	shalt  }
0x86: {  	_ =	shalt  }
0x87: {  	_ =	shalt  }
.Lfunc_end0:
.L_simem_size_0:
called_computation.1_lowered:
.L_overlay_start_0:
0x88: {  	s2 =	sld [smem:$0x3FD9]  }
0x89: {  	s3 =	sld [smem:$0x3FFE];
	_ =	sdelay $0x1  }
0x8a: {  	s1 =	srdreg.scid  }
0x8b: {  	s0 =	sand.u32 $0x1, s1  }
0x8c: {  	s17 =	sshll.u32 s0, $0xA;
	s2 =	sadd.s32 s3, s2  }
0x8d: {  	s2 =	sadd.s32 s2, s17  }
0x8e: {  	[smem:$0x3FC2] =	sst s2  }
0x8f: {  	_ = 	snop  }
0x90: {  	s2 =	sld [smem:$0x3FD0];
	(tm) =	ssettm $0x1  }
0x91: {  	s18 =	sld [smem:$0x3FFB];
	_ =	sdelay $0x3  }
0x92: {  	_ =	strace s18  }
0x93: {  	s3 =	sld [smem:$0x3FFC];
	_ =	sdelay $0x3  }
0x94: {  	_ =	strace s3  }
0x95: {  	s3 =	sld [smem:$0x3FFD];
	_ =	sdelay $0x3  }
0x96: {  	_ =	strace s3  }
0x97: {  	_ =	strace $0x8FFFFFFF  }
0x98: {  	s19 =	sld [smem:$0x3FDB];
	_ =	sdelay $0x1  }
0x99: {  	s4 =	simm.s32 $_scs_section_size  }
0x9a: {  	s5 =	simm.s32 $_size__tile_overlayer_lowered;
	s6 =	simm.s32 $_tile_overlayer_lowered  }
0x9b: {  	s22 =	simm.s32 $0x1BFF;
	s21 =	sshll.u32 s6, $0x1;
	s3 =	sadd.s32 s4, s19  }
0x9c: {  	s7 =	simm.s32 $0x0;
	s20 =	sshll.u32 s5, $0x1;
	s5 =	sadd.s32 s21, s3  }
0x9d: {  	[timem:s7], [sflag:s22] =	dma.local [hbm:s5], s20  }
0x9e: {  	_ =	swait.ge [sflag:s22], s20  }
0x9f: {  	s4 =	ssub.s32 $0x0, s20;
	[sflag:s22] =	ssyncset.done $0x0  }
0xa0: {  	[sflag:s22] =	ssyncadd.s32 s4;
	_ =	sdelay $0x1  }
0xa1: {  	s23 =	simm.s32 $0x1B8B  }
0xa2: {  	_ =	swait.ge [sflag:s23], $0x1  }
0xa3: {  	[sflag:s23] =	ssyncset.done $0x0  }
0xa4: {  	s25 =	simm.s32 $0x1B8E;
	s24 =	sld [smem:$0x3FFE];
	[sflag:s23] =	ssyncadd.s32 $0xFFFFFFFF  }
0xa5: {  	s26 =	simm.s32 $execute0_lowered;
	[smem:$0x3FD2] =	sst s25  }
0xa6: {  	s5 =	sshll.u32 s26, $0x1;
	_ =	strace $0x80000049;
	[dreg:$0x1] =	wrdreg $0xFFFFFFFF  }
0xa7: {  	s28 =	simm.s32 $_size_execute0_lowered;
	s3 =	sadd.s32 s3, s5;
	[dreg:$0x0] =	wrdreg $0x0  }
0xa8: {  	s5 =	sshll.u32 s28, $0x1;
	[dreg:$0x2] =	wrdreg s3  }
0xa9: {  	[dreg:$0x3] =	wrdreg s5  }
0xaa: {  	[dreg:$0x4] =	wrdreg $0xC0  }
0xab: {  	_ =	task [dreg:s7], $0x5FFFF  }
0xac: {  	[dreg:$0x1] =	wrdreg $0xFFFFFFFF  }
0xad: {  	[dreg:$0x0] =	wrdreg $0x60  }
0xae: {  	[dreg:$0x2] =	wrdreg s2  }
0xaf: {  	[dreg:$0x3] =	wrdreg s24  }
0xb0: {  	[dreg:$0x4] =	wrdreg $0x9  }
0xb1: {  	_ =	task.clear_ibuf [dreg:s7], $0x5FFFF;
	_ =	strace $0x90000049  }
0xb2: {  	s29 =	simm.s32 $0x9;
	_ =	strace $0x8000004B  }
0xb3: {  	_ =	swait.ge [sflag:s29], $0x1  }
0xb4: {  	[sflag:s29] =	ssyncadd.s32 $0xFFFFFFFF  }
0xb5: {  	_ =	strace $0x9000004B  }
0xb6: {  	_ =	sfence  }
0xb7: {  	s30 =	sld [smem:$0x0];
	_ =	sdelay $0x2  }
0xb8: {  	s31 =	sshll.u32 s1, $0xD;
	s1 =	sshrl.u32 s1, $0x2  }
0xb9: {  	s3 =	sand.u32 $0x4000, s31;
	s1 =	sadd.s32 s1, s30  }
0xba: {  	s0 =	sor.u32 s3, s0;
	s1 =	sshll.u32 s1, $0x11  }
0xbb: {  	s0 =	sor.u32 s1, s0  }
0xbc: {  	s0 =	sadd.s32 $0x8F2B, s0  }
0xbd: {  	[sflag:s0] =	ssyncadd.remote.s32 $0x1  }
0xbe: {  	_ =	sfence.sel $0xFFFF  }
0xbf: {  	[dreg:$0x0] =	wrdreg $0xFFFFFFFF;
	(pc) =	sbr.abs _section_cstart, $3  }
0xc0: {  	[dreg:$0x1] =	wrdreg $0xFFFFFFFF  }
0xc1: {  	_ =	task.clear_ibuf [dreg:s7], $0x2FFFF;
	_ =	strace $0x9FFFFFFF  }
0xc2: {  	(tm) =	ssettm $0x7FFFFFFF  }
0xc3: {  	_ =	shalt  }
tec
execute0_lowered:
.L_overlay_start_1:
0x0: {  	(tag) =	ssettag $0x1  }
0x1: {  	s0 =	stileid.u32  }
0x2: {  	s1 =	srdreg.scid;
	s4 =	rddreg [dreg:$0x0]  }
0x3: {  	s6 =	rddreg [dreg:$0x1];
	s24 =	smul.u32 $0x2EE00, s0  }
0x4: {  	s3 =	sadd.s32 $0xFFFFFFFE, s0;
	s7 =	sand.u32 $0x1, s1;
	s28 =	smul.u32 $0x25280, s0  }
0x5: {  	s1 =	rddreg [dreg:$0x2];
	s18 =	sadd.s32 $0x17A200, s6;
	s2 =	smulhi.u32 $0x24924925, s3  }
0x6: {  	p0 =	slt.u32 s0, $0x2;
	s5 =	sshll.u32 s7, $0x1;
	s23 =	smul.u32 $0x5DC00, s7  }
0x7: {  	s14 =	ssub.s32 $0x2, s7;
	s25 =	smul.u32 $0x208E00, s7;
	s8 =	sor.u32 s5, s0  }
0x8: {  	s19 =	sshrl.u32 s14, $0x1;
	s17 =	ssub.s32 s3, s2;
	s10 =	sor.u32 $0x4, s8  }
0x9: {  	s16 =	smul.u32 $0x10470, s8;
	s20 =	ssub.s32 s14, s19;
	s14 =	simm.s32 $0x3800  }
0xa: {  	s19 =	simm.s32 $0x0;
	s9 =	sshrl.u32 s17, $0x1;
	s11 =	smul.u32 $0x2EE0, s10  }
0xb: {  	s21 =	smul.u32 $0x2EE00, s10;
	s8 =	smax.u32 s20, $0x1;
	s9 =	sadd.s32 s2, s9  }
0xc: {  	s17 =	simm.s32 $0x19A80;
	s2 =	simm.s32 $0x0;
	s9 =	sshrl.u32 s9, $0x2  }
0xd: {  	s26 =	sadd.s32 $0x10420, s16;
	v0 =	vmov s16;
	s16 =	simm.s32 $0x9600;
	s12 =	smul.u32 $0x7, s9  }
0xe: {  	[smem:$0x7FF] =	sst s2;
	s11 =	sshrl.u32 s11, $0x3;
	s5 =	sadd.s32 s5, s9  }
0xf: {  	s13 =	sadd.s32 s11, s6;
	s5 =	smul.u32 $0x10470, s5;
	s3 =	ssub.s32 s3, s12  }
0x10: {  	s4 =	sadd.s32 s4, s11;
	s11 =	sadd.s32 s23, s18;
	s15 =	smul.u32 $0x2528, s3  }
0x11: {  	_ =	strace $0x8000004A;
	s30 =	smul.u32 $0x580, s9;
	s31 =	sadd.s32 s24, s11  }
0x12: {  	s11 =	simm.s32 $0x1;
	s9 =	sadd.s32 $0xBBE00, s31;
	s5 =	sadd.s32 s15, s5  }
.Ltmp0:
0x13: {  	s12 =	simm.s32 $0x2;
	s22 =	sshll.u32 s5, $0x4;
	(pc) =	sbr.rel .LBB2_1-.Ltmp0, $4  }
0x14: {  	s3 =	sadd.s32 $0x702E00, s6;
	s6 =	sadd.s32 s18, s21;
	s10 =	sand.u32 $0x1FFFFF80, s22  }
0x15: {  	s18 =	simm.s32 $0x60;
	s29 =	sadd.s32 s25, s3;
	s10 =	sadd.s32 s3, s10  }
0x16: {  	v2 =	vimm.f32 $0.0e+00;
	s15 =	simm.s32 $0x6700;
	s7 =	sadd.s32 $0x24C00, s10;
	s10 =	sadd.s32 s28, s29  }
0x17: {  	v3 =	vimm.s32 $0xFFFFFFFF;
	v4 =	vlaneseq.u32;
	v1 =	vmov s26;
	s5 =	sadd.s32 $0x200, s13;
	s13 =	simm.s32 $0x5;
	s10 =	sadd.s32 s30, s10  }
.LBB2_20:
0x18: {  	[hbm4b:s3+s18] =	stream.indirect.scatter [tilespmem:s29], [sflag:s25], $0x80, s26, s18, $0xb8;
	[tilespmem:$0x1FB80] =	vst v63  }
0x19: {  	_ =	swait.ge [sflag:s11], $0x3000  }
0x1a: {  	[sflag:s11] =	ssyncset.done $0x0  }
0x1b: {  	[sflag:s11] =	ssyncadd.s32 $0xFFFFD000  }
.LBB2_21:
0x1c: {  	s19 =	sadd.s32 $0x1, s19  }
0x1d: {  	p1 =	sne.s32 s19, s8  }
.Ltmp1:
0x1e: {  	_ = 	snop;
	(pc) =	sbr.rel @!p1 .LBB2_22-.Ltmp1, $1  }
0x1f: {  	_ =	sdelay $0x3  }
.LBB2_1:
.Ltmp2:
0x20: {  	(pc) =	sbr.rel @p0 .LBB2_7-.Ltmp2, $1  }
0x21: {  	_ =	sdelay $0x3  }
0x22: {  	s20 =	sshra.s32 s2, $0x2;
	s21 =	sadd.s32 $0x200, s2  }
.LBB2_3:
0x23: {  	p1 =	sne.s32 s21, $0xDE00;
	[tilespmem:s20+$0x70] =	vst v2  }
0x24: {  	[tilespmem:s20+$0x0] =	vst v2  }
0x25: {  	[tilespmem:s20+$0x10] =	vst v2  }
.Ltmp3:
0x26: {  	[tilespmem:s20+$0x20] =	vst v2;
	(pc) =	sbr.rel @p1 .LBB2_3-.Ltmp3, $4  }
0x27: {  	[tilespmem:s20+$0x30] =	vst v2  }
0x28: {  	[tilespmem:s20+$0x40] =	vst v2  }
0x29: {  	[tilespmem:s20+$0x50] =	vst v2  }
0x2a: {  	[tilespmem:s20+$0x60] =	vst v2;
	s20 =	sshra.s32 s21, $0x2;
	s21 =	sadd.s32 $0x200, s21  }
0x2b: {  	[tilespmem:s20+$0x70] =	vst v2  }
0x2c: {  	[tilespmem:s20+$0x0] =	vst v2  }
0x2d: {  	[tilespmem:s20+$0x10] =	vst v2  }
0x2e: {  	[tilespmem:s20+$0x20] =	vst v2  }
0x2f: {  	[tilespmem:s20+$0x30] =	vst v2  }
0x30: {  	[tilespmem:s20+$0x40] =	vst v2  }
0x31: {  	[tilespmem:s20+$0x50] =	vst v2;
	s21 =	sadd.s32 $0xFFFDB400, s10  }
0x32: {  	[tilespmem:s20+$0x60] =	vst v2;
	s30 =	sadd.s32 $0xFFFDA700, s21  }
0x33: {  	[hbm4b:s30+s2] =	stream.linear.scatter [tilespmem:s2], [sflag:$0x1], $0x3800, $0x38;
	[tilespmem:$0x1FB80] =	vst v63  }
0x34: {  	s31 =	sadd.s32 $0xFFFDAE00, s21  }
0x35: {  	[hbm4b:s31+s2] =	stream.linear.scatter [tilespmem:s2], [sflag:$0x2], $0x3800, $0x38;
	[tilespmem:$0x1FB80] =	vst v63  }
0x36: {  	_ =	swait.ge [sflag:s11], $0x3800  }
0x37: {  	[sflag:s11] =	ssyncset.done $0x0  }
0x38: {  	[sflag:s11] =	ssyncadd.s32 $0xFFFFC800  }
0x39: {  	_ =	swait.ge [sflag:s12], $0x3800  }
0x3a: {  	s20 =	sadd.s32 $0xFFFDC200, s10;
	s21 =	simm.s32 $0xFFFDD000;
	[sflag:s12] =	ssyncset.done $0x0  }
.LBB2_5:
0x3b: {  	s22 =	sadd.s32 $0xFFFDA700, s20  }
0x3c: {  	[sflag:s12] =	ssyncadd.s32 $0xFFFFC800;
	s23 =	smov.u32 s21;
	s24 =	sadd.s32 $0xE00, s21  }
0x3d: {  	[hbm4b:s22+s2] =	stream.linear.scatter [tilespmem:s2], [sflag:$0x1], $0x3800, $0x38;
	[tilespmem:$0x1FB80] =	vst v63  }
0x3e: {  	p1 =	sne.s32 s21, $0xFFFFF200;
	s20 =	sadd.s32 $0xFFFDAE00, s20  }
0x3f: {  	[hbm4b:s20+s2] =	stream.linear.scatter [tilespmem:s2], [sflag:$0x2], $0x3800, $0x38;
	[tilespmem:$0x1FB80] =	vst v63  }
.Ltmp4:
0x40: {  	_ =	swait.ge [sflag:s11], $0x3800;
	(pc) =	sbr.rel @p1 .LBB2_5-.Ltmp4, $4  }
0x41: {  	[sflag:s11] =	ssyncset.done $0x0  }
0x42: {  	[sflag:s11] =	ssyncadd.s32 $0xFFFFC800  }
0x43: {  	_ =	swait.ge [sflag:s12], $0x3800  }
0x44: {  	s21 =	smov.u32 s24;
	s20 =	sadd.s32 s23, s10;
	[sflag:s12] =	ssyncset.done $0x0  }
0x45: {  	s21 =	sadd.s32 $0xFFFDA700, s20;
	[sflag:s12] =	ssyncadd.s32 $0xFFFFC800  }
0x46: {  	[hbm4b:s21+s2] =	stream.linear.scatter [tilespmem:s2], [sflag:$0x1], $0x3800, $0x38;
	[tilespmem:$0x1FB80] =	vst v63  }
0x47: {  	s31 =	sadd.s32 $0xFFFDAE00, s20  }
0x48: {  	[hbm4b:s31+s2] =	stream.linear.scatter [tilespmem:s2], [sflag:$0x2], $0x3800, $0x38;
	[tilespmem:$0x1FB80] =	vst v63  }
0x49: {  	_ =	swait.ge [sflag:s11], $0x3800  }
0x4a: {  	[sflag:s11] =	ssyncset.done $0x0  }
0x4b: {  	[sflag:s11] =	ssyncadd.s32 $0xFFFFC800  }
0x4c: {  	_ =	swait.ge [sflag:s12], $0x3800  }
0x4d: {  	[sflag:s12] =	ssyncset.done $0x0  }
0x4e: {  	[sflag:s12] =	ssyncadd.s32 $0xFFFFC800  }
0x4f: {  	[hbm4b:s7+s2] =	stream.linear.scatter [tilespmem:s2], [sflag:$0x5], $0x3400, $0x38;
	[tilespmem:$0x1FB80] =	vst v63  }
.Ltmp5:
0x50: {  	_ =	swait.ge [sflag:s13], $0x3400;
	(pc) =	sbr.rel .LBB2_21-.Ltmp5, $3  }
0x51: {  	[sflag:s13] =	ssyncset.done $0x0  }
0x52: {  	[sflag:s13] =	ssyncadd.s32 $0xFFFFCC00  }
0x53: {  	[bflag:$0x0] =	sbarrier.arrive $0xFFFF;
	_ =	sdelay $0x1  }
.LBB2_7:
0x54: {  	s22 =	simm.s32 $0x0  }
0x55: {  	[tilespmem:s14], [sflag:$0x5] =	stream.linear.gather [hbm4b:s4+s22], $0x2EE0, $0x38;
	[tilespmem:$0x1FB80] =	vst v63  }
0x56: {  	_ =	swait.ge [sflag:s13], $0x2EE0  }
0x57: {  	[sflag:s13] =	ssyncset.done $0x0  }
0x58: {  	[sflag:s13] =	ssyncadd.s32 $0xFFFFD120  }
0x59: {  	[tilespmem:s15], [sflag:$0x5] =	stream.linear.gather [hbm4b:s5+s22], $0x2EE0, $0x38;
	[tilespmem:$0x1FB80] =	vst v63  }
0x5a: {  	_ =	swait.ge [sflag:s13], $0x2EE0  }
0x5b: {  	[sflag:s13] =	ssyncset.done $0x0  }
0x5c: {  	s21 =	simm.s32 $0x40;
	s23 =	simm.s32 $0x0;
	[sflag:s13] =	ssyncadd.s32 $0xFFFFD120  }
.LBB2_8:
0x5d: {  	p1 =	sne.s32 s21, $0x41000;
	[tilespmem:s23+$0x9600] =	vst v3;
	s20 =	smov.u32 s21;
	s21 =	sadd.s32 $0x40, s21  }
.Ltmp6:
0x5e: {  	(pc) =	sbr.rel @p1 .LBB2_8-.Ltmp6, $2  }
0x5f: {  	_ =	sdelay $0x2  }
0x60: {  	s23 =	sshra.s32 s20, $0x2;
	s20 =	simm.s32 $0x6700  }
0x61: {  	[tilespmem:s23+$0x9600] =	vst v3;
	s21 =	simm.s32 $0x3800  }
0x62: {  	v5 =	vld [tilespmem:s21+$0x0];
	_ =	sdelay $0x1  }
0x63: {  	v6 =	vld [tilespmem:s20+$0x0];
	_ =	sdelay $0x2  }
0x64: {  	v7 =	vmul.u32 $0x102, v5;
	_ =	sdelay $0x1  }
0x65: {  	v5 =	vor.u32 v5, v6;
	v6 =	vadd.s32 v7, v6  }
0x66: {  	vm0 =	vlt.u32 v5, $0x100;
	v5 =	vadd.s32 $0x103, v6  }
0x67: {  	v5 =	vnsel vm0, $0x10408, v5;
	_ =	sdelay $0x3  }
0x68: {  	v6 =	vor.u32 s22, v4  }
0x69: {  	s23 =	simm.s32 $0x3810;
	[tilespmem:v5+s16+$0x0] =	vst.idx.msk $0xffff, v6  }
0x6a: {  	s25 =	simm.s32 $0x20;
	s24 =	simm.s32 $0x6700;
	s22 =	simm.s32 $0x10;
	v5 =	vld [tilespmem:s23+$0x0]  }
.LBB2_10:
0x6b: {  	p1 =	sne.s32 s25, $0x2ED0;
	s24 =	sadd.s32 $0x10, s24  }
0x6c: {  	v6 =	vld [tilespmem:s24+$0x0];
	_ =	sdelay $0x2  }
0x6d: {  	v7 =	vmul.u32 $0x102, v5;
	_ =	sdelay $0x1  }
0x6e: {  	v5 =	vor.u32 v5, v6;
	v6 =	vadd.s32 v7, v6  }
0x6f: {  	vm0 =	vlt.u32 v5, $0x100;
	v5 =	vadd.s32 $0x103, v6  }
0x70: {  	v5 =	vnsel vm0, $0x10408, v5;
	_ =	sdelay $0x1  }
.Ltmp7:
0x71: {  	(pc) =	sbr.rel @p1 .LBB2_10-.Ltmp7, $4  }
0x72: {  	_ = 	snop  }
0x73: {  	v6 =	vor.u32 s22, v4;
	s22 =	smov.u32 s25  }
0x74: {  	s23 =	sadd.s32 $0x10, s23;
	[tilespmem:v5+s16+$0x0] =	vst.idx.msk $0xffff, v6  }
0x75: {  	s25 =	sadd.s32 $0x10, s25;
	v5 =	vld [tilespmem:s23+$0x0]  }
0x76: {  	s23 =	sadd.s32 $0x10, s24  }
0x77: {  	v6 =	vld [tilespmem:s23+$0x0];
	_ =	sdelay $0x2  }
0x78: {  	v7 =	vmul.u32 $0x102, v5;
	_ =	sdelay $0x1  }
0x79: {  	v5 =	vor.u32 v5, v6;
	v6 =	vadd.s32 v7, v6  }
0x7a: {  	vm0 =	vlt.u32 v5, $0x100;
	v5 =	vadd.s32 $0x103, v6  }
0x7b: {  	v5 =	vnsel vm0, $0x10408, v5;
	_ =	sdelay $0x3  }
0x7c: {  	v6 =	vor.u32 s22, v4  }
0x7d: {  	s25 =	simm.s32 $0x0;
	s23 =	simm.s32 $0x0;
	[tilespmem:v5+s16+$0x0] =	vst.idx.msk $0xffff, v6  }
.LBB2_12:
0x7e: {  	v5 =	vld [tilespmem:s21+$0x0];
	_ =	sdelay $0x1  }
0x7f: {  	v6 =	vld [tilespmem:s20+$0x0];
	_ =	sdelay $0x2  }
0x80: {  	v7 =	vmul.u32 $0x102, v5;
	_ =	sdelay $0x1  }
0x81: {  	v5 =	vor.u32 v5, v6;
	v6 =	vadd.s32 v7, v6  }
0x82: {  	vm0 =	vlt.u32 v5, $0x100;
	v5 =	vadd.s32 $0x103, v6  }
0x83: {  	v5 =	vnsel vm0, $0x10408, v5;
	_ =	sdelay $0x4  }
0x84: {  	v6 =	vld.idx.msk [tilespmem:v5+s16+$0x0], $0xffff;
	_ =	sdelay $0x3  }
0x85: {  	v7 =	vor.u32 s25, v4  }
0x86: {  	vm15 =	vgt.s32 v7, v6  }
0x87: {  	p1 =	sne.s32 s25, $0x2ED0  }
.Ltmp8:
0x88: {  	_ = 	snop;
	(pc) =	sbr.rel @p1 .LBB2_12-.Ltmp8, $3  }
0x89: {  	_ =	sdelay $0x1  }
0x8a: {  	s21 =	sadd.s32 $0x10, s21;
	s20 =	sadd.s32 $0x10, s20  }
0x8b: {  	s22 =	simm.s32 $0x3800;
	s24 =	simm.s32 $0x6700;
	s25 =	sadd.s32 $0x10, s25;
	[tilespmem:v5+s16+$0x0] =	vst.idx.msk vm15, v7  }
0x8c: {  	s20 =	simm.s32 $0x6700;
	s21 =	simm.s32 $0x3800  }
.LBB2_14:
0x8d: {  	v5 =	vld [tilespmem:s21+$0x0];
	_ =	sdelay $0x1  }
0x8e: {  	v6 =	vld [tilespmem:s20+$0x0];
	_ =	sdelay $0x2  }
0x8f: {  	v7 =	vmul.u32 $0x102, v5;
	_ =	sdelay $0x1  }
0x90: {  	v5 =	vor.u32 v5, v6;
	v6 =	vadd.s32 v7, v6  }
0x91: {  	vm0 =	vlt.u32 v5, $0x100;
	v5 =	vadd.s32 $0x103, v6  }
0x92: {  	v5 =	vnsel vm0, $0x10408, v5;
	_ =	sdelay $0x4  }
0x93: {  	v6 =	vld.idx.msk [tilespmem:v5+s16+$0x0], $0xffff;
	_ =	sdelay $0x3  }
0x94: {  	v7 =	vor.u32 s23, v4  }
0x95: {  	vm15 =	vgt.s32 v7, v6  }
0x96: {  	p1 =	sne.s32 s23, $0x2ED0  }
.Ltmp9:
0x97: {  	_ = 	snop;
	(pc) =	sbr.rel @p1 .LBB2_14-.Ltmp9, $2  }
0x98: {  	_ =	sdelay $0x2  }
0x99: {  	s21 =	sadd.s32 $0x10, s21;
	s20 =	sadd.s32 $0x10, s20;
	s23 =	sadd.s32 $0x10, s23;
	[tilespmem:v5+s16+$0x0] =	vst.idx.msk vm15, v7  }
0x9a: {  	s20 =	simm.s32 $0x0  }
.LBB2_16:
0x9b: {  	v5 =	vld [tilespmem:s22+$0x0];
	_ =	sdelay $0x1  }
0x9c: {  	v6 =	vld [tilespmem:s24+$0x0];
	_ =	sdelay $0x2  }
0x9d: {  	v7 =	vmul.u32 $0x102, v5;
	_ =	sdelay $0x1  }
0x9e: {  	v5 =	vor.u32 v5, v6;
	v6 =	vadd.s32 v7, v6  }
0x9f: {  	vm0 =	vlt.u32 v5, $0x100;
	v5 =	vadd.s32 $0x103, v6  }
0xa0: {  	v5 =	vnsel vm0, $0x10408, v5;
	_ =	sdelay $0x4  }
0xa1: {  	v6 =	vld.idx.msk [tilespmem:v5+s16+$0x0], $0xffff;
	_ =	sdelay $0x3  }
0xa2: {  	v7 =	vor.u32 s20, v4  }
0xa3: {  	vm15 =	vgt.s32 v7, v6  }
0xa4: {  	p1 =	sne.s32 s20, $0x2ED0  }
.Ltmp10:
0xa5: {  	_ = 	snop;
	(pc) =	sbr.rel @p1 .LBB2_16-.Ltmp10, $2  }
0xa6: {  	_ =	sdelay $0x2  }
0xa7: {  	s22 =	sadd.s32 $0x10, s22;
	s24 =	sadd.s32 $0x10, s24;
	s20 =	sadd.s32 $0x10, s20;
	[tilespmem:v5+s16+$0x0] =	vst.idx.msk vm15, v7  }
0xa8: {  	[bflag:$0x0] =	sbarrier.arrive $0xFFFF;
	s20 =	simm.s32 $0x0;
	s21 =	simm.s32 $0x50  }
0xa9: {  	s22 =	simm.s32 $0x6730;
	s23 =	simm.s32 $0x3830;
	s24 =	smov.u32 s9  }
0xaa: {  	[tilespmem:s17], [sflag:$0x3] =	stream.linear.gather [hbm4b:s6+s20], $0x3000, $0x38;
	[tilespmem:$0x1FB80] =	vst v63  }
.LBB2_18:
0xab: {  	s25 =	sand.u32 $0x1, s20  }
0xac: {  	s26 =	sadd.s32 $0x3, s25  }
0xad: {  	_ =	swait.ge [sflag:s26], $0x3000  }
0xae: {  	[sflag:s26] =	ssyncset.done $0x0  }
0xaf: {  	[sflag:s26] =	ssyncadd.s32 $0xFFFFD000  }
0xb0: {  	v5 =	vld [tilespmem:s23+$0xFFFFFFD0];
	_ =	sdelay $0x1  }
0xb1: {  	v6 =	vld [tilespmem:s22+$0xFFFFFFD0];
	_ =	sdelay $0x2  }
0xb2: {  	v7 =	vmul.u32 $0x102, v5;
	_ =	sdelay $0x1  }
0xb3: {  	v5 =	vor.u32 v5, v6;
	v6 =	vadd.s32 v7, v6  }
0xb4: {  	vm0 =	vlt.u32 v5, $0x100;
	v5 =	vadd.s32 $0x103, v6  }
0xb5: {  	v5 =	vnsel vm0, $0x10408, v5;
	_ =	sdelay $0x4  }
0xb6: {  	v6 =	vld.idx.msk [tilespmem:v5+s16+$0x0], $0xffff;
	_ =	sdelay $0x2  }
0xb7: {  	s30 =	sadd.s32 $0xFFFFFFB0, s21  }
0xb8: {  	v7 =	vor.u32 s30, v4  }
0xb9: {  	vm1 =	veq.s32 v6, v7;
	v6 =	vand.u32 $0x2F, v7  }
0xba: {  	v5 =	vadd.s32 v0, v5;
	vm0 =	vmand vm0, vm1;
	v6 =	vadd.s32 v1, v6  }
0xbb: {  	s31 =	sshll.u32 s25, $0x7;
	v5 =	vsel vm0, v5, v6  }
0xbc: {  	[tilespmem:s31+$0x1FA80] =	vst v5  }
0xbd: {  	v5 =	vld [tilespmem:s23+$0xFFFFFFE0];
	_ =	sdelay $0x1  }
0xbe: {  	v6 =	vld [tilespmem:s22+$0xFFFFFFE0];
	_ =	sdelay $0x2  }
0xbf: {  	v7 =	vmul.u32 $0x102, v5;
	_ =	sdelay $0x1  }
0xc0: {  	v5 =	vor.u32 v5, v6;
	v6 =	vadd.s32 v7, v6  }
0xc1: {  	vm6 =	vlt.u32 v5, $0x100;
	v5 =	vadd.s32 $0x103, v6  }
0xc2: {  	v5 =	vnsel vm6, $0x10408, v5;
	_ =	sdelay $0x4  }
0xc3: {  	v6 =	vld.idx.msk [tilespmem:v5+s16+$0x0], $0xffff;
	_ =	sdelay $0x2  }
0xc4: {  	s28 =	sadd.s32 $0xFFFFFFC0, s21  }
0xc5: {  	v7 =	vor.u32 s28, v4  }
0xc6: {  	vm7 =	veq.s32 v6, v7;
	v6 =	vand.u32 $0x3F, v7  }
0xc7: {  	v5 =	vadd.s32 v0, v5;
	vm0 =	vmand vm6, vm7;
	v6 =	vadd.s32 v1, v6  }
0xc8: {  	v5 =	vsel vm0, v5, v6  }
0xc9: {  	[tilespmem:s31+$0x1FA90] =	vst v5  }
0xca: {  	v5 =	vld [tilespmem:s23+$0xFFFFFFF0];
	_ =	sdelay $0x1  }
0xcb: {  	v6 =	vld [tilespmem:s22+$0xFFFFFFF0];
	_ =	sdelay $0x2  }
0xcc: {  	v7 =	vmul.u32 $0x102, v5;
	_ =	sdelay $0x1  }
0xcd: {  	v5 =	vor.u32 v5, v6;
	v6 =	vadd.s32 v7, v6  }
0xce: {  	vm8 =	vlt.u32 v5, $0x100;
	v5 =	vadd.s32 $0x103, v6  }
0xcf: {  	v5 =	vnsel vm8, $0x10408, v5;
	_ =	sdelay $0x4  }
0xd0: {  	v6 =	vld.idx.msk [tilespmem:v5+s16+$0x0], $0xffff;
	_ =	sdelay $0x2  }
0xd1: {  	s28 =	sadd.s32 $0xFFFFFFD0, s21  }
0xd2: {  	v7 =	vor.u32 s28, v4  }
0xd3: {  	vm9 =	veq.s32 v6, v7;
	v6 =	vand.u32 $0x2F, v7  }
0xd4: {  	v5 =	vadd.s32 v0, v5;
	vm0 =	vmand vm8, vm9;
	v6 =	vadd.s32 v1, v6  }
0xd5: {  	v5 =	vsel vm0, v5, v6  }
0xd6: {  	[tilespmem:s31+$0x1FAA0] =	vst v5  }
0xd7: {  	v5 =	vld [tilespmem:s23+$0x0];
	_ =	sdelay $0x1  }
0xd8: {  	v6 =	vld [tilespmem:s22+$0x0];
	_ =	sdelay $0x2  }
0xd9: {  	v7 =	vmul.u32 $0x102, v5;
	_ =	sdelay $0x1  }
0xda: {  	v5 =	vor.u32 v5, v6;
	v6 =	vadd.s32 v7, v6  }
0xdb: {  	vm10 =	vlt.u32 v5, $0x100;
	v5 =	vadd.s32 $0x103, v6  }
0xdc: {  	v5 =	vnsel vm10, $0x10408, v5;
	_ =	sdelay $0x4  }
0xdd: {  	v6 =	vld.idx.msk [tilespmem:v5+s16+$0x0], $0xffff;
	_ =	sdelay $0x2  }
0xde: {  	s28 =	sadd.s32 $0xFFFFFFE0, s21  }
0xdf: {  	v7 =	vor.u32 s28, v4  }
0xe0: {  	vm11 =	veq.s32 v6, v7;
	v6 =	vand.u32 $0x3F, v7  }
0xe1: {  	v5 =	vadd.s32 v0, v5;
	vm0 =	vmand vm10, vm11;
	v6 =	vadd.s32 v1, v6  }
0xe2: {  	v5 =	vsel vm0, v5, v6  }
0xe3: {  	[tilespmem:s31+$0x1FAB0] =	vst v5  }
0xe4: {  	v5 =	vld [tilespmem:s23+$0x10];
	_ =	sdelay $0x1  }
0xe5: {  	v6 =	vld [tilespmem:s22+$0x10];
	_ =	sdelay $0x2  }
0xe6: {  	v7 =	vmul.u32 $0x102, v5;
	_ =	sdelay $0x1  }
0xe7: {  	v5 =	vor.u32 v5, v6;
	v6 =	vadd.s32 v7, v6  }
0xe8: {  	vm12 =	vlt.u32 v5, $0x100;
	v5 =	vadd.s32 $0x103, v6  }
0xe9: {  	v5 =	vnsel vm12, $0x10408, v5;
	_ =	sdelay $0x4  }
0xea: {  	v6 =	vld.idx.msk [tilespmem:v5+s16+$0x0], $0xffff;
	_ =	sdelay $0x2  }
0xeb: {  	s28 =	sadd.s32 $0xFFFFFFF0, s21  }
0xec: {  	v7 =	vor.u32 s28, v4  }
0xed: {  	vm13 =	veq.s32 v6, v7;
	v6 =	vand.u32 $0x2F, v7  }
0xee: {  	v5 =	vadd.s32 v0, v5;
	vm0 =	vmand vm12, vm13;
	v6 =	vadd.s32 v1, v6  }
0xef: {  	v5 =	vsel vm0, v5, v6  }
0xf0: {  	[tilespmem:s31+$0x1FAC0] =	vst v5  }
0xf1: {  	v5 =	vld [tilespmem:s23+$0x20];
	_ =	sdelay $0x1  }
0xf2: {  	v6 =	vld [tilespmem:s22+$0x20];
	_ =	sdelay $0x2  }
0xf3: {  	v7 =	vmul.u32 $0x102, v5;
	_ =	sdelay $0x1  }
0xf4: {  	v5 =	vor.u32 v5, v6;
	v6 =	vadd.s32 v7, v6  }
0xf5: {  	vm14 =	vlt.u32 v5, $0x100;
	v5 =	vadd.s32 $0x103, v6  }
0xf6: {  	v5 =	vnsel vm14, $0x10408, v5;
	_ =	sdelay $0x4  }
0xf7: {  	v6 =	vld.idx.msk [tilespmem:v5+s16+$0x0], $0xffff;
	_ =	sdelay $0x3  }
0xf8: {  	p1 =	seq.s32 s20, $0x0;
	v7 =	vor.u32 s21, v4  }
0xf9: {  	p2 =	seq.s32 @!p1 s20, $0x7C;
	vm15 =	veq.s32 v6, v7;
	v6 =	vand.u32 $0x3F, v7  }
0xfa: {  	s29 =	smul.u32 $0xC000, s25;
	p2 =	por p1, !p2;
	v5 =	vadd.s32 v0, v5;
	vm0 =	vmand vm14, vm15;
	v6 =	vadd.s32 v1, v6  }
.Ltmp11:
0xfb: {  	s28 =	sxor.u32 $0x1, s25;
	v5 =	vsel vm0, v5, v6;
	(pc) =	sbr.rel @!p2 .LBB2_20-.Ltmp11, $4  }
0xfc: {  	s30 =	sadd.s32 @!p1 $0x1, s28;
	[tilespmem:s31+$0x1FAD0] =	vst v5  }
0xfd: {  	s29 =	sshrl.u32 s29, $0x2;
	_ =	swait.ge @!p1 [sflag:s30], $0x3000  }
0xfe: {  	s29 =	sadd.s32 $0x19A80, s29;
	[sflag:s30] =	ssyncset.done @!p1 $0x0  }
0xff: {  	s26 =	sadd.s32 $0x1FA80, s31;
	s25 =	sadd.s32 $0x1, s25;
	[sflag:s30] =	ssyncadd.s32 @!p1 $0xFFFFD000  }
0x100: {  	s30 =	smul.u32 $0xC000, s28;
	_ =	sdelay $0x1  }
.Ltmp12:
0x101: {  	s31 =	sadd.s32 $0x3, s28;
	s30 =	sshrl.u32 s30, $0x2;
	(pc) =	sbr.rel .LBB2_18-.Ltmp12, $4  }
0x102: {  	s20 =	sadd.s32 $0x1, s20;
	s21 =	sadd.s32 $0x60, s21;
	s30 =	sadd.s32 $0x19A80, s30  }
0x103: {  	[tilespmem:s30], [sflag:s31] =	stream.linear.gather [hbm4b:s24+s2], $0x3000, $0x38;
	[tilespmem:$0x1FB80] =	vst v63  }
0x104: {  	s22 =	sadd.s32 $0x60, s22;
	s23 =	sadd.s32 $0x60, s23;
	s24 =	sadd.s32 $0x600, s24  }
0x105: {  	[hbm4b:s3+s18] =	stream.indirect.scatter [tilespmem:s29], [sflag:s25], $0x80, s26, s18, $0xb8;
	[tilespmem:$0x1FB80] =	vst v63  }
.LBB2_22:
0x106: {  	_ =	sfence.sel $0x180000  }
0x107: {  	[bflag:$0x0] =	sbarrier.arrive $0xFFFF  }
0x108: {  	p0 =	sne.s32 s0, $0x0;
	_ =	strace $0x9000004A  }
0x109: {  	s0 =	sadd.s32 @!p0 $0x100000, s1;
	[bflag:$0x2] =	sbarrier.arrive $0xFFFF  }
0x10a: {  	[sflag:s0] =	ssyncadd.tile.s32 @!p0 $0x1;
	_ =	shalt  }
.Lfunc_end2:
_tile_overlayer_lowered:
.L_overlay_start_2:
0x10b: {  	(tag) =	ssettag $0x2  }
0x10c: {  	s0 =	rddreg [dreg:$0x0];
	s2 =	stileid.u32  }
0x10d: {  	s1 =	rddreg [dreg:$0x1];
	p0 =	sne.s32 s2, $0x0  }
0x10e: {  	s3 =	rddreg [dreg:$0x2];
	[bflag:$0x3] =	sbarrier.arrive $0xFFFF;
	s2 =	simm.s32 @!p0 $0x1C05  }
0x10f: {  	[timem:s3], [sflag:s2] =	dma.local @!p0 [hbm:s0], s1  }
0x110: {  	s0 =	simm.s32 @!p0 $0x5  }
0x111: {  	_ =	swait.ge @!p0 [sflag:s0], s1  }
0x112: {  	s1 =	ssub.s32 @!p0 $0x0, s1;
	[sflag:s0] =	ssyncset.done @!p0 $0x0  }
0x113: {  	[sflag:s0] =	ssyncadd.s32 @!p0 s1  }
0x114: {  	[bflag:$0x3] =	sbarrier.arrive $0xFFFF  }
0x115: {  	_ =	shalt  }

</sc_bundles>
